<compile_context>
chip_gen: v7x
topology: tpu7x:2x2x1
jax: 0.10.2.dev20260603
libtpu: 0.0.44.dev20260713+nightly
codegen_flags: <defaults>
</compile_context>

<pallas_src>
import functools

import jax
import jax.numpy as jnp
from jax import lax
from jax.experimental import pallas as pl
from jax.experimental.pallas import tpu as pltpu
from jax.experimental.pallas import tpu_sc as plsc

_REG = 0.1
_NUM_ITER = 8
_STOP_THR = 1e-6

_NC = 2
_NSUB = 16
_NW = _NC * _NSUB
_CHUNK = 128
_NSUBCH = 4

_HI = jax.lax.Precision.HIGHEST


def _sc_segsum2(xa, srca, dsta, xb, srcb, dstb):
    na, d = xa.shape
    nb = xb.shape[0]
    nmax = max(na, nb)
    nbufs = 2
    n_sub = _NSUBCH

    mesh = plsc.VectorSubcoreMesh(core_axis_name="c", subcore_axis_name="s",
                                  num_cores=_NC, num_subcores=_NSUB)

    def body(xa_hbm, srca_hbm, dsta_hbm, xb_hbm, srcb_hbm, dstb_hbm,
             zeros_a_hbm, zeros_b_hbm, outa_hbm, outb_hbm,
             idx_s_v, idx_d_v, rows0_v, rows1_v, rows2_v,
             acc_sh, gsem, ssem):
        rows_bufs = (rows0_v, rows1_v, rows2_v)
        c = lax.axis_index("c")
        s = lax.axis_index("s")

        def phase(x_hbm, src_hbm, dst_hbm, zeros_hbm, out_hbm, n, e):
            rpt = n // _NSUB
            epw = e // _NW
            r0 = s * rpt
            pltpu.sync_copy(zeros_hbm, acc_sh.at[pl.ds(r0, rpt)])
            plsc.subcore_barrier()

            w = c * _NSUB + s
            n_outer = epw // (n_sub * _CHUNK)
            row_base = w * (epw // _CHUNK)

            def outer(j, carry):
                rb = row_base + j * n_sub
                pltpu.sync_copy(src_hbm.at[pl.ds(rb, n_sub)], idx_s_v)
                pltpu.sync_copy(dst_hbm.at[pl.ds(rb, n_sub)], idx_d_v)
                gd = [None] * n_sub
                sd = [None] * n_sub
                for k in range(min(nbufs - 1, n_sub)):
                    gd[k] = pltpu.async_copy(x_hbm.at[idx_s_v.at[k]],
                                             rows_bufs[k % nbufs], gsem)
                for k in range(n_sub):
                    buf = rows_bufs[k % nbufs]
                    gd[k].wait()
                    sd[k] = pltpu.async_copy(buf, acc_sh.at[idx_d_v.at[k]],
                                             ssem, add=True)
                    kn = k + nbufs - 1
                    if kn < n_sub:
                        if kn - nbufs >= 0:
                            sd[kn - nbufs].wait()
                        gd[kn] = pltpu.async_copy(
                            x_hbm.at[idx_s_v.at[kn]],
                            rows_bufs[kn % nbufs], gsem)
                for k in range(max(0, n_sub - nbufs), n_sub):
                    if sd[k] is not None:
                        sd[k].wait()
                return carry

            lax.fori_loop(0, n_outer, outer, 0)
            plsc.subcore_barrier()
            pltpu.sync_copy(acc_sh.at[pl.ds(r0, rpt)],
                            out_hbm.at[pl.ds(c * n + r0, rpt)])
            plsc.subcore_barrier()

        ea = srca_hbm.shape[0] * _CHUNK
        eb = srcb_hbm.shape[0] * _CHUNK
        phase(xa_hbm, srca_hbm, dsta_hbm, zeros_a_hbm, outa_hbm, na, ea)
        phase(xb_hbm, srcb_hbm, dstb_hbm, zeros_b_hbm, outb_hbm, nb, eb)

    kfn = pl.kernel(
        body,
        out_type=(jax.ShapeDtypeStruct((2 * na, d), jnp.float32),
                  jax.ShapeDtypeStruct((2 * nb, d), jnp.float32)),
        mesh=mesh,
        scratch_types=[
            pltpu.VMEM((_NSUBCH, _CHUNK), jnp.int32),
            pltpu.VMEM((_NSUBCH, _CHUNK), jnp.int32),
            pltpu.VMEM((_CHUNK, d), jnp.float32),
            pltpu.VMEM((_CHUNK, d), jnp.float32),
            pltpu.VMEM((_CHUNK, d), jnp.float32),
            pltpu.VMEM_SHARED((nmax, d), jnp.float32),
            pltpu.SemaphoreType.DMA,
            pltpu.SemaphoreType.DMA,
        ],
    )
    zeros_a = jnp.zeros((na // _NSUB, d), jnp.float32)
    zeros_b = jnp.zeros((nb // _NSUB, d), jnp.float32)
    outa, outb = kfn(xa, srca, dsta, xb, srcb, dstb, zeros_a, zeros_b)
    return outa.reshape(2, na, d), outb.reshape(2, nb, d)


def _tc_h1(xg, parts, w_rel, b_rel, w_root, blk):
    N, din = xg.shape
    da = parts.shape[2]
    h = w_rel.shape[1]
    grid = N // blk

    def body(x_ref, p_ref, wrel_ref, brel_ref, wroot_ref, out_ref):
        agg = p_ref[0] + p_ref[1]
        acc = lax.dot_general(agg, wrel_ref[...], (((1,), (0,)), ((), ())),
                              precision=_HI, preferred_element_type=jnp.float32)
        acc = acc + lax.dot_general(x_ref[...], wroot_ref[...],
                                    (((1,), (0,)), ((), ())),
                                    precision=_HI,
                                    preferred_element_type=jnp.float32)
        out_ref[...] = jnp.maximum(acc + brel_ref[...], 0.0)

    return pl.pallas_call(
        body,
        grid=(grid,),
        in_specs=[
            pl.BlockSpec((blk, din), lambda p: (p, 0)),
            pl.BlockSpec((2, blk, da), lambda p: (0, p, 0)),
            pl.BlockSpec((da, h), lambda p: (0, 0)),
            pl.BlockSpec((1, h), lambda p: (0, 0)),
            pl.BlockSpec((din, h), lambda p: (0, 0)),
        ],
        out_specs=pl.BlockSpec((blk, h), lambda p: (p, 0)),
        out_shape=jax.ShapeDtypeStruct((N, h), jnp.float32),
    )(xg, parts, w_rel, b_rel.reshape(1, h), w_root)


def _mm(a, b):
    return lax.dot_general(a, b, (((1,), (0,)), ((), ())),
                           precision=_HI, preferred_element_type=jnp.float32)


def _pair_kernel(ns, nt, din, h, de, npairs):
    def body(xs_ref, h1s_ref, a2s_ref, xt_ref, h1t_ref, a2t_ref,
             wrel2_ref, brel2_ref, wroot2_ref,
             wex_ref, weh1_ref, weh2_ref, bemb_ref, virt_ref,
             m_ref, err_ref, g1_ref, g8_ref):
        brel2 = brel2_ref[...]
        bemb = bemb_ref[...]

        def embed(x, h1, aggp):
            agg = aggp[0] + aggp[1]
            h2 = jnp.maximum(
                _mm(agg, wrel2_ref[...]) + brel2 + _mm(h1, wroot2_ref[...]),
                0.0)
            pre = (_mm(x, wex_ref[...]) + _mm(h1, weh1_ref[...])
                   + _mm(h2, weh2_ref[...]) + bemb)
            nrm = jnp.sqrt(jnp.sum(pre * pre, axis=1, keepdims=True))
            return pre / jnp.maximum(nrm, 1e-12)

        es = embed(xs_ref[...], h1s_ref[...], a2s_ref[...])
        et = embed(xt_ref[...], h1t_ref[...], a2t_ref[...])
        virt = virt_ref[...]
        vn = virt / jnp.maximum(
            jnp.sqrt(jnp.sum(virt * virt, axis=1, keepdims=True)), 1e-12)

        a2 = jnp.sum(es * es, axis=1, keepdims=True)
        b2 = jnp.sum(et * et, axis=1)
        g = lax.dot_general(es, et, (((1,), (1,)), ((), ())),
                            precision=_HI, preferred_element_type=jnp.float32)
        d2 = a2 + b2[None, :] - 2.0 * g
        c_real = jnp.sqrt(jnp.clip(d2, 1e-12, None))
        gv = lax.dot_general(es, vn, (((1,), (1,)), ((), ())),
                             precision=_HI, preferred_element_type=jnp.float32)
        d2v = a2 + jnp.sum(vn * vn) - 2.0 * gv
        cv = jnp.sqrt(jnp.clip(d2v, 1e-12, None))
        m = jnp.concatenate([c_real, jnp.broadcast_to(cv, (ns, ns - nt))],
                            axis=1)
        m_ref[...] = m

        k = jnp.exp(m * (-1.0 / _REG))

        def upd(u):
            ktu = lax.dot_general(u, k, (((1,), (0,)), ((), ())),
                                  precision=_HI,
                                  preferred_element_type=jnp.float32)
            vv = 1.0 / ktu
            kv = lax.dot_general(vv, k, (((1,), (1,)), ((), ())),
                                 precision=_HI,
                                 preferred_element_type=jnp.float32)
            return 1.0 / kv, vv

        u0 = jnp.full((1, ns), 1.0 / ns, jnp.float32)
        u1, v1 = upd(u0)
        ktu1 = lax.dot_general(u1, k, (((1,), (0,)), ((), ())),
                               precision=_HI, preferred_element_type=jnp.float32)
        tmp2 = v1 * ktu1
        err = jnp.sqrt(jnp.sum((tmp2 - 1.0) ** 2))

        km = k * m

        def geds(u, vv):
            kmv = lax.dot_general(vv, km, (((1,), (1,)), ((), ())),
                                  precision=_HI,
                                  preferred_element_type=jnp.float32)
            return jnp.sum(u * kmv)

        g1 = geds(u1, v1)
        u, vv = u1, v1
        for _ in range(1, _NUM_ITER):
            u, vv = upd(u)
        g8 = geds(u, vv)

        err_ref[...] = jnp.full((1, 1, 128), err, jnp.float32)
        g1_ref[...] = jnp.full((1, 1, 128), g1, jnp.float32)
        g8_ref[...] = jnp.full((1, 1, 128), g8, jnp.float32)

    return body


def _tc_pairs(xs, h1s, a2s, xt, h1t, a2t,
              w_rel2, b_rel2, w_root2, we_x, we_h1, we_h2, b_emb, virt,
              npairs, ns, nt):
    din = xs.shape[1]
    h = h1s.shape[1]
    de = we_x.shape[1]
    body = _pair_kernel(ns, nt, din, h, de, npairs)
    m, err, g1, g8 = pl.pallas_call(
        body,
        grid=(npairs,),
        in_specs=[
            pl.BlockSpec((ns, din), lambda p: (p, 0)),
            pl.BlockSpec((ns, h), lambda p: (p, 0)),
            pl.BlockSpec((2, ns, h), lambda p: (0, p, 0)),
            pl.BlockSpec((nt, din), lambda p: (p, 0)),
            pl.BlockSpec((nt, h), lambda p: (p, 0)),
            pl.BlockSpec((2, nt, h), lambda p: (0, p, 0)),
            pl.BlockSpec((h, h), lambda p: (0, 0)),
            pl.BlockSpec((1, h), lambda p: (0, 0)),
            pl.BlockSpec((h, h), lambda p: (0, 0)),
            pl.BlockSpec((din, de), lambda p: (0, 0)),
            pl.BlockSpec((h, de), lambda p: (0, 0)),
            pl.BlockSpec((h, de), lambda p: (0, 0)),
            pl.BlockSpec((1, de), lambda p: (0, 0)),
            pl.BlockSpec((1, de), lambda p: (0, 0)),
        ],
        out_specs=[
            pl.BlockSpec((ns, ns), lambda p: (p, 0)),
            pl.BlockSpec((1, 1, 128), lambda p: (p, 0, 0)),
            pl.BlockSpec((1, 1, 128), lambda p: (p, 0, 0)),
            pl.BlockSpec((1, 1, 128), lambda p: (p, 0, 0)),
        ],
        out_shape=[
            jax.ShapeDtypeStruct((npairs * ns, ns), jnp.float32),
            jax.ShapeDtypeStruct((npairs, 1, 128), jnp.float32),
            jax.ShapeDtypeStruct((npairs, 1, 128), jnp.float32),
            jax.ShapeDtypeStruct((npairs, 1, 128), jnp.float32),
        ],
    )(xs, h1s, a2s, xt, h1t, a2t,
      w_rel2, b_rel2.reshape(1, h), w_root2,
      we_x, we_h1, we_h2, b_emb.reshape(1, de), virt.reshape(1, de))
    return m, err[:, 0, 0], g1[:, 0, 0], g8[:, 0, 0]


def kernel(x_s, edge_index_s, edge_attr_s, x_t, edge_index_t, edge_attr_t,
           x_s_batch, len_s, len_t, W_rel1, b_rel1, W_root1,
           W_rel2, b_rel2, W_root2, W_emb, b_emb, virtual_embedding):
    npairs = len_s.shape[0]
    n_s, din = x_s.shape
    n_t = x_t.shape[0]
    ns = n_s // npairs
    nt = n_t // npairs
    h = W_rel1.shape[1]
    de = W_emb.shape[1]

    src_s = edge_index_s[0].reshape(-1, _CHUNK)
    dst_s = edge_index_s[1].reshape(-1, _CHUNK)
    src_t = edge_index_t[0].reshape(-1, _CHUNK)
    dst_t = edge_index_t[1].reshape(-1, _CHUNK)

    pad = 128 - din
    x_s_pad = jnp.pad(x_s, ((0, 0), (0, pad)))
    x_t_pad = jnp.pad(x_t, ((0, 0), (0, pad)))
    w_rel1_pad = jnp.pad(W_rel1, ((0, pad), (0, 0)))

    agg1_s, agg1_t = _sc_segsum2(x_s_pad, src_s, dst_s, x_t_pad, src_t, dst_t)
    h1s = _tc_h1(x_s, agg1_s, w_rel1_pad, b_rel1, W_root1, ns)
    h1t = _tc_h1(x_t, agg1_t, w_rel1_pad, b_rel1, W_root1, nt)

    agg2_s, agg2_t = _sc_segsum2(h1s, src_s, dst_s, h1t, src_t, dst_t)

    we_x = W_emb[:din]
    we_h1 = W_emb[din:din + h]
    we_h2 = W_emb[din + h:]

    m, err, g1, g8 = _tc_pairs(
        x_s, h1s, agg2_s, x_t, h1t, agg2_t,
        W_rel2, b_rel2, W_root2, we_x, we_h1, we_h2, b_emb,
        virtual_embedding, npairs, ns, nt)

    edit_costs2 = m.reshape(npairs, ns, ns)
    done = jnp.all(err < _STOP_THR)
    geds = jnp.where(done, g1, g8)
    geds2 = geds / (len_s + len_t).astype(jnp.float32)
    return (edit_costs2, geds2)

# --- scband reference (transcript-rebuilt; emitter-appended) ---
"""Pipeline reference for scband-gednet-57002805952697 (READ-ONLY COPY).

The authoritative reference and input builder live on the scoring server;
editing this copy changes nothing except your own understanding.
"""

import jax, jax.numpy as jnp
import numpy as np

NPAIRS = 16
NS = 512
NT = 448
DIN = 64
H = 128
DEMB = 128
REG = 0.1


def _normalize(x):
    n = jnp.sqrt(jnp.sum(x * x, axis=-1, keepdims=True))
    return x / jnp.maximum(n, 1e-12)


def _conv(x, ei, W_rel, b_rel, W_root):
    # PyG GraphConv with aggr='add': scatter-add messages x_j (src) into dst,
    # then lin_rel(agg) + lin_root(x)
    agg = jax.ops.segment_sum(x[ei[0]], ei[1], num_segments=x.shape[0])
    return agg @ W_rel + b_rel + x @ W_root


def _cdist(A, B):
    a2 = jnp.sum(A * A, axis=-1)
    b2 = jnp.sum(B * B, axis=-1)
    d2 = a2[:, :, None] + b2[:, None, :] - 2.0 * jnp.einsum('bnd,bmd->bnm', A, B)
    return jnp.sqrt(jnp.clip(d2, 1e-12, None))


def sinkhorn_knopp_batch(a, b, M, reg, numItermax=8, stopThr=1e-6):
    nb, da, db = M.shape
    u = jnp.ones((nb, da), dtype=M.dtype) / da
    v = jnp.ones((nb, db), dtype=M.dtype) / db
    K = jnp.exp(M / -reg)
    Kp = (1.0 / a)[:, :, None] * K

    def _update(u):
        KtU = jnp.matmul(jnp.swapaxes(K, 1, 2), u[:, :, None])
        v3 = b[:, :, None] / KtU
        u3 = 1.0 / jnp.matmul(Kp, v3)
        return u3[:, :, 0], v3[:, :, 0]

    u, v = _update(u)
    tmp2 = jnp.einsum('bi,bij,bj->bj', u, K, v)
    err = jnp.linalg.norm(tmp2 - b, axis=-1)
    done = jnp.all(err < stopThr)
    for ii in range(1, numItermax):
        un, vn = _update(u)
        u = jnp.where(done, u, un)
        v = jnp.where(done, v, vn)
    return u[:, :, None] * K * v[:, None, :]


def setup_inputs(seed: int = 0):
    key = jax.random.key(seed)
    ks = jax.random.split(key, 16)
    Ns = NPAIRS * NS
    Nt = NPAIRS * NT
    Es = Ns * 16
    Et = Nt * 16
    s = 0.05
    inp = {}
    inp['x_s'] = jax.random.normal(ks[0], (Ns, DIN), dtype=jnp.float32)
    inp['edge_index_s'] = jax.random.randint(ks[1], (2, Es), 0, Ns)
    inp['edge_attr_s'] = jax.random.normal(ks[2], (Es, 4), dtype=jnp.float32)
    inp['x_t'] = jax.random.normal(ks[3], (Nt, DIN), dtype=jnp.float32)
    inp['edge_index_t'] = jax.random.randint(ks[4], (2, Et), 0, Nt)
    inp['edge_attr_t'] = jax.random.normal(ks[5], (Et, 4), dtype=jnp.float32)
    inp['x_s_batch'] = jnp.repeat(jnp.arange(NPAIRS), NS)
    inp['len_s'] = jnp.full((NPAIRS,), NS, dtype=jnp.int32)
    inp['len_t'] = jnp.full((NPAIRS,), NT, dtype=jnp.int32)
    inp['W_rel1'] = jax.random.normal(ks[6], (DIN, H), dtype=jnp.float32) * s
    inp['b_rel1'] = jnp.zeros((H,), dtype=jnp.float32)
    inp['W_root1'] = jax.random.normal(ks[7], (DIN, H), dtype=jnp.float32) * s
    inp['W_rel2'] = jax.random.normal(ks[8], (H, H), dtype=jnp.float32) * s
    inp['b_rel2'] = jnp.zeros((H,), dtype=jnp.float32)
    inp['W_root2'] = jax.random.normal(ks[9], (H, H), dtype=jnp.float32) * s
    inp['W_emb'] = jax.random.normal(ks[10], (DIN + 2 * H, DEMB), dtype=jnp.float32) * s
    inp['b_emb'] = jnp.zeros((DEMB,), dtype=jnp.float32)
    inp['virtual_embedding'] = jax.random.uniform(ks[11], (DEMB,), dtype=jnp.float32)
    return inp


def reference(x_s, edge_index_s, edge_attr_s, x_t, edge_index_t, edge_attr_t, x_s_batch, len_s, len_t, W_rel1, b_rel1, W_root1, W_rel2, b_rel2, W_root2, W_emb, b_emb, virtual_embedding):
    # 2-layer GraphConv stack on both graphs of each pair (weights shared)
    h1s = jax.nn.relu(_conv(x_s, edge_index_s, W_rel1, b_rel1, W_root1))
    h2s = jax.nn.relu(_conv(h1s, edge_index_s, W_rel2, b_rel2, W_root2))
    h1t = jax.nn.relu(_conv(x_t, edge_index_t, W_rel1, b_rel1, W_root1))
    h2t = jax.nn.relu(_conv(h1t, edge_index_t, W_rel2, b_rel2, W_root2))
    emb_s = _normalize(jnp.concatenate([x_s, h1s, h2s], axis=1) @ W_emb + b_emb)
    emb_t = _normalize(jnp.concatenate([x_t, h1t, h2t], axis=1) @ W_emb + b_emb)
    virtual = _normalize(virtual_embedding)
    # ragged -> padded batched form; here every pair has len_s=NS, len_t=NT (NS >= NT)
    Esb = emb_s.reshape(NPAIRS, NS, DEMB)
    Etb = jnp.concatenate([emb_t.reshape(NPAIRS, NT, DEMB), jnp.broadcast_to(virtual, (NPAIRS, 1, DEMB))], axis=1)
    C = _cdist(Esb, Etb)  # [P, NS, NT+1]
    # edit_costs2[:, :, :NT] = real costs; cols NT..NS broadcast the virtual-node column
    edit_costs2 = jnp.concatenate([C[:, :, :NT], jnp.repeat(C[:, :, NT:NT + 1], NS - NT, axis=2)], axis=2)
    hist1 = jnp.ones((NPAIRS, NS), dtype=edit_costs2.dtype)
    hist2 = jnp.ones((NPAIRS, NS), dtype=edit_costs2.dtype)
    gamma = jax.lax.stop_gradient(sinkhorn_knopp_batch(hist1, hist2, edit_costs2, reg=REG, numItermax=8))
    geds = jnp.sum(gamma * edit_costs2, axis=(1, 2))
    geds2 = geds / (len_s + len_t).astype(edit_costs2.dtype)
    return (edit_costs2, geds2)

if __name__ == "__main__":
    import jax
    _d = setup_inputs()
    print(jax.jit(kernel)(*tuple(_d.values())))

</pallas_src>

<mosaic_0001>
#map = affine_map<(d0, d1) -> (0, 0)>
module attributes {stable_mosaic.version = 14 : i64} {
  func.func @body(%arg0: i32, %arg1: i32, %arg2: memref<8192x128xf32, #tpu.memory_space<hbm>>, %arg3: memref<1024x128xi32, #tpu.memory_space<hbm>>, %arg4: memref<1024x128xi32, #tpu.memory_space<hbm>>, %arg5: memref<7168x128xf32, #tpu.memory_space<hbm>>, %arg6: memref<896x128xi32, #tpu.memory_space<hbm>>, %arg7: memref<896x128xi32, #tpu.memory_space<hbm>>, %arg8: memref<512x128xf32, #tpu.memory_space<hbm>>, %arg9: memref<448x128xf32, #tpu.memory_space<hbm>>, %arg10: memref<16384x128xf32, #tpu.memory_space<hbm>>, %arg11: memref<14336x128xf32, #tpu.memory_space<hbm>>, %arg12: memref<4x128xi32, #tpu.memory_space<vmem>>, %arg13: memref<4x128xi32, #tpu.memory_space<vmem>>, %arg14: memref<128x128xf32, #tpu.memory_space<vmem>>, %arg15: memref<128x128xf32, #tpu.memory_space<vmem>>, %arg16: memref<128x128xf32, #tpu.memory_space<vmem>>, %arg17: memref<8192x128xf32, #tpu.memory_space<vmem_shared>>, %arg18: memref<!tpu.dma_semaphore, #tpu.memory_space<semaphore_mem>>, %arg19: memref<!tpu.dma_semaphore, #tpu.memory_space<semaphore_mem>>) attributes {dimension_semantics = [#tpu.dimension_semantics<core_parallel>, #tpu.dimension_semantics<subcore_parallel>], iteration_bounds = array<i64: 2, 16>, scalar_prefetch = 0 : i64, scratch_operands = 8 : i64, tpu.core_type = #tpu.core_type<sc_vector_subcore>, window_params = [{transform_indices = #map}, {transform_indices = #map}, {transform_indices = #map}, {transform_indices = #map}, {transform_indices = #map}, {transform_indices = #map}, {transform_indices = #map}, {transform_indices = #map}, {transform_indices = #map}, {transform_indices = #map}]} {
    %mul3A = arith.constant 512 : i32
    %mul3A_0 = arith.muli %arg1, %mul3A : i32
    "tpu.region"() ({
      %run_scoped3A = tpu.sem_alloc : memref<!tpu.dma_semaphore, #tpu.memory_space<semaphore_mem>>
      %dma_start3A = arith.constant 0 : i32
      %dma_start3A_34 = tpu.memref_slice %arg17[%mul3A_0, %dma_start3A] : memref<8192x128xf32, #tpu.memory_space<vmem_shared>> -> memref<512x128xf32, #tpu.memory_space<vmem_shared>>
      tpu.enqueue_dma source(%arg8 : memref<512x128xf32, #tpu.memory_space<hbm>>) target(%dma_start3A_34 : memref<512x128xf32, #tpu.memory_space<vmem_shared>>) target_semaphore(%run_scoped3A : memref<!tpu.dma_semaphore, #tpu.memory_space<semaphore_mem>>)
      %dma_wait3A = arith.constant 0 : i32
      %dma_wait3A_35 = tpu.memref_slice %arg17[%mul3A_0, %dma_wait3A] : memref<8192x128xf32, #tpu.memory_space<vmem_shared>> -> memref<512x128xf32, #tpu.memory_space<vmem_shared>>
      tpu.wait_dma2 semaphore(%run_scoped3A : memref<!tpu.dma_semaphore, #tpu.memory_space<semaphore_mem>>) src(%arg8 : memref<512x128xf32, #tpu.memory_space<hbm>>) dst(%dma_wait3A_35 : memref<512x128xf32, #tpu.memory_space<vmem_shared>>)
      tpu.yield
    }) : () -> ()
    %barrier3A = arith.constant 0 : index
    tpu.barrier barrier_id(%barrier3A)
    %mul3A_1 = arith.constant 16 : i32
    %mul3A_2 = arith.muli %arg0, %mul3A_1 : i32
    %add3A = arith.addi %mul3A_2, %arg1 : i32
    %mul3A_3 = arith.constant 32 : i32
    %mul3A_4 = arith.muli %add3A, %mul3A_3 : i32
    %scan3A = arith.constant 0 : i32
    %scan3A_5 = arith.constant 0 : i32
    %scan3A_6 = arith.constant 8 : i32
    %scan3A_7 = arith.addi %scan3A_5, %scan3A_6 : i32
    %scan3A_8 = arith.constant 1 : i32
    scf.for %scan3A_34 = %scan3A_5 to %scan3A_7 step %scan3A_8  : i32 {
      %mul3A_35 = arith.constant 4 : i32
      %mul3A_36 = arith.muli %scan3A_34, %mul3A_35 : i32
      %add3A_37 = arith.addi %mul3A_4, %mul3A_36 : i32
      "tpu.region"() ({
        %run_scoped3A = tpu.sem_alloc : memref<!tpu.dma_semaphore, #tpu.memory_space<semaphore_mem>>
        %dma_start3A_148 = arith.constant 0 : i32
        %dma_start3A_149 = tpu.memref_slice %arg3[%add3A_37, %dma_start3A_148] : memref<1024x128xi32, #tpu.memory_space<hbm>> -> memref<4x128xi32, #tpu.memory_space<hbm>>
        %dma_start3A_150 = arith.constant 0 : i32
        %dma_start3A_151 = tpu.memref_slice %arg3[%add3A_37, %dma_start3A_150] : memref<1024x128xi32, #tpu.memory_space<hbm>> -> memref<4x128xi32, #tpu.memory_space<hbm>>
        tpu.enqueue_dma source(%dma_start3A_151 : memref<4x128xi32, #tpu.memory_space<hbm>>) target(%arg12 : memref<4x128xi32, #tpu.memory_space<vmem>>) target_semaphore(%run_scoped3A : memref<!tpu.dma_semaphore, #tpu.memory_space<semaphore_mem>>)
        %dma_wait3A_152 = arith.constant 0 : i32
        %dma_wait3A_153 = tpu.memref_slice %arg3[%add3A_37, %dma_wait3A_152] : memref<1024x128xi32, #tpu.memory_space<hbm>> -> memref<4x128xi32, #tpu.memory_space<hbm>>
        %dma_wait3A_154 = arith.constant 0 : i32
        %dma_wait3A_155 = tpu.memref_slice %arg3[%add3A_37, %dma_wait3A_154] : memref<1024x128xi32, #tpu.memory_space<hbm>> -> memref<4x128xi32, #tpu.memory_space<hbm>>
        tpu.wait_dma2 semaphore(%run_scoped3A : memref<!tpu.dma_semaphore, #tpu.memory_space<semaphore_mem>>) src(%dma_wait3A_155 : memref<4x128xi32, #tpu.memory_space<hbm>>) dst(%arg12 : memref<4x128xi32, #tpu.memory_space<vmem>>)
        tpu.yield
      }) : () -> ()
      "tpu.region"() ({
        %run_scoped3A = tpu.sem_alloc : memref<!tpu.dma_semaphore, #tpu.memory_space<semaphore_mem>>
        %dma_start3A_148 = arith.constant 0 : i32
        %dma_start3A_149 = tpu.memref_slice %arg4[%add3A_37, %dma_start3A_148] : memref<1024x128xi32, #tpu.memory_space<hbm>> -> memref<4x128xi32, #tpu.memory_space<hbm>>
        %dma_start3A_150 = arith.constant 0 : i32
        %dma_start3A_151 = tpu.memref_slice %arg4[%add3A_37, %dma_start3A_150] : memref<1024x128xi32, #tpu.memory_space<hbm>> -> memref<4x128xi32, #tpu.memory_space<hbm>>
        tpu.enqueue_dma source(%dma_start3A_151 : memref<4x128xi32, #tpu.memory_space<hbm>>) target(%arg13 : memref<4x128xi32, #tpu.memory_space<vmem>>) target_semaphore(%run_scoped3A : memref<!tpu.dma_semaphore, #tpu.memory_space<semaphore_mem>>)
        %dma_wait3A_152 = arith.constant 0 : i32
        %dma_wait3A_153 = tpu.memref_slice %arg4[%add3A_37, %dma_wait3A_152] : memref<1024x128xi32, #tpu.memory_space<hbm>> -> memref<4x128xi32, #tpu.memory_space<hbm>>
        %dma_wait3A_154 = arith.constant 0 : i32
        %dma_wait3A_155 = tpu.memref_slice %arg4[%add3A_37, %dma_wait3A_154] : memref<1024x128xi32, #tpu.memory_space<hbm>> -> memref<4x128xi32, #tpu.memory_space<hbm>>
        tpu.wait_dma2 semaphore(%run_scoped3A : memref<!tpu.dma_semaphore, #tpu.memory_space<semaphore_mem>>) src(%dma_wait3A_155 : memref<4x128xi32, #tpu.memory_space<hbm>>) dst(%arg13 : memref<4x128xi32, #tpu.memory_space<vmem>>)
        tpu.yield
      }) : () -> ()
      %dma_start3A = arith.constant 0 : i32
      %dma_start3A_38 = arith.constant 0 : i32
      %dma_start3A_39 = tpu.memref_slice %arg12[%dma_start3A, %dma_start3A_38] : memref<4x128xi32, #tpu.memory_space<vmem>> -> memref<1x128xi32, #tpu.memory_space<vmem>>
      %dma_start3A_40 = tpu.memref_squeeze %dma_start3A_39 : memref<1x128xi32, #tpu.memory_space<vmem>> -> memref<128xi32, #tpu.memory_space<vmem>>
      %dma_start3A_41 = arith.constant 0 : i32
      %dma_start3A_42 = arith.constant 0 : i32
      %dma_start3A_43 = tpu.memref_slice %arg2[%dma_start3A_41, %dma_start3A_42] : memref<8192x128xf32, #tpu.memory_space<hbm>> -> memref<8192x128xf32, #tpu.memory_space<hbm>>
      tpu.enqueue_indirect_dma source(%dma_start3A_43 : memref<8192x128xf32, #tpu.memory_space<hbm>>) target(%arg14 : memref<128x128xf32, #tpu.memory_space<vmem>>) offsets(%dma_start3A_40 : memref<128xi32, #tpu.memory_space<vmem>>) semaphore(%arg18 : memref<!tpu.dma_semaphore, #tpu.memory_space<semaphore_mem>>)
      %dma_wait3A = arith.constant 0 : i32
      %dma_wait3A_44 = arith.constant 0 : i32
      %dma_wait3A_45 = tpu.memref_slice %arg12[%dma_wait3A, %dma_wait3A_44] : memref<4x128xi32, #tpu.memory_space<vmem>> -> memref<1x128xi32, #tpu.memory_space<vmem>>
      %dma_wait3A_46 = tpu.memref_squeeze %dma_wait3A_45 : memref<1x128xi32, #tpu.memory_space<vmem>> -> memref<128xi32, #tpu.memory_space<vmem>>
      %dma_wait3A_47 = arith.constant 0 : i32
      %dma_wait3A_48 = arith.constant 0 : i32
      %dma_wait3A_49 = tpu.memref_slice %arg2[%dma_wait3A_47, %dma_wait3A_48] : memref<8192x128xf32, #tpu.memory_space<hbm>> -> memref<8192x128xf32, #tpu.memory_space<hbm>>
      tpu.wait_indirect_dma semaphore(%arg18 : memref<!tpu.dma_semaphore, #tpu.memory_space<semaphore_mem>>) src(%dma_wait3A_49 : memref<8192x128xf32, #tpu.memory_space<hbm>>) dst(%arg14 : memref<128x128xf32, #tpu.memory_space<vmem>>)
      %dma_start3A_50 = arith.constant 0 : i32
      %dma_start3A_51 = arith.constant 0 : i32
      %dma_start3A_52 = tpu.memref_slice %arg13[%dma_start3A_50, %dma_start3A_51] : memref<4x128xi32, #tpu.memory_space<vmem>> -> memref<1x128xi32, #tpu.memory_space<vmem>>
      %dma_start3A_53 = tpu.memref_squeeze %dma_start3A_52 : memref<1x128xi32, #tpu.memory_space<vmem>> -> memref<128xi32, #tpu.memory_space<vmem>>
      %dma_start3A_54 = arith.constant 0 : i32
      %dma_start3A_55 = arith.constant 0 : i32
      %dma_start3A_56 = tpu.memref_slice %arg17[%dma_start3A_54, %dma_start3A_55] : memref<8192x128xf32, #tpu.memory_space<vmem_shared>> -> memref<8192x128xf32, #tpu.memory_space<vmem_shared>>
      tpu.enqueue_indirect_dma source(%arg14 : memref<128x128xf32, #tpu.memory_space<vmem>>) target(%dma_start3A_56 : memref<8192x128xf32, #tpu.memory_space<vmem_shared>>) offsets(%dma_start3A_53 : memref<128xi32, #tpu.memory_space<vmem>>) semaphore(%arg19 : memref<!tpu.dma_semaphore, #tpu.memory_space<semaphore_mem>>) {add = true}
      %dma_start3A_57 = arith.constant 1 : i32
      %dma_start3A_58 = arith.constant 0 : i32
      %dma_start3A_59 = tpu.memref_slice %arg12[%dma_start3A_57, %dma_start3A_58] : memref<4x128xi32, #tpu.memory_space<vmem>> -> memref<1x128xi32, #tpu.memory_space<vmem>>
      %dma_start3A_60 = tpu.memref_squeeze %dma_start3A_59 : memref<1x128xi32, #tpu.memory_space<vmem>> -> memref<128xi32, #tpu.memory_space<vmem>>
      %dma_start3A_61 = arith.constant 0 : i32
      %dma_start3A_62 = arith.constant 0 : i32
      %dma_start3A_63 = tpu.memref_slice %arg2[%dma_start3A_61, %dma_start3A_62] : memref<8192x128xf32, #tpu.memory_space<hbm>> -> memref<8192x128xf32, #tpu.memory_space<hbm>>
      tpu.enqueue_indirect_dma source(%dma_start3A_63 : memref<8192x128xf32, #tpu.memory_space<hbm>>) target(%arg15 : memref<128x128xf32, #tpu.memory_space<vmem>>) offsets(%dma_start3A_60 : memref<128xi32, #tpu.memory_space<vmem>>) semaphore(%arg18 : memref<!tpu.dma_semaphore, #tpu.memory_space<semaphore_mem>>)
      %dma_wait3A_64 = arith.constant 1 : i32
      %dma_wait3A_65 = arith.constant 0 : i32
      %dma_wait3A_66 = tpu.memref_slice %arg12[%dma_wait3A_64, %dma_wait3A_65] : memref<4x128xi32, #tpu.memory_space<vmem>> -> memref<1x128xi32, #tpu.memory_space<vmem>>
      %dma_wait3A_67 = tpu.memref_squeeze %dma_wait3A_66 : memref<1x128xi32, #tpu.memory_space<vmem>> -> memref<128xi32, #tpu.memory_space<vmem>>
      %dma_wait3A_68 = arith.constant 0 : i32
      %dma_wait3A_69 = arith.constant 0 : i32
      %dma_wait3A_70 = tpu.memref_slice %arg2[%dma_wait3A_68, %dma_wait3A_69] : memref<8192x128xf32, #tpu.memory_space<hbm>> -> memref<8192x128xf32, #tpu.memory_space<hbm>>
      tpu.wait_indirect_dma semaphore(%arg18 : memref<!tpu.dma_semaphore, #tpu.memory_space<semaphore_mem>>) src(%dma_wait3A_70 : memref<8192x128xf32, #tpu.memory_space<hbm>>) dst(%arg15 : memref<128x128xf32, #tpu.memory_space<vmem>>)
      %dma_start3A_71 = arith.constant 1 : i32
      %dma_start3A_72 = arith.constant 0 : i32
      %dma_start3A_73 = tpu.memref_slice %arg13[%dma_start3A_71, %dma_start3A_72] : memref<4x128xi32, #tpu.memory_space<vmem>> -> memref<1x128xi32, #tpu.memory_space<vmem>>
      %dma_start3A_74 = tpu.memref_squeeze %dma_start3A_73 : memref<1x128xi32, #tpu.memory_space<vmem>> -> memref<128xi32, #tpu.memory_space<vmem>>
      %dma_start3A_75 = arith.constant 0 : i32
      %dma_start3A_76 = arith.constant 0 : i32
      %dma_start3A_77 = tpu.memref_slice %arg17[%dma_start3A_75, %dma_start3A_76] : memref<8192x128xf32, #tpu.memory_space<vmem_shared>> -> memref<8192x128xf32, #tpu.memory_space<vmem_shared>>
      tpu.enqueue_indirect_dma source(%arg15 : memref<128x128xf32, #tpu.memory_space<vmem>>) target(%dma_start3A_77 : memref<8192x128xf32, #tpu.memory_space<vmem_shared>>) offsets(%dma_start3A_74 : memref<128xi32, #tpu.memory_space<vmem>>) semaphore(%arg19 : memref<!tpu.dma_semaphore, #tpu.memory_space<semaphore_mem>>) {add = true}
      %dma_wait3A_78 = arith.constant 0 : i32
      %dma_wait3A_79 = arith.constant 0 : i32
      %dma_wait3A_80 = tpu.memref_slice %arg13[%dma_wait3A_78, %dma_wait3A_79] : memref<4x128xi32, #tpu.memory_space<vmem>> -> memref<1x128xi32, #tpu.memory_space<vmem>>
      %dma_wait3A_81 = tpu.memref_squeeze %dma_wait3A_80 : memref<1x128xi32, #tpu.memory_space<vmem>> -> memref<128xi32, #tpu.memory_space<vmem>>
      %dma_wait3A_82 = arith.constant 0 : i32
      %dma_wait3A_83 = arith.constant 0 : i32
      %dma_wait3A_84 = tpu.memref_slice %arg17[%dma_wait3A_82, %dma_wait3A_83] : memref<8192x128xf32, #tpu.memory_space<vmem_shared>> -> memref<8192x128xf32, #tpu.memory_space<vmem_shared>>
      tpu.wait_indirect_dma semaphore(%arg19 : memref<!tpu.dma_semaphore, #tpu.memory_space<semaphore_mem>>) src(%arg14 : memref<128x128xf32, #tpu.memory_space<vmem>>) dst(%dma_wait3A_84 : memref<8192x128xf32, #tpu.memory_space<vmem_shared>>)
      %dma_start3A_85 = arith.constant 2 : i32
      %dma_start3A_86 = arith.constant 0 : i32
      %dma_start3A_87 = tpu.memref_slice %arg12[%dma_start3A_85, %dma_start3A_86] : memref<4x128xi32, #tpu.memory_space<vmem>> -> memref<1x128xi32, #tpu.memory_space<vmem>>
      %dma_start3A_88 = tpu.memref_squeeze %dma_start3A_87 : memref<1x128xi32, #tpu.memory_space<vmem>> -> memref<128xi32, #tpu.memory_space<vmem>>
      %dma_start3A_89 = arith.constant 0 : i32
      %dma_start3A_90 = arith.constant 0 : i32
      %dma_start3A_91 = tpu.memref_slice %arg2[%dma_start3A_89, %dma_start3A_90] : memref<8192x128xf32, #tpu.memory_space<hbm>> -> memref<8192x128xf32, #tpu.memory_space<hbm>>
      tpu.enqueue_indirect_dma source(%dma_start3A_91 : memref<8192x128xf32, #tpu.memory_space<hbm>>) target(%arg14 : memref<128x128xf32, #tpu.memory_space<vmem>>) offsets(%dma_start3A_88 : memref<128xi32, #tpu.memory_space<vmem>>) semaphore(%arg18 : memref<!tpu.dma_semaphore, #tpu.memory_space<semaphore_mem>>)
      %dma_wait3A_92 = arith.constant 2 : i32
      %dma_wait3A_93 = arith.constant 0 : i32
      %dma_wait3A_94 = tpu.memref_slice %arg12[%dma_wait3A_92, %dma_wait3A_93] : memref<4x128xi32, #tpu.memory_space<vmem>> -> memref<1x128xi32, #tpu.memory_space<vmem>>
      %dma_wait3A_95 = tpu.memref_squeeze %dma_wait3A_94 : memref<1x128xi32, #tpu.memory_space<vmem>> -> memref<128xi32, #tpu.memory_space<vmem>>
      %dma_wait3A_96 = arith.constant 0 : i32
      %dma_wait3A_97 = arith.constant 0 : i32
      %dma_wait3A_98 = tpu.memref_slice %arg2[%dma_wait3A_96, %dma_wait3A_97] : memref<8192x128xf32, #tpu.memory_space<hbm>> -> memref<8192x128xf32, #tpu.memory_space<hbm>>
      tpu.wait_indirect_dma semaphore(%arg18 : memref<!tpu.dma_semaphore, #tpu.memory_space<semaphore_mem>>) src(%dma_wait3A_98 : memref<8192x128xf32, #tpu.memory_space<hbm>>) dst(%arg14 : memref<128x128xf32, #tpu.memory_space<vmem>>)
      %dma_start3A_99 = arith.constant 2 : i32
      %dma_start3A_100 = arith.constant 0 : i32
      %dma_start3A_101 = tpu.memref_slice %arg13[%dma_start3A_99, %dma_start3A_100] : memref<4x128xi32, #tpu.memory_space<vmem>> -> memref<1x128xi32, #tpu.memory_space<vmem>>
      %dma_start3A_102 = tpu.memref_squeeze %dma_start3A_101 : memref<1x128xi32, #tpu.memory_space<vmem>> -> memref<128xi32, #tpu.memory_space<vmem>>
      %dma_start3A_103 = arith.constant 0 : i32
      %dma_start3A_104 = arith.constant 0 : i32
      %dma_start3A_105 = tpu.memref_slice %arg17[%dma_start3A_103, %dma_start3A_104] : memref<8192x128xf32, #tpu.memory_space<vmem_shared>> -> memref<8192x128xf32, #tpu.memory_space<vmem_shared>>
      tpu.enqueue_indirect_dma source(%arg14 : memref<128x128xf32, #tpu.memory_space<vmem>>) target(%dma_start3A_105 : memref<8192x128xf32, #tpu.memory_space<vmem_shared>>) offsets(%dma_start3A_102 : memref<128xi32, #tpu.memory_space<vmem>>) semaphore(%arg19 : memref<!tpu.dma_semaphore, #tpu.memory_space<semaphore_mem>>) {add = true}
      %dma_wait3A_106 = arith.constant 1 : i32
      %dma_wait3A_107 = arith.constant 0 : i32
      %dma_wait3A_108 = tpu.memref_slice %arg13[%dma_wait3A_106, %dma_wait3A_107] : memref<4x128xi32, #tpu.memory_space<vmem>> -> memref<1x128xi32, #tpu.memory_space<vmem>>
      %dma_wait3A_109 = tpu.memref_squeeze %dma_wait3A_108 : memref<1x128xi32, #tpu.memory_space<vmem>> -> memref<128xi32, #tpu.memory_space<vmem>>
      %dma_wait3A_110 = arith.constant 0 : i32
      %dma_wait3A_111 = arith.constant 0 : i32
      %dma_wait3A_112 = tpu.memref_slice %arg17[%dma_wait3A_110, %dma_wait3A_111] : memref<8192x128xf32, #tpu.memory_space<vmem_shared>> -> memref<8192x128xf32, #tpu.memory_space<vmem_shared>>
      tpu.wait_indirect_dma semaphore(%arg19 : memref<!tpu.dma_semaphore, #tpu.memory_space<semaphore_mem>>) src(%arg15 : memref<128x128xf32, #tpu.memory_space<vmem>>) dst(%dma_wait3A_112 : memref<8192x128xf32, #tpu.memory_space<vmem_shared>>)
      %dma_start3A_113 = arith.constant 3 : i32
      %dma_start3A_114 = arith.constant 0 : i32
      %dma_start3A_115 = tpu.memref_slice %arg12[%dma_start3A_113, %dma_start3A_114] : memref<4x128xi32, #tpu.memory_space<vmem>> -> memref<1x128xi32, #tpu.memory_space<vmem>>
      %dma_start3A_116 = tpu.memref_squeeze %dma_start3A_115 : memref<1x128xi32, #tpu.memory_space<vmem>> -> memref<128xi32, #tpu.memory_space<vmem>>
      %dma_start3A_117 = arith.constant 0 : i32
      %dma_start3A_118 = arith.constant 0 : i32
      %dma_start3A_119 = tpu.memref_slice %arg2[%dma_start3A_117, %dma_start3A_118] : memref<8192x128xf32, #tpu.memory_space<hbm>> -> memref<8192x128xf32, #tpu.memory_space<hbm>>
      tpu.enqueue_indirect_dma source(%dma_start3A_119 : memref<8192x128xf32, #tpu.memory_space<hbm>>) target(%arg15 : memref<128x128xf32, #tpu.memory_space<vmem>>) offsets(%dma_start3A_116 : memref<128xi32, #tpu.memory_space<vmem>>) semaphore(%arg18 : memref<!tpu.dma_semaphore, #tpu.memory_space<semaphore_mem>>)
      %dma_wait3A_120 = arith.constant 3 : i32
      %dma_wait3A_121 = arith.constant 0 : i32
      %dma_wait3A_122 = tpu.memref_slice %arg12[%dma_wait3A_120, %dma_wait3A_121] : memref<4x128xi32, #tpu.memory_space<vmem>> -> memref<1x128xi32, #tpu.memory_space<vmem>>
      %dma_wait3A_123 = tpu.memref_squeeze %dma_wait3A_122 : memref<1x128xi32, #tpu.memory_space<vmem>> -> memref<128xi32, #tpu.memory_space<vmem>>
      %dma_wait3A_124 = arith.constant 0 : i32
      %dma_wait3A_125 = arith.constant 0 : i32
      %dma_wait3A_126 = tpu.memref_slice %arg2[%dma_wait3A_124, %dma_wait3A_125] : memref<8192x128xf32, #tpu.memory_space<hbm>> -> memref<8192x128xf32, #tpu.memory_space<hbm>>
      tpu.wait_indirect_dma semaphore(%arg18 : memref<!tpu.dma_semaphore, #tpu.memory_space<semaphore_mem>>) src(%dma_wait3A_126 : memref<8192x128xf32, #tpu.memory_space<hbm>>) dst(%arg15 : memref<128x128xf32, #tpu.memory_space<vmem>>)
      %dma_start3A_127 = arith.constant 3 : i32
      %dma_start3A_128 = arith.constant 0 : i32
      %dma_start3A_129 = tpu.memref_slice %arg13[%dma_start3A_127, %dma_start3A_128] : memref<4x128xi32, #tpu.memory_space<vmem>> -> memref<1x128xi32, #tpu.memory_space<vmem>>
      %dma_start3A_130 = tpu.memref_squeeze %dma_start3A_129 : memref<1x128xi32, #tpu.memory_space<vmem>> -> memref<128xi32, #tpu.memory_space<vmem>>
      %dma_start3A_131 = arith.constant 0 : i32
      %dma_start3A_132 = arith.constant 0 : i32
      %dma_start3A_133 = tpu.memref_slice %arg17[%dma_start3A_131, %dma_start3A_132] : memref<8192x128xf32, #tpu.memory_space<vmem_shared>> -> memref<8192x128xf32, #tpu.memory_space<vmem_shared>>
      tpu.enqueue_indirect_dma source(%arg15 : memref<128x128xf32, #tpu.memory_space<vmem>>) target(%dma_start3A_133 : memref<8192x128xf32, #tpu.memory_space<vmem_shared>>) offsets(%dma_start3A_130 : memref<128xi32, #tpu.memory_space<vmem>>) semaphore(%arg19 : memref<!tpu.dma_semaphore, #tpu.memory_space<semaphore_mem>>) {add = true}
      %dma_wait3A_134 = arith.constant 2 : i32
      %dma_wait3A_135 = arith.constant 0 : i32
      %dma_wait3A_136 = tpu.memref_slice %arg13[%dma_wait3A_134, %dma_wait3A_135] : memref<4x128xi32, #tpu.memory_space<vmem>> -> memref<1x128xi32, #tpu.memory_space<vmem>>
      %dma_wait3A_137 = tpu.memref_squeeze %dma_wait3A_136 : memref<1x128xi32, #tpu.memory_space<vmem>> -> memref<128xi32, #tpu.memory_space<vmem>>
      %dma_wait3A_138 = arith.constant 0 : i32
      %dma_wait3A_139 = arith.constant 0 : i32
      %dma_wait3A_140 = tpu.memref_slice %arg17[%dma_wait3A_138, %dma_wait3A_139] : memref<8192x128xf32, #tpu.memory_space<vmem_shared>> -> memref<8192x128xf32, #tpu.memory_space<vmem_shared>>
      tpu.wait_indirect_dma semaphore(%arg19 : memref<!tpu.dma_semaphore, #tpu.memory_space<semaphore_mem>>) src(%arg14 : memref<128x128xf32, #tpu.memory_space<vmem>>) dst(%dma_wait3A_140 : memref<8192x128xf32, #tpu.memory_space<vmem_shared>>)
      %dma_wait3A_141 = arith.constant 3 : i32
      %dma_wait3A_142 = arith.constant 0 : i32
      %dma_wait3A_143 = tpu.memref_slice %arg13[%dma_wait3A_141, %dma_wait3A_142] : memref<4x128xi32, #tpu.memory_space<vmem>> -> memref<1x128xi32, #tpu.memory_space<vmem>>
      %dma_wait3A_144 = tpu.memref_squeeze %dma_wait3A_143 : memref<1x128xi32, #tpu.memory_space<vmem>> -> memref<128xi32, #tpu.memory_space<vmem>>
      %dma_wait3A_145 = arith.constant 0 : i32
      %dma_wait3A_146 = arith.constant 0 : i32
      %dma_wait3A_147 = tpu.memref_slice %arg17[%dma_wait3A_145, %dma_wait3A_146] : memref<8192x128xf32, #tpu.memory_space<vmem_shared>> -> memref<8192x128xf32, #tpu.memory_space<vmem_shared>>
      tpu.wait_indirect_dma semaphore(%arg19 : memref<!tpu.dma_semaphore, #tpu.memory_space<semaphore_mem>>) src(%arg15 : memref<128x128xf32, #tpu.memory_space<vmem>>) dst(%dma_wait3A_147 : memref<8192x128xf32, #tpu.memory_space<vmem_shared>>)
    }
    %scan3A_9 = arith.constant 8 : i32
    %barrier3A_10 = arith.constant 0 : index
    tpu.barrier barrier_id(%barrier3A_10)
    %mul3A_11 = arith.constant 8192 : i32
    %mul3A_12 = arith.muli %arg0, %mul3A_11 : i32
    %add3A_13 = arith.addi %mul3A_12, %mul3A_0 : i32
    "tpu.region"() ({
      %run_scoped3A = tpu.sem_alloc : memref<!tpu.dma_semaphore, #tpu.memory_space<semaphore_mem>>
      %dma_start3A = arith.constant 0 : i32
      %dma_start3A_34 = tpu.memref_slice %arg10[%add3A_13, %dma_start3A] : memref<16384x128xf32, #tpu.memory_space<hbm>> -> memref<512x128xf32, #tpu.memory_space<hbm>>
      %dma_start3A_35 = arith.constant 0 : i32
      %dma_start3A_36 = tpu.memref_slice %arg17[%mul3A_0, %dma_start3A_35] : memref<8192x128xf32, #tpu.memory_space<vmem_shared>> -> memref<512x128xf32, #tpu.memory_space<vmem_shared>>
      tpu.enqueue_dma source(%dma_start3A_36 : memref<512x128xf32, #tpu.memory_space<vmem_shared>>) target(%dma_start3A_34 : memref<512x128xf32, #tpu.memory_space<hbm>>) target_semaphore(%run_scoped3A : memref<!tpu.dma_semaphore, #tpu.memory_space<semaphore_mem>>)
      %dma_wait3A = arith.constant 0 : i32
      %dma_wait3A_37 = tpu.memref_slice %arg10[%add3A_13, %dma_wait3A] : memref<16384x128xf32, #tpu.memory_space<hbm>> -> memref<512x128xf32, #tpu.memory_space<hbm>>
      %dma_wait3A_38 = arith.constant 0 : i32
      %dma_wait3A_39 = tpu.memref_slice %arg17[%mul3A_0, %dma_wait3A_38] : memref<8192x128xf32, #tpu.memory_space<vmem_shared>> -> memref<512x128xf32, #tpu.memory_space<vmem_shared>>
      tpu.wait_dma2 semaphore(%run_scoped3A : memref<!tpu.dma_semaphore, #tpu.memory_space<semaphore_mem>>) src(%dma_wait3A_39 : memref<512x128xf32, #tpu.memory_space<vmem_shared>>) dst(%dma_wait3A_37 : memref<512x128xf32, #tpu.memory_space<hbm>>)
      tpu.yield
    }) : () -> ()
    %barrier3A_14 = arith.constant 0 : index
    tpu.barrier barrier_id(%barrier3A_14)
    %mul3A_15 = arith.constant 448 : i32
    %mul3A_16 = arith.muli %arg1, %mul3A_15 : i32
    "tpu.region"() ({
      %run_scoped3A = tpu.sem_alloc : memref<!tpu.dma_semaphore, #tpu.memory_space<semaphore_mem>>
      %dma_start3A = arith.constant 0 : i32
      %dma_start3A_34 = tpu.memref_slice %arg17[%mul3A_16, %dma_start3A] : memref<8192x128xf32, #tpu.memory_space<vmem_shared>> -> memref<448x128xf32, #tpu.memory_space<vmem_shared>>
      tpu.enqueue_dma source(%arg9 : memref<448x128xf32, #tpu.memory_space<hbm>>) target(%dma_start3A_34 : memref<448x128xf32, #tpu.memory_space<vmem_shared>>) target_semaphore(%run_scoped3A : memref<!tpu.dma_semaphore, #tpu.memory_space<semaphore_mem>>)
      %dma_wait3A = arith.constant 0 : i32
      %dma_wait3A_35 = tpu.memref_slice %arg17[%mul3A_16, %dma_wait3A] : memref<8192x128xf32, #tpu.memory_space<vmem_shared>> -> memref<448x128xf32, #tpu.memory_space<vmem_shared>>
      tpu.wait_dma2 semaphore(%run_scoped3A : memref<!tpu.dma_semaphore, #tpu.memory_space<semaphore_mem>>) src(%arg9 : memref<448x128xf32, #tpu.memory_space<hbm>>) dst(%dma_wait3A_35 : memref<448x128xf32, #tpu.memory_space<vmem_shared>>)
      tpu.yield
    }) : () -> ()
    %barrier3A_17 = arith.constant 0 : index
    tpu.barrier barrier_id(%barrier3A_17)
    %mul3A_18 = arith.constant 16 : i32
    %mul3A_19 = arith.muli %arg0, %mul3A_18 : i32
    %add3A_20 = arith.addi %mul3A_19, %arg1 : i32
    %mul3A_21 = arith.constant 28 : i32
    %mul3A_22 = arith.muli %add3A_20, %mul3A_21 : i32
    %scan3A_23 = arith.constant 0 : i32
    %scan3A_24 = arith.constant 0 : i32
    %scan3A_25 = arith.constant 7 : i32
    %scan3A_26 = arith.addi %scan3A_24, %scan3A_25 : i32
    %scan3A_27 = arith.constant 1 : i32
    scf.for %scan3A_34 = %scan3A_24 to %scan3A_26 step %scan3A_27  : i32 {
      %mul3A_35 = arith.constant 4 : i32
      %mul3A_36 = arith.muli %scan3A_34, %mul3A_35 : i32
      %add3A_37 = arith.addi %mul3A_22, %mul3A_36 : i32
      "tpu.region"() ({
        %run_scoped3A = tpu.sem_alloc : memref<!tpu.dma_semaphore, #tpu.memory_space<semaphore_mem>>
        %dma_start3A_148 = arith.constant 0 : i32
        %dma_start3A_149 = tpu.memref_slice %arg6[%add3A_37, %dma_start3A_148] : memref<896x128xi32, #tpu.memory_space<hbm>> -> memref<4x128xi32, #tpu.memory_space<hbm>>
        %dma_start3A_150 = arith.constant 0 : i32
        %dma_start3A_151 = tpu.memref_slice %arg6[%add3A_37, %dma_start3A_150] : memref<896x128xi32, #tpu.memory_space<hbm>> -> memref<4x128xi32, #tpu.memory_space<hbm>>
        tpu.enqueue_dma source(%dma_start3A_151 : memref<4x128xi32, #tpu.memory_space<hbm>>) target(%arg12 : memref<4x128xi32, #tpu.memory_space<vmem>>) target_semaphore(%run_scoped3A : memref<!tpu.dma_semaphore, #tpu.memory_space<semaphore_mem>>)
        %dma_wait3A_152 = arith.constant 0 : i32
        %dma_wait3A_153 = tpu.memref_slice %arg6[%add3A_37, %dma_wait3A_152] : memref<896x128xi32, #tpu.memory_space<hbm>> -> memref<4x128xi32, #tpu.memory_space<hbm>>
        %dma_wait3A_154 = arith.constant 0 : i32
        %dma_wait3A_155 = tpu.memref_slice %arg6[%add3A_37, %dma_wait3A_154] : memref<896x128xi32, #tpu.memory_space<hbm>> -> memref<4x128xi32, #tpu.memory_space<hbm>>
        tpu.wait_dma2 semaphore(%run_scoped3A : memref<!tpu.dma_semaphore, #tpu.memory_space<semaphore_mem>>) src(%dma_wait3A_155 : memref<4x128xi32, #tpu.memory_space<hbm>>) dst(%arg12 : memref<4x128xi32, #tpu.memory_space<vmem>>)
        tpu.yield
      }) : () -> ()
      "tpu.region"() ({
        %run_scoped3A = tpu.sem_alloc : memref<!tpu.dma_semaphore, #tpu.memory_space<semaphore_mem>>
        %dma_start3A_148 = arith.constant 0 : i32
        %dma_start3A_149 = tpu.memref_slice %arg7[%add3A_37, %dma_start3A_148] : memref<896x128xi32, #tpu.memory_space<hbm>> -> memref<4x128xi32, #tpu.memory_space<hbm>>
        %dma_start3A_150 = arith.constant 0 : i32
        %dma_start3A_151 = tpu.memref_slice %arg7[%add3A_37, %dma_start3A_150] : memref<896x128xi32, #tpu.memory_space<hbm>> -> memref<4x128xi32, #tpu.memory_space<hbm>>
        tpu.enqueue_dma source(%dma_start3A_151 : memref<4x128xi32, #tpu.memory_space<hbm>>) target(%arg13 : memref<4x128xi32, #tpu.memory_space<vmem>>) target_semaphore(%run_scoped3A : memref<!tpu.dma_semaphore, #tpu.memory_space<semaphore_mem>>)
        %dma_wait3A_152 = arith.constant 0 : i32
        %dma_wait3A_153 = tpu.memref_slice %arg7[%add3A_37, %dma_wait3A_152] : memref<896x128xi32, #tpu.memory_space<hbm>> -> memref<4x128xi32, #tpu.memory_space<hbm>>
        %dma_wait3A_154 = arith.constant 0 : i32
        %dma_wait3A_155 = tpu.memref_slice %arg7[%add3A_37, %dma_wait3A_154] : memref<896x128xi32, #tpu.memory_space<hbm>> -> memref<4x128xi32, #tpu.memory_space<hbm>>
        tpu.wait_dma2 semaphore(%run_scoped3A : memref<!tpu.dma_semaphore, #tpu.memory_space<semaphore_mem>>) src(%dma_wait3A_155 : memref<4x128xi32, #tpu.memory_space<hbm>>) dst(%arg13 : memref<4x128xi32, #tpu.memory_space<vmem>>)
        tpu.yield
      }) : () -> ()
      %dma_start3A = arith.constant 0 : i32
      %dma_start3A_38 = arith.constant 0 : i32
      %dma_start3A_39 = tpu.memref_slice %arg12[%dma_start3A, %dma_start3A_38] : memref<4x128xi32, #tpu.memory_space<vmem>> -> memref<1x128xi32, #tpu.memory_space<vmem>>
      %dma_start3A_40 = tpu.memref_squeeze %dma_start3A_39 : memref<1x128xi32, #tpu.memory_space<vmem>> -> memref<128xi32, #tpu.memory_space<vmem>>
      %dma_start3A_41 = arith.constant 0 : i32
      %dma_start3A_42 = arith.constant 0 : i32
      %dma_start3A_43 = tpu.memref_slice %arg5[%dma_start3A_41, %dma_start3A_42] : memref<7168x128xf32, #tpu.memory_space<hbm>> -> memref<7168x128xf32, #tpu.memory_space<hbm>>
      tpu.enqueue_indirect_dma source(%dma_start3A_43 : memref<7168x128xf32, #tpu.memory_space<hbm>>) target(%arg14 : memref<128x128xf32, #tpu.memory_space<vmem>>) offsets(%dma_start3A_40 : memref<128xi32, #tpu.memory_space<vmem>>) semaphore(%arg18 : memref<!tpu.dma_semaphore, #tpu.memory_space<semaphore_mem>>)
      %dma_wait3A = arith.constant 0 : i32
      %dma_wait3A_44 = arith.constant 0 : i32
      %dma_wait3A_45 = tpu.memref_slice %arg12[%dma_wait3A, %dma_wait3A_44] : memref<4x128xi32, #tpu.memory_space<vmem>> -> memref<1x128xi32, #tpu.memory_space<vmem>>
      %dma_wait3A_46 = tpu.memref_squeeze %dma_wait3A_45 : memref<1x128xi32, #tpu.memory_space<vmem>> -> memref<128xi32, #tpu.memory_space<vmem>>
      %dma_wait3A_47 = arith.constant 0 : i32
      %dma_wait3A_48 = arith.constant 0 : i32
      %dma_wait3A_49 = tpu.memref_slice %arg5[%dma_wait3A_47, %dma_wait3A_48] : memref<7168x128xf32, #tpu.memory_space<hbm>> -> memref<7168x128xf32, #tpu.memory_space<hbm>>
      tpu.wait_indirect_dma semaphore(%arg18 : memref<!tpu.dma_semaphore, #tpu.memory_space<semaphore_mem>>) src(%dma_wait3A_49 : memref<7168x128xf32, #tpu.memory_space<hbm>>) dst(%arg14 : memref<128x128xf32, #tpu.memory_space<vmem>>)
      %dma_start3A_50 = arith.constant 0 : i32
      %dma_start3A_51 = arith.constant 0 : i32
      %dma_start3A_52 = tpu.memref_slice %arg13[%dma_start3A_50, %dma_start3A_51] : memref<4x128xi32, #tpu.memory_space<vmem>> -> memref<1x128xi32, #tpu.memory_space<vmem>>
      %dma_start3A_53 = tpu.memref_squeeze %dma_start3A_52 : memref<1x128xi32, #tpu.memory_space<vmem>> -> memref<128xi32, #tpu.memory_space<vmem>>
      %dma_start3A_54 = arith.constant 0 : i32
      %dma_start3A_55 = arith.constant 0 : i32
      %dma_start3A_56 = tpu.memref_slice %arg17[%dma_start3A_54, %dma_start3A_55] : memref<8192x128xf32, #tpu.memory_space<vmem_shared>> -> memref<8192x128xf32, #tpu.memory_space<vmem_shared>>
      tpu.enqueue_indirect_dma source(%arg14 : memref<128x128xf32, #tpu.memory_space<vmem>>) target(%dma_start3A_56 : memref<8192x128xf32, #tpu.memory_space<vmem_shared>>) offsets(%dma_start3A_53 : memref<128xi32, #tpu.memory_space<vmem>>) semaphore(%arg19 : memref<!tpu.dma_semaphore, #tpu.memory_space<semaphore_mem>>) {add = true}
      %dma_start3A_57 = arith.constant 1 : i32
      %dma_start3A_58 = arith.constant 0 : i32
      %dma_start3A_59 = tpu.memref_slice %arg12[%dma_start3A_57, %dma_start3A_58] : memref<4x128xi32, #tpu.memory_space<vmem>> -> memref<1x128xi32, #tpu.memory_space<vmem>>
      %dma_start3A_60 = tpu.memref_squeeze %dma_start3A_59 : memref<1x128xi32, #tpu.memory_space<vmem>> -> memref<128xi32, #tpu.memory_space<vmem>>
      %dma_start3A_61 = arith.constant 0 : i32
      %dma_start3A_62 = arith.constant 0 : i32
      %dma_start3A_63 = tpu.memref_slice %arg5[%dma_start3A_61, %dma_start3A_62] : memref<7168x128xf32, #tpu.memory_space<hbm>> -> memref<7168x128xf32, #tpu.memory_space<hbm>>
      tpu.enqueue_indirect_dma source(%dma_start3A_63 : memref<7168x128xf32, #tpu.memory_space<hbm>>) target(%arg15 : memref<128x128xf32, #tpu.memory_space<vmem>>) offsets(%dma_start3A_60 : memref<128xi32, #tpu.memory_space<vmem>>) semaphore(%arg18 : memref<!tpu.dma_semaphore, #tpu.memory_space<semaphore_mem>>)
      %dma_wait3A_64 = arith.constant 1 : i32
      %dma_wait3A_65 = arith.constant 0 : i32
      %dma_wait3A_66 = tpu.memref_slice %arg12[%dma_wait3A_64, %dma_wait3A_65] : memref<4x128xi32, #tpu.memory_space<vmem>> -> memref<1x128xi32, #tpu.memory_space<vmem>>
      %dma_wait3A_67 = tpu.memref_squeeze %dma_wait3A_66 : memref<1x128xi32, #tpu.memory_space<vmem>> -> memref<128xi32, #tpu.memory_space<vmem>>
      %dma_wait3A_68 = arith.constant 0 : i32
      %dma_wait3A_69 = arith.constant 0 : i32
      %dma_wait3A_70 = tpu.memref_slice %arg5[%dma_wait3A_68, %dma_wait3A_69] : memref<7168x128xf32, #tpu.memory_space<hbm>> -> memref<7168x128xf32, #tpu.memory_space<hbm>>
      tpu.wait_indirect_dma semaphore(%arg18 : memref<!tpu.dma_semaphore, #tpu.memory_space<semaphore_mem>>) src(%dma_wait3A_70 : memref<7168x128xf32, #tpu.memory_space<hbm>>) dst(%arg15 : memref<128x128xf32, #tpu.memory_space<vmem>>)
      %dma_start3A_71 = arith.constant 1 : i32
      %dma_start3A_72 = arith.constant 0 : i32
      %dma_start3A_73 = tpu.memref_slice %arg13[%dma_start3A_71, %dma_start3A_72] : memref<4x128xi32, #tpu.memory_space<vmem>> -> memref<1x128xi32, #tpu.memory_space<vmem>>
      %dma_start3A_74 = tpu.memref_squeeze %dma_start3A_73 : memref<1x128xi32, #tpu.memory_space<vmem>> -> memref<128xi32, #tpu.memory_space<vmem>>
      %dma_start3A_75 = arith.constant 0 : i32
      %dma_start3A_76 = arith.constant 0 : i32
      %dma_start3A_77 = tpu.memref_slice %arg17[%dma_start3A_75, %dma_start3A_76] : memref<8192x128xf32, #tpu.memory_space<vmem_shared>> -> memref<8192x128xf32, #tpu.memory_space<vmem_shared>>
      tpu.enqueue_indirect_dma source(%arg15 : memref<128x128xf32, #tpu.memory_space<vmem>>) target(%dma_start3A_77 : memref<8192x128xf32, #tpu.memory_space<vmem_shared>>) offsets(%dma_start3A_74 : memref<128xi32, #tpu.memory_space<vmem>>) semaphore(%arg19 : memref<!tpu.dma_semaphore, #tpu.memory_space<semaphore_mem>>) {add = true}
      %dma_wait3A_78 = arith.constant 0 : i32
      %dma_wait3A_79 = arith.constant 0 : i32
      %dma_wait3A_80 = tpu.memref_slice %arg13[%dma_wait3A_78, %dma_wait3A_79] : memref<4x128xi32, #tpu.memory_space<vmem>> -> memref<1x128xi32, #tpu.memory_space<vmem>>
      %dma_wait3A_81 = tpu.memref_squeeze %dma_wait3A_80 : memref<1x128xi32, #tpu.memory_space<vmem>> -> memref<128xi32, #tpu.memory_space<vmem>>
      %dma_wait3A_82 = arith.constant 0 : i32
      %dma_wait3A_83 = arith.constant 0 : i32
      %dma_wait3A_84 = tpu.memref_slice %arg17[%dma_wait3A_82, %dma_wait3A_83] : memref<8192x128xf32, #tpu.memory_space<vmem_shared>> -> memref<8192x128xf32, #tpu.memory_space<vmem_shared>>
      tpu.wait_indirect_dma semaphore(%arg19 : memref<!tpu.dma_semaphore, #tpu.memory_space<semaphore_mem>>) src(%arg14 : memref<128x128xf32, #tpu.memory_space<vmem>>) dst(%dma_wait3A_84 : memref<8192x128xf32, #tpu.memory_space<vmem_shared>>)
      %dma_start3A_85 = arith.constant 2 : i32
      %dma_start3A_86 = arith.constant 0 : i32
      %dma_start3A_87 = tpu.memref_slice %arg12[%dma_start3A_85, %dma_start3A_86] : memref<4x128xi32, #tpu.memory_space<vmem>> -> memref<1x128xi32, #tpu.memory_space<vmem>>
      %dma_start3A_88 = tpu.memref_squeeze %dma_start3A_87 : memref<1x128xi32, #tpu.memory_space<vmem>> -> memref<128xi32, #tpu.memory_space<vmem>>
      %dma_start3A_89 = arith.constant 0 : i32
      %dma_start3A_90 = arith.constant 0 : i32
      %dma_start3A_91 = tpu.memref_slice %arg5[%dma_start3A_89, %dma_start3A_90] : memref<7168x128xf32, #tpu.memory_space<hbm>> -> memref<7168x128xf32, #tpu.memory_space<hbm>>
      tpu.enqueue_indirect_dma source(%dma_start3A_91 : memref<7168x128xf32, #tpu.memory_space<hbm>>) target(%arg14 : memref<128x128xf32, #tpu.memory_space<vmem>>) offsets(%dma_start3A_88 : memref<128xi32, #tpu.memory_space<vmem>>) semaphore(%arg18 : memref<!tpu.dma_semaphore, #tpu.memory_space<semaphore_mem>>)
      %dma_wait3A_92 = arith.constant 2 : i32
      %dma_wait3A_93 = arith.constant 0 : i32
      %dma_wait3A_94 = tpu.memref_slice %arg12[%dma_wait3A_92, %dma_wait3A_93] : memref<4x128xi32, #tpu.memory_space<vmem>> -> memref<1x128xi32, #tpu.memory_space<vmem>>
      %dma_wait3A_95 = tpu.memref_squeeze %dma_wait3A_94 : memref<1x128xi32, #tpu.memory_space<vmem>> -> memref<128xi32, #tpu.memory_space<vmem>>
      %dma_wait3A_96 = arith.constant 0 : i32
      %dma_wait3A_97 = arith.constant 0 : i32
      %dma_wait3A_98 = tpu.memref_slice %arg5[%dma_wait3A_96, %dma_wait3A_97] : memref<7168x128xf32, #tpu.memory_space<hbm>> -> memref<7168x128xf32, #tpu.memory_space<hbm>>
      tpu.wait_indirect_dma semaphore(%arg18 : memref<!tpu.dma_semaphore, #tpu.memory_space<semaphore_mem>>) src(%dma_wait3A_98 : memref<7168x128xf32, #tpu.memory_space<hbm>>) dst(%arg14 : memref<128x128xf32, #tpu.memory_space<vmem>>)
      %dma_start3A_99 = arith.constant 2 : i32
      %dma_start3A_100 = arith.constant 0 : i32
      %dma_start3A_101 = tpu.memref_slice %arg13[%dma_start3A_99, %dma_start3A_100] : memref<4x128xi32, #tpu.memory_space<vmem>> -> memref<1x128xi32, #tpu.memory_space<vmem>>
      %dma_start3A_102 = tpu.memref_squeeze %dma_start3A_101 : memref<1x128xi32, #tpu.memory_space<vmem>> -> memref<128xi32, #tpu.memory_space<vmem>>
      %dma_start3A_103 = arith.constant 0 : i32
      %dma_start3A_104 = arith.constant 0 : i32
      %dma_start3A_105 = tpu.memref_slice %arg17[%dma_start3A_103, %dma_start3A_104] : memref<8192x128xf32, #tpu.memory_space<vmem_shared>> -> memref<8192x128xf32, #tpu.memory_space<vmem_shared>>
      tpu.enqueue_indirect_dma source(%arg14 : memref<128x128xf32, #tpu.memory_space<vmem>>) target(%dma_start3A_105 : memref<8192x128xf32, #tpu.memory_space<vmem_shared>>) offsets(%dma_start3A_102 : memref<128xi32, #tpu.memory_space<vmem>>) semaphore(%arg19 : memref<!tpu.dma_semaphore, #tpu.memory_space<semaphore_mem>>) {add = true}
      %dma_wait3A_106 = arith.constant 1 : i32
      %dma_wait3A_107 = arith.constant 0 : i32
      %dma_wait3A_108 = tpu.memref_slice %arg13[%dma_wait3A_106, %dma_wait3A_107] : memref<4x128xi32, #tpu.memory_space<vmem>> -> memref<1x128xi32, #tpu.memory_space<vmem>>
      %dma_wait3A_109 = tpu.memref_squeeze %dma_wait3A_108 : memref<1x128xi32, #tpu.memory_space<vmem>> -> memref<128xi32, #tpu.memory_space<vmem>>
      %dma_wait3A_110 = arith.constant 0 : i32
      %dma_wait3A_111 = arith.constant 0 : i32
      %dma_wait3A_112 = tpu.memref_slice %arg17[%dma_wait3A_110, %dma_wait3A_111] : memref<8192x128xf32, #tpu.memory_space<vmem_shared>> -> memref<8192x128xf32, #tpu.memory_space<vmem_shared>>
      tpu.wait_indirect_dma semaphore(%arg19 : memref<!tpu.dma_semaphore, #tpu.memory_space<semaphore_mem>>) src(%arg15 : memref<128x128xf32, #tpu.memory_space<vmem>>) dst(%dma_wait3A_112 : memref<8192x128xf32, #tpu.memory_space<vmem_shared>>)
      %dma_start3A_113 = arith.constant 3 : i32
      %dma_start3A_114 = arith.constant 0 : i32
      %dma_start3A_115 = tpu.memref_slice %arg12[%dma_start3A_113, %dma_start3A_114] : memref<4x128xi32, #tpu.memory_space<vmem>> -> memref<1x128xi32, #tpu.memory_space<vmem>>
      %dma_start3A_116 = tpu.memref_squeeze %dma_start3A_115 : memref<1x128xi32, #tpu.memory_space<vmem>> -> memref<128xi32, #tpu.memory_space<vmem>>
      %dma_start3A_117 = arith.constant 0 : i32
      %dma_start3A_118 = arith.constant 0 : i32
      %dma_start3A_119 = tpu.memref_slice %arg5[%dma_start3A_117, %dma_start3A_118] : memref<7168x128xf32, #tpu.memory_space<hbm>> -> memref<7168x128xf32, #tpu.memory_space<hbm>>
      tpu.enqueue_indirect_dma source(%dma_start3A_119 : memref<7168x128xf32, #tpu.memory_space<hbm>>) target(%arg15 : memref<128x128xf32, #tpu.memory_space<vmem>>) offsets(%dma_start3A_116 : memref<128xi32, #tpu.memory_space<vmem>>) semaphore(%arg18 : memref<!tpu.dma_semaphore, #tpu.memory_space<semaphore_mem>>)
      %dma_wait3A_120 = arith.constant 3 : i32
      %dma_wait3A_121 = arith.constant 0 : i32
      %dma_wait3A_122 = tpu.memref_slice %arg12[%dma_wait3A_120, %dma_wait3A_121] : memref<4x128xi32, #tpu.memory_space<vmem>> -> memref<1x128xi32, #tpu.memory_space<vmem>>
      %dma_wait3A_123 = tpu.memref_squeeze %dma_wait3A_122 : memref<1x128xi32, #tpu.memory_space<vmem>> -> memref<128xi32, #tpu.memory_space<vmem>>
      %dma_wait3A_124 = arith.constant 0 : i32
      %dma_wait3A_125 = arith.constant 0 : i32
      %dma_wait3A_126 = tpu.memref_slice %arg5[%dma_wait3A_124, %dma_wait3A_125] : memref<7168x128xf32, #tpu.memory_space<hbm>> -> memref<7168x128xf32, #tpu.memory_space<hbm>>
      tpu.wait_indirect_dma semaphore(%arg18 : memref<!tpu.dma_semaphore, #tpu.memory_space<semaphore_mem>>) src(%dma_wait3A_126 : memref<7168x128xf32, #tpu.memory_space<hbm>>) dst(%arg15 : memref<128x128xf32, #tpu.memory_space<vmem>>)
      %dma_start3A_127 = arith.constant 3 : i32
      %dma_start3A_128 = arith.constant 0 : i32
      %dma_start3A_129 = tpu.memref_slice %arg13[%dma_start3A_127, %dma_start3A_128] : memref<4x128xi32, #tpu.memory_space<vmem>> -> memref<1x128xi32, #tpu.memory_space<vmem>>
      %dma_start3A_130 = tpu.memref_squeeze %dma_start3A_129 : memref<1x128xi32, #tpu.memory_space<vmem>> -> memref<128xi32, #tpu.memory_space<vmem>>
      %dma_start3A_131 = arith.constant 0 : i32
      %dma_start3A_132 = arith.constant 0 : i32
      %dma_start3A_133 = tpu.memref_slice %arg17[%dma_start3A_131, %dma_start3A_132] : memref<8192x128xf32, #tpu.memory_space<vmem_shared>> -> memref<8192x128xf32, #tpu.memory_space<vmem_shared>>
      tpu.enqueue_indirect_dma source(%arg15 : memref<128x128xf32, #tpu.memory_space<vmem>>) target(%dma_start3A_133 : memref<8192x128xf32, #tpu.memory_space<vmem_shared>>) offsets(%dma_start3A_130 : memref<128xi32, #tpu.memory_space<vmem>>) semaphore(%arg19 : memref<!tpu.dma_semaphore, #tpu.memory_space<semaphore_mem>>) {add = true}
      %dma_wait3A_134 = arith.constant 2 : i32
      %dma_wait3A_135 = arith.constant 0 : i32
      %dma_wait3A_136 = tpu.memref_slice %arg13[%dma_wait3A_134, %dma_wait3A_135] : memref<4x128xi32, #tpu.memory_space<vmem>> -> memref<1x128xi32, #tpu.memory_space<vmem>>
      %dma_wait3A_137 = tpu.memref_squeeze %dma_wait3A_136 : memref<1x128xi32, #tpu.memory_space<vmem>> -> memref<128xi32, #tpu.memory_space<vmem>>
      %dma_wait3A_138 = arith.constant 0 : i32
      %dma_wait3A_139 = arith.constant 0 : i32
      %dma_wait3A_140 = tpu.memref_slice %arg17[%dma_wait3A_138, %dma_wait3A_139] : memref<8192x128xf32, #tpu.memory_space<vmem_shared>> -> memref<8192x128xf32, #tpu.memory_space<vmem_shared>>
      tpu.wait_indirect_dma semaphore(%arg19 : memref<!tpu.dma_semaphore, #tpu.memory_space<semaphore_mem>>) src(%arg14 : memref<128x128xf32, #tpu.memory_space<vmem>>) dst(%dma_wait3A_140 : memref<8192x128xf32, #tpu.memory_space<vmem_shared>>)
      %dma_wait3A_141 = arith.constant 3 : i32
      %dma_wait3A_142 = arith.constant 0 : i32
      %dma_wait3A_143 = tpu.memref_slice %arg13[%dma_wait3A_141, %dma_wait3A_142] : memref<4x128xi32, #tpu.memory_space<vmem>> -> memref<1x128xi32, #tpu.memory_space<vmem>>
      %dma_wait3A_144 = tpu.memref_squeeze %dma_wait3A_143 : memref<1x128xi32, #tpu.memory_space<vmem>> -> memref<128xi32, #tpu.memory_space<vmem>>
      %dma_wait3A_145 = arith.constant 0 : i32
      %dma_wait3A_146 = arith.constant 0 : i32
      %dma_wait3A_147 = tpu.memref_slice %arg17[%dma_wait3A_145, %dma_wait3A_146] : memref<8192x128xf32, #tpu.memory_space<vmem_shared>> -> memref<8192x128xf32, #tpu.memory_space<vmem_shared>>
      tpu.wait_indirect_dma semaphore(%arg19 : memref<!tpu.dma_semaphore, #tpu.memory_space<semaphore_mem>>) src(%arg15 : memref<128x128xf32, #tpu.memory_space<vmem>>) dst(%dma_wait3A_147 : memref<8192x128xf32, #tpu.memory_space<vmem_shared>>)
    }
    %scan3A_28 = arith.constant 7 : i32
    %barrier3A_29 = arith.constant 0 : index
    tpu.barrier barrier_id(%barrier3A_29)
    %mul3A_30 = arith.constant 7168 : i32
    %mul3A_31 = arith.muli %arg0, %mul3A_30 : i32
    %add3A_32 = arith.addi %mul3A_31, %mul3A_16 : i32
    "tpu.region"() ({
      %run_scoped3A = tpu.sem_alloc : memref<!tpu.dma_semaphore, #tpu.memory_space<semaphore_mem>>
      %dma_start3A = arith.constant 0 : i32
      %dma_start3A_34 = tpu.memref_slice %arg11[%add3A_32, %dma_start3A] : memref<14336x128xf32, #tpu.memory_space<hbm>> -> memref<448x128xf32, #tpu.memory_space<hbm>>
      %dma_start3A_35 = arith.constant 0 : i32
      %dma_start3A_36 = tpu.memref_slice %arg17[%mul3A_16, %dma_start3A_35] : memref<8192x128xf32, #tpu.memory_space<vmem_shared>> -> memref<448x128xf32, #tpu.memory_space<vmem_shared>>
      tpu.enqueue_dma source(%dma_start3A_36 : memref<448x128xf32, #tpu.memory_space<vmem_shared>>) target(%dma_start3A_34 : memref<448x128xf32, #tpu.memory_space<hbm>>) target_semaphore(%run_scoped3A : memref<!tpu.dma_semaphore, #tpu.memory_space<semaphore_mem>>)
      %dma_wait3A = arith.constant 0 : i32
      %dma_wait3A_37 = tpu.memref_slice %arg11[%add3A_32, %dma_wait3A] : memref<14336x128xf32, #tpu.memory_space<hbm>> -> memref<448x128xf32, #tpu.memory_space<hbm>>
      %dma_wait3A_38 = arith.constant 0 : i32
      %dma_wait3A_39 = tpu.memref_slice %arg17[%mul3A_16, %dma_wait3A_38] : memref<8192x128xf32, #tpu.memory_space<vmem_shared>> -> memref<448x128xf32, #tpu.memory_space<vmem_shared>>
      tpu.wait_dma2 semaphore(%run_scoped3A : memref<!tpu.dma_semaphore, #tpu.memory_space<semaphore_mem>>) src(%dma_wait3A_39 : memref<448x128xf32, #tpu.memory_space<vmem_shared>>) dst(%dma_wait3A_37 : memref<448x128xf32, #tpu.memory_space<hbm>>)
      tpu.yield
    }) : () -> ()
    %barrier3A_33 = arith.constant 0 : index
    tpu.barrier barrier_id(%barrier3A_33)
    return
  }
}

#map = affine_map<(d0, d1) -> (0, 0)>
module attributes {stable_mosaic.version = 14 : i64} {
  func.func @body(%arg0: i32, %arg1: i32, %arg2: memref<8192x128xf32, #tpu.memory_space<hbm>>, %arg3: memref<1024x128xi32, #tpu.memory_space<hbm>>, %arg4: memref<1024x128xi32, #tpu.memory_space<hbm>>, %arg5: memref<7168x128xf32, #tpu.memory_space<hbm>>, %arg6: memref<896x128xi32, #tpu.memory_space<hbm>>, %arg7: memref<896x128xi32, #tpu.memory_space<hbm>>, %arg8: memref<512x128xf32, #tpu.memory_space<hbm>>, %arg9: memref<448x128xf32, #tpu.memory_space<hbm>>, %arg10: memref<16384x128xf32, #tpu.memory_space<hbm>>, %arg11: memref<14336x128xf32, #tpu.memory_space<hbm>>, %arg12: memref<4x128xi32, #tpu.memory_space<vmem>>, %arg13: memref<4x128xi32, #tpu.memory_space<vmem>>, %arg14: memref<128x128xf32, #tpu.memory_space<vmem>>, %arg15: memref<128x128xf32, #tpu.memory_space<vmem>>, %arg16: memref<128x128xf32, #tpu.memory_space<vmem>>, %arg17: memref<8192x128xf32, #tpu.memory_space<vmem_shared>>, %arg18: memref<!tpu.dma_semaphore, #tpu.memory_space<semaphore_mem>>, %arg19: memref<!tpu.dma_semaphore, #tpu.memory_space<semaphore_mem>>) attributes {dimension_semantics = [#tpu.dimension_semantics<core_parallel>, #tpu.dimension_semantics<subcore_parallel>], iteration_bounds = array<i64: 2, 16>, scalar_prefetch = 0 : i64, scratch_operands = 8 : i64, tpu.core_type = #tpu.core_type<sc_vector_subcore>, window_params = [{transform_indices = #map}, {transform_indices = #map}, {transform_indices = #map}, {transform_indices = #map}, {transform_indices = #map}, {transform_indices = #map}, {transform_indices = #map}, {transform_indices = #map}, {transform_indices = #map}, {transform_indices = #map}]} {
    %mul3A = arith.constant 512 : i32
    %mul3A_0 = arith.muli %arg1, %mul3A : i32
    "tpu.region"() ({
      %run_scoped3A = tpu.sem_alloc : memref<!tpu.dma_semaphore, #tpu.memory_space<semaphore_mem>>
      %dma_start3A = arith.constant 0 : i32
      %dma_start3A_34 = tpu.memref_slice %arg17[%mul3A_0, %dma_start3A] : memref<8192x128xf32, #tpu.memory_space<vmem_shared>> -> memref<512x128xf32, #tpu.memory_space<vmem_shared>>
      tpu.enqueue_dma source(%arg8 : memref<512x128xf32, #tpu.memory_space<hbm>>) target(%dma_start3A_34 : memref<512x128xf32, #tpu.memory_space<vmem_shared>>) target_semaphore(%run_scoped3A : memref<!tpu.dma_semaphore, #tpu.memory_space<semaphore_mem>>)
      %dma_wait3A = arith.constant 0 : i32
      %dma_wait3A_35 = tpu.memref_slice %arg17[%mul3A_0, %dma_wait3A] : memref<8192x128xf32, #tpu.memory_space<vmem_shared>> -> memref<512x128xf32, #tpu.memory_space<vmem_shared>>
      tpu.wait_dma2 semaphore(%run_scoped3A : memref<!tpu.dma_semaphore, #tpu.memory_space<semaphore_mem>>) src(%arg8 : memref<512x128xf32, #tpu.memory_space<hbm>>) dst(%dma_wait3A_35 : memref<512x128xf32, #tpu.memory_space<vmem_shared>>)
      tpu.yield
    }) : () -> ()
    %barrier3A = arith.constant 0 : index
    tpu.barrier barrier_id(%barrier3A)
    %mul3A_1 = arith.constant 16 : i32
    %mul3A_2 = arith.muli %arg0, %mul3A_1 : i32
    %add3A = arith.addi %mul3A_2, %arg1 : i32
    %mul3A_3 = arith.constant 32 : i32
    %mul3A_4 = arith.muli %add3A, %mul3A_3 : i32
    %scan3A = arith.constant 0 : i32
    %scan3A_5 = arith.constant 0 : i32
    %scan3A_6 = arith.constant 8 : i32
    %scan3A_7 = arith.addi %scan3A_5, %scan3A_6 : i32
    %scan3A_8 = arith.constant 1 : i32
    scf.for %scan3A_34 = %scan3A_5 to %scan3A_7 step %scan3A_8  : i32 {
      %mul3A_35 = arith.constant 4 : i32
      %mul3A_36 = arith.muli %scan3A_34, %mul3A_35 : i32
      %add3A_37 = arith.addi %mul3A_4, %mul3A_36 : i32
      "tpu.region"() ({
        %run_scoped3A = tpu.sem_alloc : memref<!tpu.dma_semaphore, #tpu.memory_space<semaphore_mem>>
        %dma_start3A_148 = arith.constant 0 : i32
        %dma_start3A_149 = tpu.memref_slice %arg3[%add3A_37, %dma_start3A_148] : memref<1024x128xi32, #tpu.memory_space<hbm>> -> memref<4x128xi32, #tpu.memory_space<hbm>>
        %dma_start3A_150 = arith.constant 0 : i32
        %dma_start3A_151 = tpu.memref_slice %arg3[%add3A_37, %dma_start3A_150] : memref<1024x128xi32, #tpu.memory_space<hbm>> -> memref<4x128xi32, #tpu.memory_space<hbm>>
        tpu.enqueue_dma source(%dma_start3A_151 : memref<4x128xi32, #tpu.memory_space<hbm>>) target(%arg12 : memref<4x128xi32, #tpu.memory_space<vmem>>) target_semaphore(%run_scoped3A : memref<!tpu.dma_semaphore, #tpu.memory_space<semaphore_mem>>)
        %dma_wait3A_152 = arith.constant 0 : i32
        %dma_wait3A_153 = tpu.memref_slice %arg3[%add3A_37, %dma_wait3A_152] : memref<1024x128xi32, #tpu.memory_space<hbm>> -> memref<4x128xi32, #tpu.memory_space<hbm>>
        %dma_wait3A_154 = arith.constant 0 : i32
        %dma_wait3A_155 = tpu.memref_slice %arg3[%add3A_37, %dma_wait3A_154] : memref<1024x128xi32, #tpu.memory_space<hbm>> -> memref<4x128xi32, #tpu.memory_space<hbm>>
        tpu.wait_dma2 semaphore(%run_scoped3A : memref<!tpu.dma_semaphore, #tpu.memory_space<semaphore_mem>>) src(%dma_wait3A_155 : memref<4x128xi32, #tpu.memory_space<hbm>>) dst(%arg12 : memref<4x128xi32, #tpu.memory_space<vmem>>)
        tpu.yield
      }) : () -> ()
      "tpu.region"() ({
        %run_scoped3A = tpu.sem_alloc : memref<!tpu.dma_semaphore, #tpu.memory_space<semaphore_mem>>
        %dma_start3A_148 = arith.constant 0 : i32
        %dma_start3A_149 = tpu.memref_slice %arg4[%add3A_37, %dma_start3A_148] : memref<1024x128xi32, #tpu.memory_space<hbm>> -> memref<4x128xi32, #tpu.memory_space<hbm>>
        %dma_start3A_150 = arith.constant 0 : i32
        %dma_start3A_151 = tpu.memref_slice %arg4[%add3A_37, %dma_start3A_150] : memref<1024x128xi32, #tpu.memory_space<hbm>> -> memref<4x128xi32, #tpu.memory_space<hbm>>
        tpu.enqueue_dma source(%dma_start3A_151 : memref<4x128xi32, #tpu.memory_space<hbm>>) target(%arg13 : memref<4x128xi32, #tpu.memory_space<vmem>>) target_semaphore(%run_scoped3A : memref<!tpu.dma_semaphore, #tpu.memory_space<semaphore_mem>>)
        %dma_wait3A_152 = arith.constant 0 : i32
        %dma_wait3A_153 = tpu.memref_slice %arg4[%add3A_37, %dma_wait3A_152] : memref<1024x128xi32, #tpu.memory_space<hbm>> -> memref<4x128xi32, #tpu.memory_space<hbm>>
        %dma_wait3A_154 = arith.constant 0 : i32
        %dma_wait3A_155 = tpu.memref_slice %arg4[%add3A_37, %dma_wait3A_154] : memref<1024x128xi32, #tpu.memory_space<hbm>> -> memref<4x128xi32, #tpu.memory_space<hbm>>
        tpu.wait_dma2 semaphore(%run_scoped3A : memref<!tpu.dma_semaphore, #tpu.memory_space<semaphore_mem>>) src(%dma_wait3A_155 : memref<4x128xi32, #tpu.memory_space<hbm>>) dst(%arg13 : memref<4x128xi32, #tpu.memory_space<vmem>>)
        tpu.yield
      }) : () -> ()
      %dma_start3A = arith.constant 0 : i32
      %dma_start3A_38 = arith.constant 0 : i32
      %dma_start3A_39 = tpu.memref_slice %arg12[%dma_start3A, %dma_start3A_38] : memref<4x128xi32, #tpu.memory_space<vmem>> -> memref<1x128xi32, #tpu.memory_space<vmem>>
      %dma_start3A_40 = tpu.memref_squeeze %dma_start3A_39 : memref<1x128xi32, #tpu.memory_space<vmem>> -> memref<128xi32, #tpu.memory_space<vmem>>
      %dma_start3A_41 = arith.constant 0 : i32
      %dma_start3A_42 = arith.constant 0 : i32
      %dma_start3A_43 = tpu.memref_slice %arg2[%dma_start3A_41, %dma_start3A_42] : memref<8192x128xf32, #tpu.memory_space<hbm>> -> memref<8192x128xf32, #tpu.memory_space<hbm>>
      tpu.enqueue_indirect_dma source(%dma_start3A_43 : memref<8192x128xf32, #tpu.memory_space<hbm>>) target(%arg14 : memref<128x128xf32, #tpu.memory_space<vmem>>) offsets(%dma_start3A_40 : memref<128xi32, #tpu.memory_space<vmem>>) semaphore(%arg18 : memref<!tpu.dma_semaphore, #tpu.memory_space<semaphore_mem>>)
      %dma_wait3A = arith.constant 0 : i32
      %dma_wait3A_44 = arith.constant 0 : i32
      %dma_wait3A_45 = tpu.memref_slice %arg12[%dma_wait3A, %dma_wait3A_44] : memref<4x128xi32, #tpu.memory_space<vmem>> -> memref<1x128xi32, #tpu.memory_space<vmem>>
      %dma_wait3A_46 = tpu.memref_squeeze %dma_wait3A_45 : memref<1x128xi32, #tpu.memory_space<vmem>> -> memref<128xi32, #tpu.memory_space<vmem>>
      %dma_wait3A_47 = arith.constant 0 : i32
      %dma_wait3A_48 = arith.constant 0 : i32
      %dma_wait3A_49 = tpu.memref_slice %arg2[%dma_wait3A_47, %dma_wait3A_48] : memref<8192x128xf32, #tpu.memory_space<hbm>> -> memref<8192x128xf32, #tpu.memory_space<hbm>>
      tpu.wait_indirect_dma semaphore(%arg18 : memref<!tpu.dma_semaphore, #tpu.memory_space<semaphore_mem>>) src(%dma_wait3A_49 : memref<8192x128xf32, #tpu.memory_space<hbm>>) dst(%arg14 : memref<128x128xf32, #tpu.memory_space<vmem>>)
      %dma_start3A_50 = arith.constant 0 : i32
      %dma_start3A_51 = arith.constant 0 : i32
      %dma_start3A_52 = tpu.memref_slice %arg13[%dma_start3A_50, %dma_start3A_51] : memref<4x128xi32, #tpu.memory_space<vmem>> -> memref<1x128xi32, #tpu.memory_space<vmem>>
      %dma_start3A_53 = tpu.memref_squeeze %dma_start3A_52 : memref<1x128xi32, #tpu.memory_space<vmem>> -> memref<128xi32, #tpu.memory_space<vmem>>
      %dma_start3A_54 = arith.constant 0 : i32
      %dma_start3A_55 = arith.constant 0 : i32
      %dma_start3A_56 = tpu.memref_slice %arg17[%dma_start3A_54, %dma_start3A_55] : memref<8192x128xf32, #tpu.memory_space<vmem_shared>> -> memref<8192x128xf32, #tpu.memory_space<vmem_shared>>
      tpu.enqueue_indirect_dma source(%arg14 : memref<128x128xf32, #tpu.memory_space<vmem>>) target(%dma_start3A_56 : memref<8192x128xf32, #tpu.memory_space<vmem_shared>>) offsets(%dma_start3A_53 : memref<128xi32, #tpu.memory_space<vmem>>) semaphore(%arg19 : memref<!tpu.dma_semaphore, #tpu.memory_space<semaphore_mem>>) {add = true}
      %dma_start3A_57 = arith.constant 1 : i32
      %dma_start3A_58 = arith.constant 0 : i32
      %dma_start3A_59 = tpu.memref_slice %arg12[%dma_start3A_57, %dma_start3A_58] : memref<4x128xi32, #tpu.memory_space<vmem>> -> memref<1x128xi32, #tpu.memory_space<vmem>>
      %dma_start3A_60 = tpu.memref_squeeze %dma_start3A_59 : memref<1x128xi32, #tpu.memory_space<vmem>> -> memref<128xi32, #tpu.memory_space<vmem>>
      %dma_start3A_61 = arith.constant 0 : i32
      %dma_start3A_62 = arith.constant 0 : i32
      %dma_start3A_63 = tpu.memref_slice %arg2[%dma_start3A_61, %dma_start3A_62] : memref<8192x128xf32, #tpu.memory_space<hbm>> -> memref<8192x128xf32, #tpu.memory_space<hbm>>
      tpu.enqueue_indirect_dma source(%dma_start3A_63 : memref<8192x128xf32, #tpu.memory_space<hbm>>) target(%arg15 : memref<128x128xf32, #tpu.memory_space<vmem>>) offsets(%dma_start3A_60 : memref<128xi32, #tpu.memory_space<vmem>>) semaphore(%arg18 : memref<!tpu.dma_semaphore, #tpu.memory_space<semaphore_mem>>)
      %dma_wait3A_64 = arith.constant 1 : i32
      %dma_wait3A_65 = arith.constant 0 : i32
      %dma_wait3A_66 = tpu.memref_slice %arg12[%dma_wait3A_64, %dma_wait3A_65] : memref<4x128xi32, #tpu.memory_space<vmem>> -> memref<1x128xi32, #tpu.memory_space<vmem>>
      %dma_wait3A_67 = tpu.memref_squeeze %dma_wait3A_66 : memref<1x128xi32, #tpu.memory_space<vmem>> -> memref<128xi32, #tpu.memory_space<vmem>>
      %dma_wait3A_68 = arith.constant 0 : i32
      %dma_wait3A_69 = arith.constant 0 : i32
      %dma_wait3A_70 = tpu.memref_slice %arg2[%dma_wait3A_68, %dma_wait3A_69] : memref<8192x128xf32, #tpu.memory_space<hbm>> -> memref<8192x128xf32, #tpu.memory_space<hbm>>
      tpu.wait_indirect_dma semaphore(%arg18 : memref<!tpu.dma_semaphore, #tpu.memory_space<semaphore_mem>>) src(%dma_wait3A_70 : memref<8192x128xf32, #tpu.memory_space<hbm>>) dst(%arg15 : memref<128x128xf32, #tpu.memory_space<vmem>>)
      %dma_start3A_71 = arith.constant 1 : i32
      %dma_start3A_72 = arith.constant 0 : i32
      %dma_start3A_73 = tpu.memref_slice %arg13[%dma_start3A_71, %dma_start3A_72] : memref<4x128xi32, #tpu.memory_space<vmem>> -> memref<1x128xi32, #tpu.memory_space<vmem>>
      %dma_start3A_74 = tpu.memref_squeeze %dma_start3A_73 : memref<1x128xi32, #tpu.memory_space<vmem>> -> memref<128xi32, #tpu.memory_space<vmem>>
      %dma_start3A_75 = arith.constant 0 : i32
      %dma_start3A_76 = arith.constant 0 : i32
      %dma_start3A_77 = tpu.memref_slice %arg17[%dma_start3A_75, %dma_start3A_76] : memref<8192x128xf32, #tpu.memory_space<vmem_shared>> -> memref<8192x128xf32, #tpu.memory_space<vmem_shared>>
      tpu.enqueue_indirect_dma source(%arg15 : memref<128x128xf32, #tpu.memory_space<vmem>>) target(%dma_start3A_77 : memref<8192x128xf32, #tpu.memory_space<vmem_shared>>) offsets(%dma_start3A_74 : memref<128xi32, #tpu.memory_space<vmem>>) semaphore(%arg19 : memref<!tpu.dma_semaphore, #tpu.memory_space<semaphore_mem>>) {add = true}
      %dma_wait3A_78 = arith.constant 0 : i32
      %dma_wait3A_79 = arith.constant 0 : i32
      %dma_wait3A_80 = tpu.memref_slice %arg13[%dma_wait3A_78, %dma_wait3A_79] : memref<4x128xi32, #tpu.memory_space<vmem>> -> memref<1x128xi32, #tpu.memory_space<vmem>>
      %dma_wait3A_81 = tpu.memref_squeeze %dma_wait3A_80 : memref<1x128xi32, #tpu.memory_space<vmem>> -> memref<128xi32, #tpu.memory_space<vmem>>
      %dma_wait3A_82 = arith.constant 0 : i32
      %dma_wait3A_83 = arith.constant 0 : i32
      %dma_wait3A_84 = tpu.memref_slice %arg17[%dma_wait3A_82, %dma_wait3A_83] : memref<8192x128xf32, #tpu.memory_space<vmem_shared>> -> memref<8192x128xf32, #tpu.memory_space<vmem_shared>>
      tpu.wait_indirect_dma semaphore(%arg19 : memref<!tpu.dma_semaphore, #tpu.memory_space<semaphore_mem>>) src(%arg14 : memref<128x128xf32, #tpu.memory_space<vmem>>) dst(%dma_wait3A_84 : memref<8192x128xf32, #tpu.memory_space<vmem_shared>>)
      %dma_start3A_85 = arith.constant 2 : i32
      %dma_start3A_86 = arith.constant 0 : i32
      %dma_start3A_87 = tpu.memref_slice %arg12[%dma_start3A_85, %dma_start3A_86] : memref<4x128xi32, #tpu.memory_space<vmem>> -> memref<1x128xi32, #tpu.memory_space<vmem>>
      %dma_start3A_88 = tpu.memref_squeeze %dma_start3A_87 : memref<1x128xi32, #tpu.memory_space<vmem>> -> memref<128xi32, #tpu.memory_space<vmem>>
      %dma_start3A_89 = arith.constant 0 : i32
      %dma_start3A_90 = arith.constant 0 : i32
      %dma_start3A_91 = tpu.memref_slice %arg2[%dma_start3A_89, %dma_start3A_90] : memref<8192x128xf32, #tpu.memory_space<hbm>> -> memref<8192x128xf32, #tpu.memory_space<hbm>>
      tpu.enqueue_indirect_dma source(%dma_start3A_91 : memref<8192x128xf32, #tpu.memory_space<hbm>>) target(%arg14 : memref<128x128xf32, #tpu.memory_space<vmem>>) offsets(%dma_start3A_88 : memref<128xi32, #tpu.memory_space<vmem>>) semaphore(%arg18 : memref<!tpu.dma_semaphore, #tpu.memory_space<semaphore_mem>>)
      %dma_wait3A_92 = arith.constant 2 : i32
      %dma_wait3A_93 = arith.constant 0 : i32
      %dma_wait3A_94 = tpu.memref_slice %arg12[%dma_wait3A_92, %dma_wait3A_93] : memref<4x128xi32, #tpu.memory_space<vmem>> -> memref<1x128xi32, #tpu.memory_space<vmem>>
      %dma_wait3A_95 = tpu.memref_squeeze %dma_wait3A_94 : memref<1x128xi32, #tpu.memory_space<vmem>> -> memref<128xi32, #tpu.memory_space<vmem>>
      %dma_wait3A_96 = arith.constant 0 : i32
      %dma_wait3A_97 = arith.constant 0 : i32
      %dma_wait3A_98 = tpu.memref_slice %arg2[%dma_wait3A_96, %dma_wait3A_97] : memref<8192x128xf32, #tpu.memory_space<hbm>> -> memref<8192x128xf32, #tpu.memory_space<hbm>>
      tpu.wait_indirect_dma semaphore(%arg18 : memref<!tpu.dma_semaphore, #tpu.memory_space<semaphore_mem>>) src(%dma_wait3A_98 : memref<8192x128xf32, #tpu.memory_space<hbm>>) dst(%arg14 : memref<128x128xf32, #tpu.memory_space<vmem>>)
      %dma_start3A_99 = arith.constant 2 : i32
      %dma_start3A_100 = arith.constant 0 : i32
      %dma_start3A_101 = tpu.memref_slice %arg13[%dma_start3A_99, %dma_start3A_100] : memref<4x128xi32, #tpu.memory_space<vmem>> -> memref<1x128xi32, #tpu.memory_space<vmem>>
      %dma_start3A_102 = tpu.memref_squeeze %dma_start3A_101 : memref<1x128xi32, #tpu.memory_space<vmem>> -> memref<128xi32, #tpu.memory_space<vmem>>
      %dma_start3A_103 = arith.constant 0 : i32
      %dma_start3A_104 = arith.constant 0 : i32
      %dma_start3A_105 = tpu.memref_slice %arg17[%dma_start3A_103, %dma_start3A_104] : memref<8192x128xf32, #tpu.memory_space<vmem_shared>> -> memref<8192x128xf32, #tpu.memory_space<vmem_shared>>
      tpu.enqueue_indirect_dma source(%arg14 : memref<128x128xf32, #tpu.memory_space<vmem>>) target(%dma_start3A_105 : memref<8192x128xf32, #tpu.memory_space<vmem_shared>>) offsets(%dma_start3A_102 : memref<128xi32, #tpu.memory_space<vmem>>) semaphore(%arg19 : memref<!tpu.dma_semaphore, #tpu.memory_space<semaphore_mem>>) {add = true}
      %dma_wait3A_106 = arith.constant 1 : i32
      %dma_wait3A_107 = arith.constant 0 : i32
      %dma_wait3A_108 = tpu.memref_slice %arg13[%dma_wait3A_106, %dma_wait3A_107] : memref<4x128xi32, #tpu.memory_space<vmem>> -> memref<1x128xi32, #tpu.memory_space<vmem>>
      %dma_wait3A_109 = tpu.memref_squeeze %dma_wait3A_108 : memref<1x128xi32, #tpu.memory_space<vmem>> -> memref<128xi32, #tpu.memory_space<vmem>>
      %dma_wait3A_110 = arith.constant 0 : i32
      %dma_wait3A_111 = arith.constant 0 : i32
      %dma_wait3A_112 = tpu.memref_slice %arg17[%dma_wait3A_110, %dma_wait3A_111] : memref<8192x128xf32, #tpu.memory_space<vmem_shared>> -> memref<8192x128xf32, #tpu.memory_space<vmem_shared>>
      tpu.wait_indirect_dma semaphore(%arg19 : memref<!tpu.dma_semaphore, #tpu.memory_space<semaphore_mem>>) src(%arg15 : memref<128x128xf32, #tpu.memory_space<vmem>>) dst(%dma_wait3A_112 : memref<8192x128xf32, #tpu.memory_space<vmem_shared>>)
      %dma_start3A_113 = arith.constant 3 : i32
      %dma_start3A_114 = arith.constant 0 : i32
      %dma_start3A_115 = tpu.memref_slice %arg12[%dma_start3A_113, %dma_start3A_114] : memref<4x128xi32, #tpu.memory_space<vmem>> -> memref<1x128xi32, #tpu.memory_space<vmem>>
      %dma_start3A_116 = tpu.memref_squeeze %dma_start3A_115 : memref<1x128xi32, #tpu.memory_space<vmem>> -> memref<128xi32, #tpu.memory_space<vmem>>
      %dma_start3A_117 = arith.constant 0 : i32
      %dma_start3A_118 = arith.constant 0 : i32
      %dma_start3A_119 = tpu.memref_slice %arg2[%dma_start3A_117, %dma_start3A_118] : memref<8192x128xf32, #tpu.memory_space<hbm>> -> memref<8192x128xf32, #tpu.memory_space<hbm>>
      tpu.enqueue_indirect_dma source(%dma_start3A_119 : memref<8192x128xf32, #tpu.memory_space<hbm>>) target(%arg15 : memref<128x128xf32, #tpu.memory_space<vmem>>) offsets(%dma_start3A_116 : memref<128xi32, #tpu.memory_space<vmem>>) semaphore(%arg18 : memref<!tpu.dma_semaphore, #tpu.memory_space<semaphore_mem>>)
      %dma_wait3A_120 = arith.constant 3 : i32
      %dma_wait3A_121 = arith.constant 0 : i32
      %dma_wait3A_122 = tpu.memref_slice %arg12[%dma_wait3A_120, %dma_wait3A_121] : memref<4x128xi32, #tpu.memory_space<vmem>> -> memref<1x128xi32, #tpu.memory_space<vmem>>
      %dma_wait3A_123 = tpu.memref_squeeze %dma_wait3A_122 : memref<1x128xi32, #tpu.memory_space<vmem>> -> memref<128xi32, #tpu.memory_space<vmem>>
      %dma_wait3A_124 = arith.constant 0 : i32
      %dma_wait3A_125 = arith.constant 0 : i32
      %dma_wait3A_126 = tpu.memref_slice %arg2[%dma_wait3A_124, %dma_wait3A_125] : memref<8192x128xf32, #tpu.memory_space<hbm>> -> memref<8192x128xf32, #tpu.memory_space<hbm>>
      tpu.wait_indirect_dma semaphore(%arg18 : memref<!tpu.dma_semaphore, #tpu.memory_space<semaphore_mem>>) src(%dma_wait3A_126 : memref<8192x128xf32, #tpu.memory_space<hbm>>) dst(%arg15 : memref<128x128xf32, #tpu.memory_space<vmem>>)
      %dma_start3A_127 = arith.constant 3 : i32
      %dma_start3A_128 = arith.constant 0 : i32
      %dma_start3A_129 = tpu.memref_slice %arg13[%dma_start3A_127, %dma_start3A_128] : memref<4x128xi32, #tpu.memory_space<vmem>> -> memref<1x128xi32, #tpu.memory_space<vmem>>
      %dma_start3A_130 = tpu.memref_squeeze %dma_start3A_129 : memref<1x128xi32, #tpu.memory_space<vmem>> -> memref<128xi32, #tpu.memory_space<vmem>>
      %dma_start3A_131 = arith.constant 0 : i32
      %dma_start3A_132 = arith.constant 0 : i32
      %dma_start3A_133 = tpu.memref_slice %arg17[%dma_start3A_131, %dma_start3A_132] : memref<8192x128xf32, #tpu.memory_space<vmem_shared>> -> memref<8192x128xf32, #tpu.memory_space<vmem_shared>>
      tpu.enqueue_indirect_dma source(%arg15 : memref<128x128xf32, #tpu.memory_space<vmem>>) target(%dma_start3A_133 : memref<8192x128xf32, #tpu.memory_space<vmem_shared>>) offsets(%dma_start3A_130 : memref<128xi32, #tpu.memory_space<vmem>>) semaphore(%arg19 : memref<!tpu.dma_semaphore, #tpu.memory_space<semaphore_mem>>) {add = true}
      %dma_wait3A_134 = arith.constant 2 : i32
      %dma_wait3A_135 = arith.constant 0 : i32
      %dma_wait3A_136 = tpu.memref_slice %arg13[%dma_wait3A_134, %dma_wait3A_135] : memref<4x128xi32, #tpu.memory_space<vmem>> -> memref<1x128xi32, #tpu.memory_space<vmem>>
      %dma_wait3A_137 = tpu.memref_squeeze %dma_wait3A_136 : memref<1x128xi32, #tpu.memory_space<vmem>> -> memref<128xi32, #tpu.memory_space<vmem>>
      %dma_wait3A_138 = arith.constant 0 : i32
      %dma_wait3A_139 = arith.constant 0 : i32
      %dma_wait3A_140 = tpu.memref_slice %arg17[%dma_wait3A_138, %dma_wait3A_139] : memref<8192x128xf32, #tpu.memory_space<vmem_shared>> -> memref<8192x128xf32, #tpu.memory_space<vmem_shared>>
      tpu.wait_indirect_dma semaphore(%arg19 : memref<!tpu.dma_semaphore, #tpu.memory_space<semaphore_mem>>) src(%arg14 : memref<128x128xf32, #tpu.memory_space<vmem>>) dst(%dma_wait3A_140 : memref<8192x128xf32, #tpu.memory_space<vmem_shared>>)
      %dma_wait3A_141 = arith.constant 3 : i32
      %dma_wait3A_142 = arith.constant 0 : i32
      %dma_wait3A_143 = tpu.memref_slice %arg13[%dma_wait3A_141, %dma_wait3A_142] : memref<4x128xi32, #tpu.memory_space<vmem>> -> memref<1x128xi32, #tpu.memory_space<vmem>>
      %dma_wait3A_144 = tpu.memref_squeeze %dma_wait3A_143 : memref<1x128xi32, #tpu.memory_space<vmem>> -> memref<128xi32, #tpu.memory_space<vmem>>
      %dma_wait3A_145 = arith.constant 0 : i32
      %dma_wait3A_146 = arith.constant 0 : i32
      %dma_wait3A_147 = tpu.memref_slice %arg17[%dma_wait3A_145, %dma_wait3A_146] : memref<8192x128xf32, #tpu.memory_space<vmem_shared>> -> memref<8192x128xf32, #tpu.memory_space<vmem_shared>>
      tpu.wait_indirect_dma semaphore(%arg19 : memref<!tpu.dma_semaphore, #tpu.memory_space<semaphore_mem>>) src(%arg15 : memref<128x128xf32, #tpu.memory_space<vmem>>) dst(%dma_wait3A_147 : memref<8192x128xf32, #tpu.memory_space<vmem_shared>>)
    }
    %scan3A_9 = arith.constant 8 : i32
    %barrier3A_10 = arith.constant 0 : index
    tpu.barrier barrier_id(%barrier3A_10)
    %mul3A_11 = arith.constant 8192 : i32
    %mul3A_12 = arith.muli %arg0, %mul3A_11 : i32
    %add3A_13 = arith.addi %mul3A_12, %mul3A_0 : i32
    "tpu.region"() ({
      %run_scoped3A = tpu.sem_alloc : memref<!tpu.dma_semaphore, #tpu.memory_space<semaphore_mem>>
      %dma_start3A = arith.constant 0 : i32
      %dma_start3A_34 = tpu.memref_slice %arg10[%add3A_13, %dma_start3A] : memref<16384x128xf32, #tpu.memory_space<hbm>> -> memref<512x128xf32, #tpu.memory_space<hbm>>
      %dma_start3A_35 = arith.constant 0 : i32
      %dma_start3A_36 = tpu.memref_slice %arg17[%mul3A_0, %dma_start3A_35] : memref<8192x128xf32, #tpu.memory_space<vmem_shared>> -> memref<512x128xf32, #tpu.memory_space<vmem_shared>>
      tpu.enqueue_dma source(%dma_start3A_36 : memref<512x128xf32, #tpu.memory_space<vmem_shared>>) target(%dma_start3A_34 : memref<512x128xf32, #tpu.memory_space<hbm>>) target_semaphore(%run_scoped3A : memref<!tpu.dma_semaphore, #tpu.memory_space<semaphore_mem>>)
      %dma_wait3A = arith.constant 0 : i32
      %dma_wait3A_37 = tpu.memref_slice %arg10[%add3A_13, %dma_wait3A] : memref<16384x128xf32, #tpu.memory_space<hbm>> -> memref<512x128xf32, #tpu.memory_space<hbm>>
      %dma_wait3A_38 = arith.constant 0 : i32
      %dma_wait3A_39 = tpu.memref_slice %arg17[%mul3A_0, %dma_wait3A_38] : memref<8192x128xf32, #tpu.memory_space<vmem_shared>> -> memref<512x128xf32, #tpu.memory_space<vmem_shared>>
      tpu.wait_dma2 semaphore(%run_scoped3A : memref<!tpu.dma_semaphore, #tpu.memory_space<semaphore_mem>>) src(%dma_wait3A_39 : memref<512x128xf32, #tpu.memory_space<vmem_shared>>) dst(%dma_wait3A_37 : memref<512x128xf32, #tpu.memory_space<hbm>>)
      tpu.yield
    }) : () -> ()
    %barrier3A_14 = arith.constant 0 : index
    tpu.barrier barrier_id(%barrier3A_14)
    %mul3A_15 = arith.constant 448 : i32
    %mul3A_16 = arith.muli %arg1, %mul3A_15 : i32
    "tpu.region"() ({
      %run_scoped3A = tpu.sem_alloc : memref<!tpu.dma_semaphore, #tpu.memory_space<semaphore_mem>>
      %dma_start3A = arith.constant 0 : i32
      %dma_start3A_34 = tpu.memref_slice %arg17[%mul3A_16, %dma_start3A] : memref<8192x128xf32, #tpu.memory_space<vmem_shared>> -> memref<448x128xf32, #tpu.memory_space<vmem_shared>>
      tpu.enqueue_dma source(%arg9 : memref<448x128xf32, #tpu.memory_space<hbm>>) target(%dma_start3A_34 : memref<448x128xf32, #tpu.memory_space<vmem_shared>>) target_semaphore(%run_scoped3A : memref<!tpu.dma_semaphore, #tpu.memory_space<semaphore_mem>>)
      %dma_wait3A = arith.constant 0 : i32
      %dma_wait3A_35 = tpu.memref_slice %arg17[%mul3A_16, %dma_wait3A] : memref<8192x128xf32, #tpu.memory_space<vmem_shared>> -> memref<448x128xf32, #tpu.memory_space<vmem_shared>>
      tpu.wait_dma2 semaphore(%run_scoped3A : memref<!tpu.dma_semaphore, #tpu.memory_space<semaphore_mem>>) src(%arg9 : memref<448x128xf32, #tpu.memory_space<hbm>>) dst(%dma_wait3A_35 : memref<448x128xf32, #tpu.memory_space<vmem_shared>>)
      tpu.yield
    }) : () -> ()
    %barrier3A_17 = arith.constant 0 : index
    tpu.barrier barrier_id(%barrier3A_17)
    %mul3A_18 = arith.constant 16 : i32
    %mul3A_19 = arith.muli %arg0, %mul3A_18 : i32
    %add3A_20 = arith.addi %mul3A_19, %arg1 : i32
    %mul3A_21 = arith.constant 28 : i32
    %mul3A_22 = arith.muli %add3A_20, %mul3A_21 : i32
    %scan3A_23 = arith.constant 0 : i32
    %scan3A_24 = arith.constant 0 : i32
    %scan3A_25 = arith.constant 7 : i32
    %scan3A_26 = arith.addi %scan3A_24, %scan3A_25 : i32
    %scan3A_27 = arith.constant 1 : i32
    scf.for %scan3A_34 = %scan3A_24 to %scan3A_26 step %scan3A_27  : i32 {
      %mul3A_35 = arith.constant 4 : i32
      %mul3A_36 = arith.muli %scan3A_34, %mul3A_35 : i32
      %add3A_37 = arith.addi %mul3A_22, %mul3A_36 : i32
      "tpu.region"() ({
        %run_scoped3A = tpu.sem_alloc : memref<!tpu.dma_semaphore, #tpu.memory_space<semaphore_mem>>
        %dma_start3A_148 = arith.constant 0 : i32
        %dma_start3A_149 = tpu.memref_slice %arg6[%add3A_37, %dma_start3A_148] : memref<896x128xi32, #tpu.memory_space<hbm>> -> memref<4x128xi32, #tpu.memory_space<hbm>>
        %dma_start3A_150 = arith.constant 0 : i32
        %dma_start3A_151 = tpu.memref_slice %arg6[%add3A_37, %dma_start3A_150] : memref<896x128xi32, #tpu.memory_space<hbm>> -> memref<4x128xi32, #tpu.memory_space<hbm>>
        tpu.enqueue_dma source(%dma_start3A_151 : memref<4x128xi32, #tpu.memory_space<hbm>>) target(%arg12 : memref<4x128xi32, #tpu.memory_space<vmem>>) target_semaphore(%run_scoped3A : memref<!tpu.dma_semaphore, #tpu.memory_space<semaphore_mem>>)
        %dma_wait3A_152 = arith.constant 0 : i32
        %dma_wait3A_153 = tpu.memref_slice %arg6[%add3A_37, %dma_wait3A_152] : memref<896x128xi32, #tpu.memory_space<hbm>> -> memref<4x128xi32, #tpu.memory_space<hbm>>
        %dma_wait3A_154 = arith.constant 0 : i32
        %dma_wait3A_155 = tpu.memref_slice %arg6[%add3A_37, %dma_wait3A_154] : memref<896x128xi32, #tpu.memory_space<hbm>> -> memref<4x128xi32, #tpu.memory_space<hbm>>
        tpu.wait_dma2 semaphore(%run_scoped3A : memref<!tpu.dma_semaphore, #tpu.memory_space<semaphore_mem>>) src(%dma_wait3A_155 : memref<4x128xi32, #tpu.memory_space<hbm>>) dst(%arg12 : memref<4x128xi32, #tpu.memory_space<vmem>>)
        tpu.yield
      }) : () -> ()
      "tpu.region"() ({
        %run_scoped3A = tpu.sem_alloc : memref<!tpu.dma_semaphore, #tpu.memory_space<semaphore_mem>>
        %dma_start3A_148 = arith.constant 0 : i32
        %dma_start3A_149 = tpu.memref_slice %arg7[%add3A_37, %dma_start3A_148] : memref<896x128xi32, #tpu.memory_space<hbm>> -> memref<4x128xi32, #tpu.memory_space<hbm>>
        %dma_start3A_150 = arith.constant 0 : i32
        %dma_start3A_151 = tpu.memref_slice %arg7[%add3A_37, %dma_start3A_150] : memref<896x128xi32, #tpu.memory_space<hbm>> -> memref<4x128xi32, #tpu.memory_space<hbm>>
        tpu.enqueue_dma source(%dma_start3A_151 : memref<4x128xi32, #tpu.memory_space<hbm>>) target(%arg13 : memref<4x128xi32, #tpu.memory_space<vmem>>) target_semaphore(%run_scoped3A : memref<!tpu.dma_semaphore, #tpu.memory_space<semaphore_mem>>)
        %dma_wait3A_152 = arith.constant 0 : i32
        %dma_wait3A_153 = tpu.memref_slice %arg7[%add3A_37, %dma_wait3A_152] : memref<896x128xi32, #tpu.memory_space<hbm>> -> memref<4x128xi32, #tpu.memory_space<hbm>>
        %dma_wait3A_154 = arith.constant 0 : i32
        %dma_wait3A_155 = tpu.memref_slice %arg7[%add3A_37, %dma_wait3A_154] : memref<896x128xi32, #tpu.memory_space<hbm>> -> memref<4x128xi32, #tpu.memory_space<hbm>>
        tpu.wait_dma2 semaphore(%run_scoped3A : memref<!tpu.dma_semaphore, #tpu.memory_space<semaphore_mem>>) src(%dma_wait3A_155 : memref<4x128xi32, #tpu.memory_space<hbm>>) dst(%arg13 : memref<4x128xi32, #tpu.memory_space<vmem>>)
        tpu.yield
      }) : () -> ()
      %dma_start3A = arith.constant 0 : i32
      %dma_start3A_38 = arith.constant 0 : i32
      %dma_start3A_39 = tpu.memref_slice %arg12[%dma_start3A, %dma_start3A_38] : memref<4x128xi32, #tpu.memory_space<vmem>> -> memref<1x128xi32, #tpu.memory_space<vmem>>
      %dma_start3A_40 = tpu.memref_squeeze %dma_start3A_39 : memref<1x128xi32, #tpu.memory_space<vmem>> -> memref<128xi32, #tpu.memory_space<vmem>>
      %dma_start3A_41 = arith.constant 0 : i32
      %dma_start3A_42 = arith.constant 0 : i32
      %dma_start3A_43 = tpu.memref_slice %arg5[%dma_start3A_41, %dma_start3A_42] : memref<7168x128xf32, #tpu.memory_space<hbm>> -> memref<7168x128xf32, #tpu.memory_space<hbm>>
      tpu.enqueue_indirect_dma source(%dma_start3A_43 : memref<7168x128xf32, #tpu.memory_space<hbm>>) target(%arg14 : memref<128x128xf32, #tpu.memory_space<vmem>>) offsets(%dma_start3A_40 : memref<128xi32, #tpu.memory_space<vmem>>) semaphore(%arg18 : memref<!tpu.dma_semaphore, #tpu.memory_space<semaphore_mem>>)
      %dma_wait3A = arith.constant 0 : i32
      %dma_wait3A_44 = arith.constant 0 : i32
      %dma_wait3A_45 = tpu.memref_slice %arg12[%dma_wait3A, %dma_wait3A_44] : memref<4x128xi32, #tpu.memory_space<vmem>> -> memref<1x128xi32, #tpu.memory_space<vmem>>
      %dma_wait3A_46 = tpu.memref_squeeze %dma_wait3A_45 : memref<1x128xi32, #tpu.memory_space<vmem>> -> memref<128xi32, #tpu.memory_space<vmem>>
      %dma_wait3A_47 = arith.constant 0 : i32
      %dma_wait3A_48 = arith.constant 0 : i32
      %dma_wait3A_49 = tpu.memref_slice %arg5[%dma_wait3A_47, %dma_wait3A_48] : memref<7168x128xf32, #tpu.memory_space<hbm>> -> memref<7168x128xf32, #tpu.memory_space<hbm>>
      tpu.wait_indirect_dma semaphore(%arg18 : memref<!tpu.dma_semaphore, #tpu.memory_space<semaphore_mem>>) src(%dma_wait3A_49 : memref<7168x128xf32, #tpu.memory_space<hbm>>) dst(%arg14 : memref<128x128xf32, #tpu.memory_space<vmem>>)
      %dma_start3A_50 = arith.constant 0 : i32
      %dma_start3A_51 = arith.constant 0 : i32
      %dma_start3A_52 = tpu.memref_slice %arg13[%dma_start3A_50, %dma_start3A_51] : memref<4x128xi32, #tpu.memory_space<vmem>> -> memref<1x128xi32, #tpu.memory_space<vmem>>
      %dma_start3A_53 = tpu.memref_squeeze %dma_start3A_52 : memref<1x128xi32, #tpu.memory_space<vmem>> -> memref<128xi32, #tpu.memory_space<vmem>>
      %dma_start3A_54 = arith.constant 0 : i32
      %dma_start3A_55 = arith.constant 0 : i32
      %dma_start3A_56 = tpu.memref_slice %arg17[%dma_start3A_54, %dma_start3A_55] : memref<8192x128xf32, #tpu.memory_space<vmem_shared>> -> memref<8192x128xf32, #tpu.memory_space<vmem_shared>>
      tpu.enqueue_indirect_dma source(%arg14 : memref<128x128xf32, #tpu.memory_space<vmem>>) target(%dma_start3A_56 : memref<8192x128xf32, #tpu.memory_space<vmem_shared>>) offsets(%dma_start3A_53 : memref<128xi32, #tpu.memory_space<vmem>>) semaphore(%arg19 : memref<!tpu.dma_semaphore, #tpu.memory_space<semaphore_mem>>) {add = true}
      %dma_start3A_57 = arith.constant 1 : i32
      %dma_start3A_58 = arith.constant 0 : i32
      %dma_start3A_59 = tpu.memref_slice %arg12[%dma_start3A_57, %dma_start3A_58] : memref<4x128xi32, #tpu.memory_space<vmem>> -> memref<1x128xi32, #tpu.memory_space<vmem>>
      %dma_start3A_60 = tpu.memref_squeeze %dma_start3A_59 : memref<1x128xi32, #tpu.memory_space<vmem>> -> memref<128xi32, #tpu.memory_space<vmem>>
      %dma_start3A_61 = arith.constant 0 : i32
      %dma_start3A_62 = arith.constant 0 : i32
      %dma_start3A_63 = tpu.memref_slice %arg5[%dma_start3A_61, %dma_start3A_62] : memref<7168x128xf32, #tpu.memory_space<hbm>> -> memref<7168x128xf32, #tpu.memory_space<hbm>>
      tpu.enqueue_indirect_dma source(%dma_start3A_63 : memref<7168x128xf32, #tpu.memory_space<hbm>>) target(%arg15 : memref<128x128xf32, #tpu.memory_space<vmem>>) offsets(%dma_start3A_60 : memref<128xi32, #tpu.memory_space<vmem>>) semaphore(%arg18 : memref<!tpu.dma_semaphore, #tpu.memory_space<semaphore_mem>>)
      %dma_wait3A_64 = arith.constant 1 : i32
      %dma_wait3A_65 = arith.constant 0 : i32
      %dma_wait3A_66 = tpu.memref_slice %arg12[%dma_wait3A_64, %dma_wait3A_65] : memref<4x128xi32, #tpu.memory_space<vmem>> -> memref<1x128xi32, #tpu.memory_space<vmem>>
      %dma_wait3A_67 = tpu.memref_squeeze %dma_wait3A_66 : memref<1x128xi32, #tpu.memory_space<vmem>> -> memref<128xi32, #tpu.memory_space<vmem>>
      %dma_wait3A_68 = arith.constant 0 : i32
      %dma_wait3A_69 = arith.constant 0 : i32
      %dma_wait3A_70 = tpu.memref_slice %arg5[%dma_wait3A_68, %dma_wait3A_69] : memref<7168x128xf32, #tpu.memory_space<hbm>> -> memref<7168x128xf32, #tpu.memory_space<hbm>>
      tpu.wait_indirect_dma semaphore(%arg18 : memref<!tpu.dma_semaphore, #tpu.memory_space<semaphore_mem>>) src(%dma_wait3A_70 : memref<7168x128xf32, #tpu.memory_space<hbm>>) dst(%arg15 : memref<128x128xf32, #tpu.memory_space<vmem>>)
      %dma_start3A_71 = arith.constant 1 : i32
      %dma_start3A_72 = arith.constant 0 : i32
      %dma_start3A_73 = tpu.memref_slice %arg13[%dma_start3A_71, %dma_start3A_72] : memref<4x128xi32, #tpu.memory_space<vmem>> -> memref<1x128xi32, #tpu.memory_space<vmem>>
      %dma_start3A_74 = tpu.memref_squeeze %dma_start3A_73 : memref<1x128xi32, #tpu.memory_space<vmem>> -> memref<128xi32, #tpu.memory_space<vmem>>
      %dma_start3A_75 = arith.constant 0 : i32
      %dma_start3A_76 = arith.constant 0 : i32
      %dma_start3A_77 = tpu.memref_slice %arg17[%dma_start3A_75, %dma_start3A_76] : memref<8192x128xf32, #tpu.memory_space<vmem_shared>> -> memref<8192x128xf32, #tpu.memory_space<vmem_shared>>
      tpu.enqueue_indirect_dma source(%arg15 : memref<128x128xf32, #tpu.memory_space<vmem>>) target(%dma_start3A_77 : memref<8192x128xf32, #tpu.memory_space<vmem_shared>>) offsets(%dma_start3A_74 : memref<128xi32, #tpu.memory_space<vmem>>) semaphore(%arg19 : memref<!tpu.dma_semaphore, #tpu.memory_space<semaphore_mem>>) {add = true}
      %dma_wait3A_78 = arith.constant 0 : i32
      %dma_wait3A_79 = arith.constant 0 : i32
      %dma_wait3A_80 = tpu.memref_slice %arg13[%dma_wait3A_78, %dma_wait3A_79] : memref<4x128xi32, #tpu.memory_space<vmem>> -> memref<1x128xi32, #tpu.memory_space<vmem>>
      %dma_wait3A_81 = tpu.memref_squeeze %dma_wait3A_80 : memref<1x128xi32, #tpu.memory_space<vmem>> -> memref<128xi32, #tpu.memory_space<vmem>>
      %dma_wait3A_82 = arith.constant 0 : i32
      %dma_wait3A_83 = arith.constant 0 : i32
      %dma_wait3A_84 = tpu.memref_slice %arg17[%dma_wait3A_82, %dma_wait3A_83] : memref<8192x128xf32, #tpu.memory_space<vmem_shared>> -> memref<8192x128xf32, #tpu.memory_space<vmem_shared>>
      tpu.wait_indirect_dma semaphore(%arg19 : memref<!tpu.dma_semaphore, #tpu.memory_space<semaphore_mem>>) src(%arg14 : memref<128x128xf32, #tpu.memory_space<vmem>>) dst(%dma_wait3A_84 : memref<8192x128xf32, #tpu.memory_space<vmem_shared>>)
      %dma_start3A_85 = arith.constant 2 : i32
      %dma_start3A_86 = arith.constant 0 : i32
      %dma_start3A_87 = tpu.memref_slice %arg12[%dma_start3A_85, %dma_start3A_86] : memref<4x128xi32, #tpu.memory_space<vmem>> -> memref<1x128xi32, #tpu.memory_space<vmem>>
      %dma_start3A_88 = tpu.memref_squeeze %dma_start3A_87 : memref<1x128xi32, #tpu.memory_space<vmem>> -> memref<128xi32, #tpu.memory_space<vmem>>
      %dma_start3A_89 = arith.constant 0 : i32
      %dma_start3A_90 = arith.constant 0 : i32
      %dma_start3A_91 = tpu.memref_slice %arg5[%dma_start3A_89, %dma_start3A_90] : memref<7168x128xf32, #tpu.memory_space<hbm>> -> memref<7168x128xf32, #tpu.memory_space<hbm>>
      tpu.enqueue_indirect_dma source(%dma_start3A_91 : memref<7168x128xf32, #tpu.memory_space<hbm>>) target(%arg14 : memref<128x128xf32, #tpu.memory_space<vmem>>) offsets(%dma_start3A_88 : memref<128xi32, #tpu.memory_space<vmem>>) semaphore(%arg18 : memref<!tpu.dma_semaphore, #tpu.memory_space<semaphore_mem>>)
      %dma_wait3A_92 = arith.constant 2 : i32
      %dma_wait3A_93 = arith.constant 0 : i32
      %dma_wait3A_94 = tpu.memref_slice %arg12[%dma_wait3A_92, %dma_wait3A_93] : memref<4x128xi32, #tpu.memory_space<vmem>> -> memref<1x128xi32, #tpu.memory_space<vmem>>
      %dma_wait3A_95 = tpu.memref_squeeze %dma_wait3A_94 : memref<1x128xi32, #tpu.memory_space<vmem>> -> memref<128xi32, #tpu.memory_space<vmem>>
      %dma_wait3A_96 = arith.constant 0 : i32
      %dma_wait3A_97 = arith.constant 0 : i32
      %dma_wait3A_98 = tpu.memref_slice %arg5[%dma_wait3A_96, %dma_wait3A_97] : memref<7168x128xf32, #tpu.memory_space<hbm>> -> memref<7168x128xf32, #tpu.memory_space<hbm>>
      tpu.wait_indirect_dma semaphore(%arg18 : memref<!tpu.dma_semaphore, #tpu.memory_space<semaphore_mem>>) src(%dma_wait3A_98 : memref<7168x128xf32, #tpu.memory_space<hbm>>) dst(%arg14 : memref<128x128xf32, #tpu.memory_space<vmem>>)
      %dma_start3A_99 = arith.constant 2 : i32
      %dma_start3A_100 = arith.constant 0 : i32
      %dma_start3A_101 = tpu.memref_slice %arg13[%dma_start3A_99, %dma_start3A_100] : memref<4x128xi32, #tpu.memory_space<vmem>> -> memref<1x128xi32, #tpu.memory_space<vmem>>
      %dma_start3A_102 = tpu.memref_squeeze %dma_start3A_101 : memref<1x128xi32, #tpu.memory_space<vmem>> -> memref<128xi32, #tpu.memory_space<vmem>>
      %dma_start3A_103 = arith.constant 0 : i32
      %dma_start3A_104 = arith.constant 0 : i32
      %dma_start3A_105 = tpu.memref_slice %arg17[%dma_start3A_103, %dma_start3A_104] : memref<8192x128xf32, #tpu.memory_space<vmem_shared>> -> memref<8192x128xf32, #tpu.memory_space<vmem_shared>>
      tpu.enqueue_indirect_dma source(%arg14 : memref<128x128xf32, #tpu.memory_space<vmem>>) target(%dma_start3A_105 : memref<8192x128xf32, #tpu.memory_space<vmem_shared>>) offsets(%dma_start3A_102 : memref<128xi32, #tpu.memory_space<vmem>>) semaphore(%arg19 : memref<!tpu.dma_semaphore, #tpu.memory_space<semaphore_mem>>) {add = true}
      %dma_wait3A_106 = arith.constant 1 : i32
      %dma_wait3A_107 = arith.constant 0 : i32
      %dma_wait3A_108 = tpu.memref_slice %arg13[%dma_wait3A_106, %dma_wait3A_107] : memref<4x128xi32, #tpu.memory_space<vmem>> -> memref<1x128xi32, #tpu.memory_space<vmem>>
      %dma_wait3A_109 = tpu.memref_squeeze %dma_wait3A_108 : memref<1x128xi32, #tpu.memory_space<vmem>> -> memref<128xi32, #tpu.memory_space<vmem>>
      %dma_wait3A_110 = arith.constant 0 : i32
      %dma_wait3A_111 = arith.constant 0 : i32
      %dma_wait3A_112 = tpu.memref_slice %arg17[%dma_wait3A_110, %dma_wait3A_111] : memref<8192x128xf32, #tpu.memory_space<vmem_shared>> -> memref<8192x128xf32, #tpu.memory_space<vmem_shared>>
      tpu.wait_indirect_dma semaphore(%arg19 : memref<!tpu.dma_semaphore, #tpu.memory_space<semaphore_mem>>) src(%arg15 : memref<128x128xf32, #tpu.memory_space<vmem>>) dst(%dma_wait3A_112 : memref<8192x128xf32, #tpu.memory_space<vmem_shared>>)
      %dma_start3A_113 = arith.constant 3 : i32
      %dma_start3A_114 = arith.constant 0 : i32
      %dma_start3A_115 = tpu.memref_slice %arg12[%dma_start3A_113, %dma_start3A_114] : memref<4x128xi32, #tpu.memory_space<vmem>> -> memref<1x128xi32, #tpu.memory_space<vmem>>
      %dma_start3A_116 = tpu.memref_squeeze %dma_start3A_115 : memref<1x128xi32, #tpu.memory_space<vmem>> -> memref<128xi32, #tpu.memory_space<vmem>>
      %dma_start3A_117 = arith.constant 0 : i32
      %dma_start3A_118 = arith.constant 0 : i32
      %dma_start3A_119 = tpu.memref_slice %arg5[%dma_start3A_117, %dma_start3A_118] : memref<7168x128xf32, #tpu.memory_space<hbm>> -> memref<7168x128xf32, #tpu.memory_space<hbm>>
      tpu.enqueue_indirect_dma source(%dma_start3A_119 : memref<7168x128xf32, #tpu.memory_space<hbm>>) target(%arg15 : memref<128x128xf32, #tpu.memory_space<vmem>>) offsets(%dma_start3A_116 : memref<128xi32, #tpu.memory_space<vmem>>) semaphore(%arg18 : memref<!tpu.dma_semaphore, #tpu.memory_space<semaphore_mem>>)
      %dma_wait3A_120 = arith.constant 3 : i32
      %dma_wait3A_121 = arith.constant 0 : i32
      %dma_wait3A_122 = tpu.memref_slice %arg12[%dma_wait3A_120, %dma_wait3A_121] : memref<4x128xi32, #tpu.memory_space<vmem>> -> memref<1x128xi32, #tpu.memory_space<vmem>>
      %dma_wait3A_123 = tpu.memref_squeeze %dma_wait3A_122 : memref<1x128xi32, #tpu.memory_space<vmem>> -> memref<128xi32, #tpu.memory_space<vmem>>
      %dma_wait3A_124 = arith.constant 0 : i32
      %dma_wait3A_125 = arith.constant 0 : i32
      %dma_wait3A_126 = tpu.memref_slice %arg5[%dma_wait3A_124, %dma_wait3A_125] : memref<7168x128xf32, #tpu.memory_space<hbm>> -> memref<7168x128xf32, #tpu.memory_space<hbm>>
      tpu.wait_indirect_dma semaphore(%arg18 : memref<!tpu.dma_semaphore, #tpu.memory_space<semaphore_mem>>) src(%dma_wait3A_126 : memref<7168x128xf32, #tpu.memory_space<hbm>>) dst(%arg15 : memref<128x128xf32, #tpu.memory_space<vmem>>)
      %dma_start3A_127 = arith.constant 3 : i32
      %dma_start3A_128 = arith.constant 0 : i32
      %dma_start3A_129 = tpu.memref_slice %arg13[%dma_start3A_127, %dma_start3A_128] : memref<4x128xi32, #tpu.memory_space<vmem>> -> memref<1x128xi32, #tpu.memory_space<vmem>>
      %dma_start3A_130 = tpu.memref_squeeze %dma_start3A_129 : memref<1x128xi32, #tpu.memory_space<vmem>> -> memref<128xi32, #tpu.memory_space<vmem>>
      %dma_start3A_131 = arith.constant 0 : i32
      %dma_start3A_132 = arith.constant 0 : i32
      %dma_start3A_133 = tpu.memref_slice %arg17[%dma_start3A_131, %dma_start3A_132] : memref<8192x128xf32, #tpu.memory_space<vmem_shared>> -> memref<8192x128xf32, #tpu.memory_space<vmem_shared>>
      tpu.enqueue_indirect_dma source(%arg15 : memref<128x128xf32, #tpu.memory_space<vmem>>) target(%dma_start3A_133 : memref<8192x128xf32, #tpu.memory_space<vmem_shared>>) offsets(%dma_start3A_130 : memref<128xi32, #tpu.memory_space<vmem>>) semaphore(%arg19 : memref<!tpu.dma_semaphore, #tpu.memory_space<semaphore_mem>>) {add = true}
      %dma_wait3A_134 = arith.constant 2 : i32
      %dma_wait3A_135 = arith.constant 0 : i32
      %dma_wait3A_136 = tpu.memref_slice %arg13[%dma_wait3A_134, %dma_wait3A_135] : memref<4x128xi32, #tpu.memory_space<vmem>> -> memref<1x128xi32, #tpu.memory_space<vmem>>
      %dma_wait3A_137 = tpu.memref_squeeze %dma_wait3A_136 : memref<1x128xi32, #tpu.memory_space<vmem>> -> memref<128xi32, #tpu.memory_space<vmem>>
      %dma_wait3A_138 = arith.constant 0 : i32
      %dma_wait3A_139 = arith.constant 0 : i32
      %dma_wait3A_140 = tpu.memref_slice %arg17[%dma_wait3A_138, %dma_wait3A_139] : memref<8192x128xf32, #tpu.memory_space<vmem_shared>> -> memref<8192x128xf32, #tpu.memory_space<vmem_shared>>
      tpu.wait_indirect_dma semaphore(%arg19 : memref<!tpu.dma_semaphore, #tpu.memory_space<semaphore_mem>>) src(%arg14 : memref<128x128xf32, #tpu.memory_space<vmem>>) dst(%dma_wait3A_140 : memref<8192x128xf32, #tpu.memory_space<vmem_shared>>)
      %dma_wait3A_141 = arith.constant 3 : i32
      %dma_wait3A_142 = arith.constant 0 : i32
      %dma_wait3A_143 = tpu.memref_slice %arg13[%dma_wait3A_141, %dma_wait3A_142] : memref<4x128xi32, #tpu.memory_space<vmem>> -> memref<1x128xi32, #tpu.memory_space<vmem>>
      %dma_wait3A_144 = tpu.memref_squeeze %dma_wait3A_143 : memref<1x128xi32, #tpu.memory_space<vmem>> -> memref<128xi32, #tpu.memory_space<vmem>>
      %dma_wait3A_145 = arith.constant 0 : i32
      %dma_wait3A_146 = arith.constant 0 : i32
      %dma_wait3A_147 = tpu.memref_slice %arg17[%dma_wait3A_145, %dma_wait3A_146] : memref<8192x128xf32, #tpu.memory_space<vmem_shared>> -> memref<8192x128xf32, #tpu.memory_space<vmem_shared>>
      tpu.wait_indirect_dma semaphore(%arg19 : memref<!tpu.dma_semaphore, #tpu.memory_space<semaphore_mem>>) src(%arg15 : memref<128x128xf32, #tpu.memory_space<vmem>>) dst(%dma_wait3A_147 : memref<8192x128xf32, #tpu.memory_space<vmem_shared>>)
    }
    %scan3A_28 = arith.constant 7 : i32
    %barrier3A_29 = arith.constant 0 : index
    tpu.barrier barrier_id(%barrier3A_29)
    %mul3A_30 = arith.constant 7168 : i32
    %mul3A_31 = arith.muli %arg0, %mul3A_30 : i32
    %add3A_32 = arith.addi %mul3A_31, %mul3A_16 : i32
    "tpu.region"() ({
      %run_scoped3A = tpu.sem_alloc : memref<!tpu.dma_semaphore, #tpu.memory_space<semaphore_mem>>
      %dma_start3A = arith.constant 0 : i32
      %dma_start3A_34 = tpu.memref_slice %arg11[%add3A_32, %dma_start3A] : memref<14336x128xf32, #tpu.memory_space<hbm>> -> memref<448x128xf32, #tpu.memory_space<hbm>>
      %dma_start3A_35 = arith.constant 0 : i32
      %dma_start3A_36 = tpu.memref_slice %arg17[%mul3A_16, %dma_start3A_35] : memref<8192x128xf32, #tpu.memory_space<vmem_shared>> -> memref<448x128xf32, #tpu.memory_space<vmem_shared>>
      tpu.enqueue_dma source(%dma_start3A_36 : memref<448x128xf32, #tpu.memory_space<vmem_shared>>) target(%dma_start3A_34 : memref<448x128xf32, #tpu.memory_space<hbm>>) target_semaphore(%run_scoped3A : memref<!tpu.dma_semaphore, #tpu.memory_space<semaphore_mem>>)
      %dma_wait3A = arith.constant 0 : i32
      %dma_wait3A_37 = tpu.memref_slice %arg11[%add3A_32, %dma_wait3A] : memref<14336x128xf32, #tpu.memory_space<hbm>> -> memref<448x128xf32, #tpu.memory_space<hbm>>
      %dma_wait3A_38 = arith.constant 0 : i32
      %dma_wait3A_39 = tpu.memref_slice %arg17[%mul3A_16, %dma_wait3A_38] : memref<8192x128xf32, #tpu.memory_space<vmem_shared>> -> memref<448x128xf32, #tpu.memory_space<vmem_shared>>
      tpu.wait_dma2 semaphore(%run_scoped3A : memref<!tpu.dma_semaphore, #tpu.memory_space<semaphore_mem>>) src(%dma_wait3A_39 : memref<448x128xf32, #tpu.memory_space<vmem_shared>>) dst(%dma_wait3A_37 : memref<448x128xf32, #tpu.memory_space<hbm>>)
      tpu.yield
    }) : () -> ()
    %barrier3A_33 = arith.constant 0 : index
    tpu.barrier barrier_id(%barrier3A_33)
    return
  }
}

module attributes {stable_mosaic.version = 14 : i64} {
  func.func @body(%arg0: i32, %arg1: memref<512x64xf32, #tpu.memory_space<vmem>>, %arg2: memref<2x512x128xf32, #tpu.memory_space<vmem>>, %arg3: memref<128x128xf32, #tpu.memory_space<vmem>>, %arg4: memref<1x128xf32, #tpu.memory_space<vmem>>, %arg5: memref<64x128xf32, #tpu.memory_space<vmem>>, %arg6: memref<512x128xf32, #tpu.memory_space<vmem>>) attributes {dimension_semantics = [#tpu.dimension_semantics<arbitrary>], iteration_bounds = array<i64: 16>, scalar_prefetch = 0 : i64, scratch_operands = 0 : i64, tpu.core_type = #tpu.core_type<tc>, window_params = [{transform_indices = @transform_0, window_bounds = array<i64: 512, 64>}, {transform_indices = @transform_1, window_bounds = array<i64: 2, 512, 128>}, {pipeline_mode = #tpu.pipeline_mode<synchronous>, transform_indices = @transform_2, window_bounds = array<i64: 128, 128>}, {pipeline_mode = #tpu.pipeline_mode<synchronous>, transform_indices = @transform_3, window_bounds = array<i64: 1, 128>}, {pipeline_mode = #tpu.pipeline_mode<synchronous>, transform_indices = @transform_4, window_bounds = array<i64: 64, 128>}, {transform_indices = @transform_5, window_bounds = array<i64: 512, 128>}]} {
    %get3A = arith.constant 0 : index
    %get3A_0 = arith.constant 0 : index
    %get3A_1 = arith.constant 0 : index
    %get3A_2 = vector.load %arg2[%get3A, %get3A_0, %get3A_1] : memref<2x512x128xf32, #tpu.memory_space<vmem>>, vector<1x512x128xf32>
    %get3A_3 = vector.shape_cast %get3A_2 : vector<1x512x128xf32> to vector<512x128xf32>
    %get3A_4 = arith.constant 1 : index
    %get3A_5 = arith.constant 0 : index
    %get3A_6 = arith.constant 0 : index
    %get3A_7 = vector.load %arg2[%get3A_4, %get3A_5, %get3A_6] : memref<2x512x128xf32, #tpu.memory_space<vmem>>, vector<1x512x128xf32>
    %get3A_8 = vector.shape_cast %get3A_7 : vector<1x512x128xf32> to vector<512x128xf32>
    %add3A = arith.addf %get3A_3, %get3A_8 : vector<512x128xf32>
    %get3A_9 = arith.constant 0 : index
    %get3A_10 = arith.constant 0 : index
    %get3A_11 = vector.load %arg3[%get3A_9, %get3A_10] : memref<128x128xf32, #tpu.memory_space<vmem>>, vector<128x128xf32>
    %dot_general3A = arith.constant dense<0.000000e+00> : vector<512x128xf32>
    %dot_general3A_12 = tpu.matmul %add3A, %get3A_11, %dot_general3A {dimension_numbers = #tpu.dot_dimension_numbers<[1], [0], [0], [1], [0, 0, 1, 1], [], []>, precision = #tpu.contract_precision<fp32>, transpose_lhs_hint = false} : vector<512x128xf32>, vector<128x128xf32>, vector<512x128xf32> -> vector<512x128xf32>
    %get3A_13 = arith.constant 0 : index
    %get3A_14 = arith.constant 0 : index
    %get3A_15 = vector.load %arg1[%get3A_13, %get3A_14] : memref<512x64xf32, #tpu.memory_space<vmem>>, vector<512x64xf32>
    %get3A_16 = arith.constant 0 : index
    %get3A_17 = arith.constant 0 : index
    %get3A_18 = vector.load %arg5[%get3A_16, %get3A_17] : memref<64x128xf32, #tpu.memory_space<vmem>>, vector<64x128xf32>
    %dot_general3A_19 = arith.constant dense<0.000000e+00> : vector<512x128xf32>
    %dot_general3A_20 = tpu.matmul %get3A_15, %get3A_18, %dot_general3A_19 {dimension_numbers = #tpu.dot_dimension_numbers<[1], [0], [0], [1], [0, 0, 1, 1], [], []>, precision = #tpu.contract_precision<fp32>, transpose_lhs_hint = false} : vector<512x64xf32>, vector<64x128xf32>, vector<512x128xf32> -> vector<512x128xf32>
    %add3A_21 = arith.addf %dot_general3A_12, %dot_general3A_20 : vector<512x128xf32>
    %get3A_22 = arith.constant 0 : index
    %get3A_23 = arith.constant 0 : index
    %get3A_24 = vector.load %arg4[%get3A_22, %get3A_23] : memref<1x128xf32, #tpu.memory_space<vmem>>, vector<1x128xf32>
    %add3A_25 = vector.broadcast %get3A_24 : vector<1x128xf32> to vector<512x128xf32>
    %add3A_26 = arith.addf %add3A_21, %add3A_25 : vector<512x128xf32>
    %max3A = arith.constant 0.000000e+00 : f32
    %max3A_27 = vector.broadcast %max3A : f32 to vector<512x128xf32>
    %max3A_28 = arith.maximumf %add3A_26, %max3A_27 : vector<512x128xf32>
    %swap3A = arith.constant 0 : index
    %swap3A_29 = arith.constant 0 : index
    %swap3A_30 = vector.load %arg6[%swap3A, %swap3A_29] : memref<512x128xf32, #tpu.memory_space<vmem>>, vector<512x128xf32>
    tpu.vector_store %arg6[%swap3A, %swap3A_29], %max3A_28 {strides = array<i32>} : memref<512x128xf32, #tpu.memory_space<vmem>>, vector<512x128xf32>,
    return
  }
  func.func @transform_0(%arg0: i32) -> (i32, i32) {
    %c0_i32 = arith.constant 0 : i32
    %c0_i32_0 = arith.constant 0 : i32
    return %arg0, %c0_i32 : i32, i32
  }
  func.func @transform_1(%arg0: i32) -> (i32, i32, i32) {
    %c0_i32 = arith.constant 0 : i32
    %c0_i32_0 = arith.constant 0 : i32
    %c0_i32_1 = arith.constant 0 : i32
    return %c0_i32, %arg0, %c0_i32_0 : i32, i32, i32
  }
  func.func @transform_2(%arg0: i32) -> (i32, i32) {
    %c0_i32 = arith.constant 0 : i32
    %c0_i32_0 = arith.constant 0 : i32
    %c0_i32_1 = arith.constant 0 : i32
    return %c0_i32, %c0_i32_0 : i32, i32
  }
  func.func @transform_3(%arg0: i32) -> (i32, i32) {
    %c0_i32 = arith.constant 0 : i32
    %c0_i32_0 = arith.constant 0 : i32
    %c0_i32_1 = arith.constant 0 : i32
    return %c0_i32, %c0_i32_0 : i32, i32
  }
  func.func @transform_4(%arg0: i32) -> (i32, i32) {
    %c0_i32 = arith.constant 0 : i32
    %c0_i32_0 = arith.constant 0 : i32
    %c0_i32_1 = arith.constant 0 : i32
    return %c0_i32, %c0_i32_0 : i32, i32
  }
  func.func @transform_5(%arg0: i32) -> (i32, i32) {
    %c0_i32 = arith.constant 0 : i32
    %c0_i32_0 = arith.constant 0 : i32
    return %arg0, %c0_i32 : i32, i32
  }
}

module attributes {stable_mosaic.version = 14 : i64} {
  func.func @body(%arg0: i32, %arg1: memref<448x64xf32, #tpu.memory_space<vmem>>, %arg2: memref<2x448x128xf32, #tpu.memory_space<vmem>>, %arg3: memref<128x128xf32, #tpu.memory_space<vmem>>, %arg4: memref<1x128xf32, #tpu.memory_space<vmem>>, %arg5: memref<64x128xf32, #tpu.memory_space<vmem>>, %arg6: memref<448x128xf32, #tpu.memory_space<vmem>>) attributes {dimension_semantics = [#tpu.dimension_semantics<arbitrary>], iteration_bounds = array<i64: 16>, scalar_prefetch = 0 : i64, scratch_operands = 0 : i64, tpu.core_type = #tpu.core_type<tc>, window_params = [{transform_indices = @transform_0, window_bounds = array<i64: 448, 64>}, {transform_indices = @transform_1, window_bounds = array<i64: 2, 448, 128>}, {pipeline_mode = #tpu.pipeline_mode<synchronous>, transform_indices = @transform_2, window_bounds = array<i64: 128, 128>}, {pipeline_mode = #tpu.pipeline_mode<synchronous>, transform_indices = @transform_3, window_bounds = array<i64: 1, 128>}, {pipeline_mode = #tpu.pipeline_mode<synchronous>, transform_indices = @transform_4, window_bounds = array<i64: 64, 128>}, {transform_indices = @transform_5, window_bounds = array<i64: 448, 128>}]} {
    %get3A = arith.constant 0 : index
    %get3A_0 = arith.constant 0 : index
    %get3A_1 = arith.constant 0 : index
    %get3A_2 = vector.load %arg2[%get3A, %get3A_0, %get3A_1] : memref<2x448x128xf32, #tpu.memory_space<vmem>>, vector<1x448x128xf32>
    %get3A_3 = vector.shape_cast %get3A_2 : vector<1x448x128xf32> to vector<448x128xf32>
    %get3A_4 = arith.constant 1 : index
    %get3A_5 = arith.constant 0 : index
    %get3A_6 = arith.constant 0 : index
    %get3A_7 = vector.load %arg2[%get3A_4, %get3A_5, %get3A_6] : memref<2x448x128xf32, #tpu.memory_space<vmem>>, vector<1x448x128xf32>
    %get3A_8 = vector.shape_cast %get3A_7 : vector<1x448x128xf32> to vector<448x128xf32>
    %add3A = arith.addf %get3A_3, %get3A_8 : vector<448x128xf32>
    %get3A_9 = arith.constant 0 : index
    %get3A_10 = arith.constant 0 : index
    %get3A_11 = vector.load %arg3[%get3A_9, %get3A_10] : memref<128x128xf32, #tpu.memory_space<vmem>>, vector<128x128xf32>
    %dot_general3A = arith.constant dense<0.000000e+00> : vector<448x128xf32>
    %dot_general3A_12 = tpu.matmul %add3A, %get3A_11, %dot_general3A {dimension_numbers = #tpu.dot_dimension_numbers<[1], [0], [0], [1], [0, 0, 1, 1], [], []>, precision = #tpu.contract_precision<fp32>, transpose_lhs_hint = false} : vector<448x128xf32>, vector<128x128xf32>, vector<448x128xf32> -> vector<448x128xf32>
    %get3A_13 = arith.constant 0 : index
    %get3A_14 = arith.constant 0 : index
    %get3A_15 = vector.load %arg1[%get3A_13, %get3A_14] : memref<448x64xf32, #tpu.memory_space<vmem>>, vector<448x64xf32>
    %get3A_16 = arith.constant 0 : index
    %get3A_17 = arith.constant 0 : index
    %get3A_18 = vector.load %arg5[%get3A_16, %get3A_17] : memref<64x128xf32, #tpu.memory_space<vmem>>, vector<64x128xf32>
    %dot_general3A_19 = arith.constant dense<0.000000e+00> : vector<448x128xf32>
    %dot_general3A_20 = tpu.matmul %get3A_15, %get3A_18, %dot_general3A_19 {dimension_numbers = #tpu.dot_dimension_numbers<[1], [0], [0], [1], [0, 0, 1, 1], [], []>, precision = #tpu.contract_precision<fp32>, transpose_lhs_hint = false} : vector<448x64xf32>, vector<64x128xf32>, vector<448x128xf32> -> vector<448x128xf32>
    %add3A_21 = arith.addf %dot_general3A_12, %dot_general3A_20 : vector<448x128xf32>
    %get3A_22 = arith.constant 0 : index
    %get3A_23 = arith.constant 0 : index
    %get3A_24 = vector.load %arg4[%get3A_22, %get3A_23] : memref<1x128xf32, #tpu.memory_space<vmem>>, vector<1x128xf32>
    %add3A_25 = vector.broadcast %get3A_24 : vector<1x128xf32> to vector<448x128xf32>
    %add3A_26 = arith.addf %add3A_21, %add3A_25 : vector<448x128xf32>
    %max3A = arith.constant 0.000000e+00 : f32
    %max3A_27 = vector.broadcast %max3A : f32 to vector<448x128xf32>
    %max3A_28 = arith.maximumf %add3A_26, %max3A_27 : vector<448x128xf32>
    %swap3A = arith.constant 0 : index
    %swap3A_29 = arith.constant 0 : index
    %swap3A_30 = vector.load %arg6[%swap3A, %swap3A_29] : memref<448x128xf32, #tpu.memory_space<vmem>>, vector<448x128xf32>
    tpu.vector_store %arg6[%swap3A, %swap3A_29], %max3A_28 {strides = array<i32>} : memref<448x128xf32, #tpu.memory_space<vmem>>, vector<448x128xf32>,
    return
  }
  func.func @transform_0(%arg0: i32) -> (i32, i32) {
    %c0_i32 = arith.constant 0 : i32
    %c0_i32_0 = arith.constant 0 : i32
    return %arg0, %c0_i32 : i32, i32
  }
  func.func @transform_1(%arg0: i32) -> (i32, i32, i32) {
    %c0_i32 = arith.constant 0 : i32
    %c0_i32_0 = arith.constant 0 : i32
    %c0_i32_1 = arith.constant 0 : i32
    return %c0_i32, %arg0, %c0_i32_0 : i32, i32, i32
  }
  func.func @transform_2(%arg0: i32) -> (i32, i32) {
    %c0_i32 = arith.constant 0 : i32
    %c0_i32_0 = arith.constant 0 : i32
    %c0_i32_1 = arith.constant 0 : i32
    return %c0_i32, %c0_i32_0 : i32, i32
  }
  func.func @transform_3(%arg0: i32) -> (i32, i32) {
    %c0_i32 = arith.constant 0 : i32
    %c0_i32_0 = arith.constant 0 : i32
    %c0_i32_1 = arith.constant 0 : i32
    return %c0_i32, %c0_i32_0 : i32, i32
  }
  func.func @transform_4(%arg0: i32) -> (i32, i32) {
    %c0_i32 = arith.constant 0 : i32
    %c0_i32_0 = arith.constant 0 : i32
    %c0_i32_1 = arith.constant 0 : i32
    return %c0_i32, %c0_i32_0 : i32, i32
  }
  func.func @transform_5(%arg0: i32) -> (i32, i32) {
    %c0_i32 = arith.constant 0 : i32
    %c0_i32_0 = arith.constant 0 : i32
    return %arg0, %c0_i32 : i32, i32
  }
}

module attributes {stable_mosaic.version = 14 : i64} {
  func.func @body(%arg0: i32, %arg1: memref<512x64xf32, #tpu.memory_space<vmem>>, %arg2: memref<512x128xf32, #tpu.memory_space<vmem>>, %arg3: memref<2x512x128xf32, #tpu.memory_space<vmem>>, %arg4: memref<448x64xf32, #tpu.memory_space<vmem>>, %arg5: memref<448x128xf32, #tpu.memory_space<vmem>>, %arg6: memref<2x448x128xf32, #tpu.memory_space<vmem>>, %arg7: memref<128x128xf32, #tpu.memory_space<vmem>>, %arg8: memref<1x128xf32, #tpu.memory_space<vmem>>, %arg9: memref<128x128xf32, #tpu.memory_space<vmem>>, %arg10: memref<64x128xf32, #tpu.memory_space<vmem>>, %arg11: memref<128x128xf32, #tpu.memory_space<vmem>>, %arg12: memref<128x128xf32, #tpu.memory_space<vmem>>, %arg13: memref<1x128xf32, #tpu.memory_space<vmem>>, %arg14: memref<1x128xf32, #tpu.memory_space<vmem>>, %arg15: memref<512x512xf32, #tpu.memory_space<vmem>>, %arg16: memref<1x1x128xf32, #tpu.memory_space<vmem>>, %arg17: memref<1x1x128xf32, #tpu.memory_space<vmem>>, %arg18: memref<1x1x128xf32, #tpu.memory_space<vmem>>) attributes {dimension_semantics = [#tpu.dimension_semantics<arbitrary>], iteration_bounds = array<i64: 16>, scalar_prefetch = 0 : i64, scratch_operands = 0 : i64, tpu.core_type = #tpu.core_type<tc>, window_params = [{transform_indices = @transform_0, window_bounds = array<i64: 512, 64>}, {transform_indices = @transform_1, window_bounds = array<i64: 512, 128>}, {transform_indices = @transform_2, window_bounds = array<i64: 2, 512, 128>}, {transform_indices = @transform_3, window_bounds = array<i64: 448, 64>}, {transform_indices = @transform_4, window_bounds = array<i64: 448, 128>}, {transform_indices = @transform_5, window_bounds = array<i64: 2, 448, 128>}, {pipeline_mode = #tpu.pipeline_mode<synchronous>, transform_indices = @transform_6, window_bounds = array<i64: 128, 128>}, {pipeline_mode = #tpu.pipeline_mode<synchronous>, transform_indices = @transform_7, window_bounds = array<i64: 1, 128>}, {pipeline_mode = #tpu.pipeline_mode<synchronous>, transform_indices = @transform_8, window_bounds = array<i64: 128, 128>}, {pipeline_mode = #tpu.pipeline_mode<synchronous>, transform_indices = @transform_9, window_bounds = array<i64: 64, 128>}, {pipeline_mode = #tpu.pipeline_mode<synchronous>, transform_indices = @transform_10, window_bounds = array<i64: 128, 128>}, {pipeline_mode = #tpu.pipeline_mode<synchronous>, transform_indices = @transform_11, window_bounds = array<i64: 128, 128>}, {pipeline_mode = #tpu.pipeline_mode<synchronous>, transform_indices = @transform_12, window_bounds = array<i64: 1, 128>}, {pipeline_mode = #tpu.pipeline_mode<synchronous>, transform_indices = @transform_13, window_bounds = array<i64: 1, 128>}, {transform_indices = @transform_14, window_bounds = array<i64: 512, 512>}, {transform_indices = @transform_15, window_bounds = array<i64: 1, 1, 128>}, {transform_indices = @transform_16, window_bounds = array<i64: 1, 1, 128>}, {transform_indices = @transform_17, window_bounds = array<i64: 1, 1, 128>}]} {
    %get3A = arith.constant 0 : index
    %get3A_0 = arith.constant 0 : index
    %get3A_1 = vector.load %arg8[%get3A, %get3A_0] : memref<1x128xf32, #tpu.memory_space<vmem>>, vector<1x128xf32>
    %get3A_2 = arith.constant 0 : index
    %get3A_3 = arith.constant 0 : index
    %get3A_4 = vector.load %arg13[%get3A_2, %get3A_3] : memref<1x128xf32, #tpu.memory_space<vmem>>, vector<1x128xf32>
    %get3A_5 = arith.constant 0 : index
    %get3A_6 = arith.constant 0 : index
    %get3A_7 = vector.load %arg1[%get3A_5, %get3A_6] : memref<512x64xf32, #tpu.memory_space<vmem>>, vector<512x64xf32>
    %get3A_8 = arith.constant 0 : index
    %get3A_9 = arith.constant 0 : index
    %get3A_10 = vector.load %arg2[%get3A_8, %get3A_9] : memref<512x128xf32, #tpu.memory_space<vmem>>, vector<512x128xf32>
    %get3A_11 = arith.constant 0 : index
    %get3A_12 = arith.constant 0 : index
    %get3A_13 = arith.constant 0 : index
    %get3A_14 = vector.load %arg3[%get3A_11, %get3A_12, %get3A_13] : memref<2x512x128xf32, #tpu.memory_space<vmem>>, vector<2x512x128xf32>
    %slice3A = vector.extract_strided_slice %get3A_14 {offsets = [0, 0, 0], sizes = [1, 512, 128], strides = [1, 1, 1]} : vector<2x512x128xf32> to vector<1x512x128xf32>
    %squeeze3A = vector.shape_cast %slice3A : vector<1x512x128xf32> to vector<512x128xf32>
    %slice3A_15 = vector.extract_strided_slice %get3A_14 {offsets = [1, 0, 0], sizes = [1, 512, 128], strides = [1, 1, 1]} : vector<2x512x128xf32> to vector<1x512x128xf32>
    %squeeze3A_16 = vector.shape_cast %slice3A_15 : vector<1x512x128xf32> to vector<512x128xf32>
    %add3A = arith.addf %squeeze3A, %squeeze3A_16 : vector<512x128xf32>
    %get3A_17 = arith.constant 0 : index
    %get3A_18 = arith.constant 0 : index
    %get3A_19 = vector.load %arg7[%get3A_17, %get3A_18] : memref<128x128xf32, #tpu.memory_space<vmem>>, vector<128x128xf32>
    %dot_general3A = arith.constant dense<0.000000e+00> : vector<512x128xf32>
    %dot_general3A_20 = tpu.matmul %add3A, %get3A_19, %dot_general3A {dimension_numbers = #tpu.dot_dimension_numbers<[1], [0], [0], [1], [0, 0, 1, 1], [], []>, precision = #tpu.contract_precision<fp32>, transpose_lhs_hint = false} : vector<512x128xf32>, vector<128x128xf32>, vector<512x128xf32> -> vector<512x128xf32>
    %add3A_21 = vector.broadcast %get3A_1 : vector<1x128xf32> to vector<512x128xf32>
    %add3A_22 = arith.addf %dot_general3A_20, %add3A_21 : vector<512x128xf32>
    %get3A_23 = arith.constant 0 : index
    %get3A_24 = arith.constant 0 : index
    %get3A_25 = vector.load %arg9[%get3A_23, %get3A_24] : memref<128x128xf32, #tpu.memory_space<vmem>>, vector<128x128xf32>
    %dot_general3A_26 = arith.constant dense<0.000000e+00> : vector<512x128xf32>
    %dot_general3A_27 = tpu.matmul %get3A_10, %get3A_25, %dot_general3A_26 {dimension_numbers = #tpu.dot_dimension_numbers<[1], [0], [0], [1], [0, 0, 1, 1], [], []>, precision = #tpu.contract_precision<fp32>, transpose_lhs_hint = false} : vector<512x128xf32>, vector<128x128xf32>, vector<512x128xf32> -> vector<512x128xf32>
    %add3A_28 = arith.addf %add3A_22, %dot_general3A_27 : vector<512x128xf32>
    %max3A = arith.constant 0.000000e+00 : f32
    %max3A_29 = vector.broadcast %max3A : f32 to vector<512x128xf32>
    %max3A_30 = arith.maximumf %add3A_28, %max3A_29 : vector<512x128xf32>
    %get3A_31 = arith.constant 0 : index
    %get3A_32 = arith.constant 0 : index
    %get3A_33 = vector.load %arg10[%get3A_31, %get3A_32] : memref<64x128xf32, #tpu.memory_space<vmem>>, vector<64x128xf32>
    %dot_general3A_34 = arith.constant dense<0.000000e+00> : vector<512x128xf32>
    %dot_general3A_35 = tpu.matmul %get3A_7, %get3A_33, %dot_general3A_34 {dimension_numbers = #tpu.dot_dimension_numbers<[1], [0], [0], [1], [0, 0, 1, 1], [], []>, precision = #tpu.contract_precision<fp32>, transpose_lhs_hint = false} : vector<512x64xf32>, vector<64x128xf32>, vector<512x128xf32> -> vector<512x128xf32>
    %get3A_36 = arith.constant 0 : index
    %get3A_37 = arith.constant 0 : index
    %get3A_38 = vector.load %arg11[%get3A_36, %get3A_37] : memref<128x128xf32, #tpu.memory_space<vmem>>, vector<128x128xf32>
    %dot_general3A_39 = arith.constant dense<0.000000e+00> : vector<512x128xf32>
    %dot_general3A_40 = tpu.matmul %get3A_10, %get3A_38, %dot_general3A_39 {dimension_numbers = #tpu.dot_dimension_numbers<[1], [0], [0], [1], [0, 0, 1, 1], [], []>, precision = #tpu.contract_precision<fp32>, transpose_lhs_hint = false} : vector<512x128xf32>, vector<128x128xf32>, vector<512x128xf32> -> vector<512x128xf32>
    %add3A_41 = arith.addf %dot_general3A_35, %dot_general3A_40 : vector<512x128xf32>
    %get3A_42 = arith.constant 0 : index
    %get3A_43 = arith.constant 0 : index
    %get3A_44 = vector.load %arg12[%get3A_42, %get3A_43] : memref<128x128xf32, #tpu.memory_space<vmem>>, vector<128x128xf32>
    %dot_general3A_45 = arith.constant dense<0.000000e+00> : vector<512x128xf32>
    %dot_general3A_46 = tpu.matmul %max3A_30, %get3A_44, %dot_general3A_45 {dimension_numbers = #tpu.dot_dimension_numbers<[1], [0], [0], [1], [0, 0, 1, 1], [], []>, precision = #tpu.contract_precision<fp32>, transpose_lhs_hint = false} : vector<512x128xf32>, vector<128x128xf32>, vector<512x128xf32> -> vector<512x128xf32>
    %add3A_47 = arith.addf %add3A_41, %dot_general3A_46 : vector<512x128xf32>
    %add3A_48 = vector.broadcast %get3A_4 : vector<1x128xf32> to vector<512x128xf32>
    %add3A_49 = arith.addf %add3A_47, %add3A_48 : vector<512x128xf32>
    %mul3A = arith.mulf %add3A_49, %add3A_49 : vector<512x128xf32>
    %reduce_sum3A = arith.constant dense<0.000000e+00> : vector<512xf32>
    %reduce_sum3A_50 = vector.multi_reduction <add>, %mul3A, %reduce_sum3A [1] : vector<512x128xf32> to vector<512xf32>
    %broadcast_in_dim3A = vector.shape_cast %reduce_sum3A_50 : vector<512xf32> to vector<512x1xf32>
    %sqrt3A = math.sqrt %broadcast_in_dim3A : vector<512x1xf32>
    %max3A_51 = arith.constant 9.99999996E-13 : f32
    %max3A_52 = vector.broadcast %max3A_51 : f32 to vector<512x1xf32>
    %max3A_53 = arith.maximumf %sqrt3A, %max3A_52 : vector<512x1xf32>
    %div3A = vector.broadcast %max3A_53 : vector<512x1xf32> to vector<512x128xf32>
    %div3A_54 = arith.divf %add3A_49, %div3A : vector<512x128xf32>
    %get3A_55 = arith.constant 0 : index
    %get3A_56 = arith.constant 0 : index
    %get3A_57 = vector.load %arg4[%get3A_55, %get3A_56] : memref<448x64xf32, #tpu.memory_space<vmem>>, vector<448x64xf32>
    %get3A_58 = arith.constant 0 : index
    %get3A_59 = arith.constant 0 : index
    %get3A_60 = vector.load %arg5[%get3A_58, %get3A_59] : memref<448x128xf32, #tpu.memory_space<vmem>>, vector<448x128xf32>
    %get3A_61 = arith.constant 0 : index
    %get3A_62 = arith.constant 0 : index
    %get3A_63 = arith.constant 0 : index
    %get3A_64 = vector.load %arg6[%get3A_61, %get3A_62, %get3A_63] : memref<2x448x128xf32, #tpu.memory_space<vmem>>, vector<2x448x128xf32>
    %slice3A_65 = vector.extract_strided_slice %get3A_64 {offsets = [0, 0, 0], sizes = [1, 448, 128], strides = [1, 1, 1]} : vector<2x448x128xf32> to vector<1x448x128xf32>
    %squeeze3A_66 = vector.shape_cast %slice3A_65 : vector<1x448x128xf32> to vector<448x128xf32>
    %slice3A_67 = vector.extract_strided_slice %get3A_64 {offsets = [1, 0, 0], sizes = [1, 448, 128], strides = [1, 1, 1]} : vector<2x448x128xf32> to vector<1x448x128xf32>
    %squeeze3A_68 = vector.shape_cast %slice3A_67 : vector<1x448x128xf32> to vector<448x128xf32>
    %add3A_69 = arith.addf %squeeze3A_66, %squeeze3A_68 : vector<448x128xf32>
    %get3A_70 = arith.constant 0 : index
    %get3A_71 = arith.constant 0 : index
    %get3A_72 = vector.load %arg7[%get3A_70, %get3A_71] : memref<128x128xf32, #tpu.memory_space<vmem>>, vector<128x128xf32>
    %dot_general3A_73 = arith.constant dense<0.000000e+00> : vector<448x128xf32>
    %dot_general3A_74 = tpu.matmul %add3A_69, %get3A_72, %dot_general3A_73 {dimension_numbers = #tpu.dot_dimension_numbers<[1], [0], [0], [1], [0, 0, 1, 1], [], []>, precision = #tpu.contract_precision<fp32>, transpose_lhs_hint = false} : vector<448x128xf32>, vector<128x128xf32>, vector<448x128xf32> -> vector<448x128xf32>
    %add3A_75 = vector.broadcast %get3A_1 : vector<1x128xf32> to vector<448x128xf32>
    %add3A_76 = arith.addf %dot_general3A_74, %add3A_75 : vector<448x128xf32>
    %get3A_77 = arith.constant 0 : index
    %get3A_78 = arith.constant 0 : index
    %get3A_79 = vector.load %arg9[%get3A_77, %get3A_78] : memref<128x128xf32, #tpu.memory_space<vmem>>, vector<128x128xf32>
    %dot_general3A_80 = arith.constant dense<0.000000e+00> : vector<448x128xf32>
    %dot_general3A_81 = tpu.matmul %get3A_60, %get3A_79, %dot_general3A_80 {dimension_numbers = #tpu.dot_dimension_numbers<[1], [0], [0], [1], [0, 0, 1, 1], [], []>, precision = #tpu.contract_precision<fp32>, transpose_lhs_hint = false} : vector<448x128xf32>, vector<128x128xf32>, vector<448x128xf32> -> vector<448x128xf32>
    %add3A_82 = arith.addf %add3A_76, %dot_general3A_81 : vector<448x128xf32>
    %max3A_83 = arith.constant 0.000000e+00 : f32
    %max3A_84 = vector.broadcast %max3A_83 : f32 to vector<448x128xf32>
    %max3A_85 = arith.maximumf %add3A_82, %max3A_84 : vector<448x128xf32>
    %get3A_86 = arith.constant 0 : index
    %get3A_87 = arith.constant 0 : index
    %get3A_88 = vector.load %arg10[%get3A_86, %get3A_87] : memref<64x128xf32, #tpu.memory_space<vmem>>, vector<64x128xf32>
    %dot_general3A_89 = arith.constant dense<0.000000e+00> : vector<448x128xf32>
    %dot_general3A_90 = tpu.matmul %get3A_57, %get3A_88, %dot_general3A_89 {dimension_numbers = #tpu.dot_dimension_numbers<[1], [0], [0], [1], [0, 0, 1, 1], [], []>, precision = #tpu.contract_precision<fp32>, transpose_lhs_hint = false} : vector<448x64xf32>, vector<64x128xf32>, vector<448x128xf32> -> vector<448x128xf32>
    %get3A_91 = arith.constant 0 : index
    %get3A_92 = arith.constant 0 : index
    %get3A_93 = vector.load %arg11[%get3A_91, %get3A_92] : memref<128x128xf32, #tpu.memory_space<vmem>>, vector<128x128xf32>
    %dot_general3A_94 = arith.constant dense<0.000000e+00> : vector<448x128xf32>
    %dot_general3A_95 = tpu.matmul %get3A_60, %get3A_93, %dot_general3A_94 {dimension_numbers = #tpu.dot_dimension_numbers<[1], [0], [0], [1], [0, 0, 1, 1], [], []>, precision = #tpu.contract_precision<fp32>, transpose_lhs_hint = false} : vector<448x128xf32>, vector<128x128xf32>, vector<448x128xf32> -> vector<448x128xf32>
    %add3A_96 = arith.addf %dot_general3A_90, %dot_general3A_95 : vector<448x128xf32>
    %get3A_97 = arith.constant 0 : index
    %get3A_98 = arith.constant 0 : index
    %get3A_99 = vector.load %arg12[%get3A_97, %get3A_98] : memref<128x128xf32, #tpu.memory_space<vmem>>, vector<128x128xf32>
    %dot_general3A_100 = arith.constant dense<0.000000e+00> : vector<448x128xf32>
    %dot_general3A_101 = tpu.matmul %max3A_85, %get3A_99, %dot_general3A_100 {dimension_numbers = #tpu.dot_dimension_numbers<[1], [0], [0], [1], [0, 0, 1, 1], [], []>, precision = #tpu.contract_precision<fp32>, transpose_lhs_hint = false} : vector<448x128xf32>, vector<128x128xf32>, vector<448x128xf32> -> vector<448x128xf32>
    %add3A_102 = arith.addf %add3A_96, %dot_general3A_101 : vector<448x128xf32>
    %add3A_103 = vector.broadcast %get3A_4 : vector<1x128xf32> to vector<448x128xf32>
    %add3A_104 = arith.addf %add3A_102, %add3A_103 : vector<448x128xf32>
    %mul3A_105 = arith.mulf %add3A_104, %add3A_104 : vector<448x128xf32>
    %reduce_sum3A_106 = arith.constant dense<0.000000e+00> : vector<448xf32>
    %reduce_sum3A_107 = vector.multi_reduction <add>, %mul3A_105, %reduce_sum3A_106 [1] : vector<448x128xf32> to vector<448xf32>
    %broadcast_in_dim3A_108 = vector.shape_cast %reduce_sum3A_107 : vector<448xf32> to vector<448x1xf32>
    %sqrt3A_109 = math.sqrt %broadcast_in_dim3A_108 : vector<448x1xf32>
    %max3A_110 = arith.constant 9.99999996E-13 : f32
    %max3A_111 = vector.broadcast %max3A_110 : f32 to vector<448x1xf32>
    %max3A_112 = arith.maximumf %sqrt3A_109, %max3A_111 : vector<448x1xf32>
    %div3A_113 = vector.broadcast %max3A_112 : vector<448x1xf32> to vector<448x128xf32>
    %div3A_114 = arith.divf %add3A_104, %div3A_113 : vector<448x128xf32>
    %get3A_115 = arith.constant 0 : index
    %get3A_116 = arith.constant 0 : index
    %get3A_117 = vector.load %arg14[%get3A_115, %get3A_116] : memref<1x128xf32, #tpu.memory_space<vmem>>, vector<1x128xf32>
    %mul3A_118 = arith.mulf %get3A_117, %get3A_117 : vector<1x128xf32>
    %reduce_sum3A_119 = arith.constant dense<0.000000e+00> : vector<1xf32>
    %reduce_sum3A_120 = vector.multi_reduction <add>, %mul3A_118, %reduce_sum3A_119 [1] : vector<1x128xf32> to vector<1xf32>
    %broadcast_in_dim3A_121 = vector.shape_cast %reduce_sum3A_120 : vector<1xf32> to vector<1x1xf32>
    %sqrt3A_122 = math.sqrt %broadcast_in_dim3A_121 : vector<1x1xf32>
    %max3A_123 = arith.constant 9.99999996E-13 : f32
    %max3A_124 = vector.broadcast %max3A_123 : f32 to vector<1x1xf32>
    %max3A_125 = arith.maximumf %sqrt3A_122, %max3A_124 : vector<1x1xf32>
    %div3A_126 = vector.broadcast %max3A_125 : vector<1x1xf32> to vector<1x128xf32>
    %div3A_127 = arith.divf %get3A_117, %div3A_126 : vector<1x128xf32>
    %mul3A_128 = arith.mulf %div3A_54, %div3A_54 : vector<512x128xf32>
    %reduce_sum3A_129 = arith.constant dense<0.000000e+00> : vector<512xf32>
    %reduce_sum3A_130 = vector.multi_reduction <add>, %mul3A_128, %reduce_sum3A_129 [1] : vector<512x128xf32> to vector<512xf32>
    %broadcast_in_dim3A_131 = vector.shape_cast %reduce_sum3A_130 : vector<512xf32> to vector<512x1xf32>
    %mul3A_132 = arith.mulf %div3A_114, %div3A_114 : vector<448x128xf32>
    %reduce_sum3A_133 = arith.constant dense<0.000000e+00> : vector<448xf32>
    %reduce_sum3A_134 = vector.multi_reduction <add>, %mul3A_132, %reduce_sum3A_133 [1] : vector<448x128xf32> to vector<448xf32>
    %dot_general3A_135 = arith.constant dense<0.000000e+00> : vector<512x448xf32>
    %dot_general3A_136 = tpu.matmul %div3A_54, %div3A_114, %dot_general3A_135 {dimension_numbers = #tpu.dot_dimension_numbers<[1], [1], [0], [0], [0, 0, 1, 0], [], []>, precision = #tpu.contract_precision<fp32>, transpose_lhs_hint = false} : vector<512x128xf32>, vector<448x128xf32>, vector<512x448xf32> -> vector<512x448xf32>
    %broadcast_in_dim3A_137 = vector.shape_cast %reduce_sum3A_134 : vector<448xf32> to vector<1x448xf32>
    %add3A_138 = vector.broadcast %broadcast_in_dim3A_131 : vector<512x1xf32> to vector<512x448xf32>
    %add3A_139 = vector.broadcast %broadcast_in_dim3A_137 : vector<1x448xf32> to vector<512x448xf32>
    %add3A_140 = arith.addf %add3A_138, %add3A_139 : vector<512x448xf32>
    %mul3A_141 = arith.constant 2.000000e+00 : f32
    %mul3A_142 = vector.broadcast %mul3A_141 : f32 to vector<512x448xf32>
    %mul3A_143 = arith.mulf %mul3A_142, %dot_general3A_136 : vector<512x448xf32>
    %sub3A = arith.subf %add3A_140, %mul3A_143 : vector<512x448xf32>
    %jit3A = arith.constant 9.99999996E-13 : f32
    %max3A_144 = vector.broadcast %jit3A : f32 to vector<512x448xf32>
    %max3A_145 = arith.maximumf %max3A_144, %sub3A : vector<512x448xf32>
    %sqrt3A_146 = math.sqrt %max3A_145 : vector<512x448xf32>
    %dot_general3A_147 = arith.constant dense<0.000000e+00> : vector<512x1xf32>
    %dot_general3A_148 = tpu.matmul %div3A_54, %div3A_127, %dot_general3A_147 {dimension_numbers = #tpu.dot_dimension_numbers<[1], [1], [0], [0], [0, 0, 1, 0], [], []>, precision = #tpu.contract_precision<fp32>, transpose_lhs_hint = false} : vector<512x128xf32>, vector<1x128xf32>, vector<512x1xf32> -> vector<512x1xf32>
    %mul3A_149 = arith.mulf %div3A_127, %div3A_127 : vector<1x128xf32>
    %reduce_sum3A_150 = vector.shape_cast %mul3A_149 : vector<1x128xf32> to vector<1x1x128xf32>
    %reduce_sum3A_151 = arith.constant dense<0.000000e+00> : vector<1xf32>
    %reduce_sum3A_152 = vector.multi_reduction <add>, %reduce_sum3A_150, %reduce_sum3A_151 [1, 2] : vector<1x1x128xf32> to vector<1xf32>
    %reduce_sum3A_153 = vector.shape_cast %reduce_sum3A_152 : vector<1xf32> to vector<1x1x1xf32>
    %reduce_sum3A_154 = vector.extract %reduce_sum3A_153[0, 0, 0] : f32 from vector<1x1x1xf32>
    %add3A_155 = vector.broadcast %reduce_sum3A_154 : f32 to vector<512x1xf32>
    %add3A_156 = arith.addf %broadcast_in_dim3A_131, %add3A_155 : vector<512x1xf32>
    %mul3A_157 = arith.constant 2.000000e+00 : f32
    %mul3A_158 = vector.broadcast %mul3A_157 : f32 to vector<512x1xf32>
    %mul3A_159 = arith.mulf %mul3A_158, %dot_general3A_148 : vector<512x1xf32>
    %sub3A_160 = arith.subf %add3A_156, %mul3A_159 : vector<512x1xf32>
    %jit3A_161 = arith.constant 9.99999996E-13 : f32
    %max3A_162 = vector.broadcast %jit3A_161 : f32 to vector<512x1xf32>
    %max3A_163 = arith.maximumf %max3A_162, %sub3A_160 : vector<512x1xf32>
    %sqrt3A_164 = math.sqrt %max3A_163 : vector<512x1xf32>
    %broadcast_in_dim3A_165 = vector.shape_cast %sqrt3A_164 : vector<512x1xf32> to vector<512x1xf32>
    %broadcast_in_dim3A_166 = vector.broadcast %broadcast_in_dim3A_165 : vector<512x1xf32> to vector<512x64xf32>
    %concatenate3A = tpu.concatenate %sqrt3A_146, %broadcast_in_dim3A_166 in 1 : vector<512x448xf32>, vector<512x64xf32> -> vector<512x512xf32>
    %swap3A = arith.constant 0 : index
    %swap3A_167 = arith.constant 0 : index
    %swap3A_168 = vector.load %arg15[%swap3A, %swap3A_167] : memref<512x512xf32, #tpu.memory_space<vmem>>, vector<512x512xf32>
    tpu.vector_store %arg15[%swap3A, %swap3A_167], %concatenate3A {strides = array<i32>} : memref<512x512xf32, #tpu.memory_space<vmem>>, vector<512x512xf32>,
    %mul3A_169 = arith.constant -1.000000e+01 : f32
    %mul3A_170 = vector.broadcast %mul3A_169 : f32 to vector<512x512xf32>
    %mul3A_171 = arith.mulf %concatenate3A, %mul3A_170 : vector<512x512xf32>
    %exp3A = math.exp %mul3A_171 : vector<512x512xf32>
    %broadcast_in_dim3A_172 = arith.constant 0.001953125 : f32
    %broadcast_in_dim3A_173 = vector.broadcast %broadcast_in_dim3A_172 : f32 to vector<1x512xf32>
    %dot_general3A_174 = arith.constant dense<0.000000e+00> : vector<1x512xf32>
    %dot_general3A_175 = tpu.matmul %broadcast_in_dim3A_173, %exp3A, %dot_general3A_174 {dimension_numbers = #tpu.dot_dimension_numbers<[1], [0], [0], [1], [0, 0, 1, 1], [], []>, precision = #tpu.contract_precision<fp32>, transpose_lhs_hint = false} : vector<1x512xf32>, vector<512x512xf32>, vector<1x512xf32> -> vector<1x512xf32>
    %div3A_176 = arith.constant 1.000000e+00 : f32
    %div3A_177 = vector.broadcast %div3A_176 : f32 to vector<1x512xf32>
    %div3A_178 = arith.divf %div3A_177, %dot_general3A_175 : vector<1x512xf32>
    %dot_general3A_179 = arith.constant dense<0.000000e+00> : vector<1x512xf32>
    %dot_general3A_180 = tpu.matmul %div3A_178, %exp3A, %dot_general3A_179 {dimension_numbers = #tpu.dot_dimension_numbers<[1], [1], [0], [0], [0, 0, 1, 0], [], []>, precision = #tpu.contract_precision<fp32>, transpose_lhs_hint = false} : vector<1x512xf32>, vector<512x512xf32>, vector<1x512xf32> -> vector<1x512xf32>
    %div3A_181 = arith.constant 1.000000e+00 : f32
    %div3A_182 = vector.broadcast %div3A_181 : f32 to vector<1x512xf32>
    %div3A_183 = arith.divf %div3A_182, %dot_general3A_180 : vector<1x512xf32>
    %dot_general3A_184 = arith.constant dense<0.000000e+00> : vector<1x512xf32>
    %dot_general3A_185 = tpu.matmul %div3A_183, %exp3A, %dot_general3A_184 {dimension_numbers = #tpu.dot_dimension_numbers<[1], [0], [0], [1], [0, 0, 1, 1], [], []>, precision = #tpu.contract_precision<fp32>, transpose_lhs_hint = false} : vector<1x512xf32>, vector<512x512xf32>, vector<1x512xf32> -> vector<1x512xf32>
    %mul3A_186 = arith.mulf %div3A_178, %dot_general3A_185 : vector<1x512xf32>
    %sub3A_187 = arith.constant 1.000000e+00 : f32
    %sub3A_188 = vector.broadcast %sub3A_187 : f32 to vector<1x512xf32>
    %sub3A_189 = arith.subf %mul3A_186, %sub3A_188 : vector<1x512xf32>
    %integer_pow3A = arith.mulf %sub3A_189, %sub3A_189 : vector<1x512xf32>
    %reduce_sum3A_190 = vector.shape_cast %integer_pow3A : vector<1x512xf32> to vector<1x1x512xf32>
    %reduce_sum3A_191 = arith.constant dense<0.000000e+00> : vector<1xf32>
    %reduce_sum3A_192 = vector.multi_reduction <add>, %reduce_sum3A_190, %reduce_sum3A_191 [1, 2] : vector<1x1x512xf32> to vector<1xf32>
    %reduce_sum3A_193 = vector.shape_cast %reduce_sum3A_192 : vector<1xf32> to vector<1x1x1xf32>
    %reduce_sum3A_194 = vector.extract %reduce_sum3A_193[0, 0, 0] : f32 from vector<1x1x1xf32>
    %sqrt3A_195 = math.sqrt %reduce_sum3A_194 : f32
    %mul3A_196 = arith.mulf %exp3A, %concatenate3A : vector<512x512xf32>
    %dot_general3A_197 = arith.constant dense<0.000000e+00> : vector<1x512xf32>
    %dot_general3A_198 = tpu.matmul %div3A_178, %mul3A_196, %dot_general3A_197 {dimension_numbers = #tpu.dot_dimension_numbers<[1], [1], [0], [0], [0, 0, 1, 0], [], []>, precision = #tpu.contract_precision<fp32>, transpose_lhs_hint = false} : vector<1x512xf32>, vector<512x512xf32>, vector<1x512xf32> -> vector<1x512xf32>
    %mul3A_199 = arith.mulf %div3A_183, %dot_general3A_198 : vector<1x512xf32>
    %reduce_sum3A_200 = vector.shape_cast %mul3A_199 : vector<1x512xf32> to vector<1x1x512xf32>
    %reduce_sum3A_201 = arith.constant dense<0.000000e+00> : vector<1xf32>
    %reduce_sum3A_202 = vector.multi_reduction <add>, %reduce_sum3A_200, %reduce_sum3A_201 [1, 2] : vector<1x1x512xf32> to vector<1xf32>
    %reduce_sum3A_203 = vector.shape_cast %reduce_sum3A_202 : vector<1xf32> to vector<1x1x1xf32>
    %reduce_sum3A_204 = vector.extract %reduce_sum3A_203[0, 0, 0] : f32 from vector<1x1x1xf32>
    %dot_general3A_205 = arith.constant dense<0.000000e+00> : vector<1x512xf32>
    %dot_general3A_206 = tpu.matmul %div3A_183, %exp3A, %dot_general3A_205 {dimension_numbers = #tpu.dot_dimension_numbers<[1], [0], [0], [1], [0, 0, 1, 1], [], []>, precision = #tpu.contract_precision<fp32>, transpose_lhs_hint = false} : vector<1x512xf32>, vector<512x512xf32>, vector<1x512xf32> -> vector<1x512xf32>
    %div3A_207 = arith.constant 1.000000e+00 : f32
    %div3A_208 = vector.broadcast %div3A_207 : f32 to vector<1x512xf32>
    %div3A_209 = arith.divf %div3A_208, %dot_general3A_206 : vector<1x512xf32>
    %dot_general3A_210 = arith.constant dense<0.000000e+00> : vector<1x512xf32>
    %dot_general3A_211 = tpu.matmul %div3A_209, %exp3A, %dot_general3A_210 {dimension_numbers = #tpu.dot_dimension_numbers<[1], [1], [0], [0], [0, 0, 1, 0], [], []>, precision = #tpu.contract_precision<fp32>, transpose_lhs_hint = false} : vector<1x512xf32>, vector<512x512xf32>, vector<1x512xf32> -> vector<1x512xf32>
    %div3A_212 = arith.constant 1.000000e+00 : f32
    %div3A_213 = vector.broadcast %div3A_212 : f32 to vector<1x512xf32>
    %div3A_214 = arith.divf %div3A_213, %dot_general3A_211 : vector<1x512xf32>
    %dot_general3A_215 = arith.constant dense<0.000000e+00> : vector<1x512xf32>
    %dot_general3A_216 = tpu.matmul %div3A_214, %exp3A, %dot_general3A_215 {dimension_numbers = #tpu.dot_dimension_numbers<[1], [0], [0], [1], [0, 0, 1, 1], [], []>, precision = #tpu.contract_precision<fp32>, transpose_lhs_hint = false} : vector<1x512xf32>, vector<512x512xf32>, vector<1x512xf32> -> vector<1x512xf32>
    %div3A_217 = arith.constant 1.000000e+00 : f32
    %div3A_218 = vector.broadcast %div3A_217 : f32 to vector<1x512xf32>
    %div3A_219 = arith.divf %div3A_218, %dot_general3A_216 : vector<1x512xf32>
    %dot_general3A_220 = arith.constant dense<0.000000e+00> : vector<1x512xf32>
    %dot_general3A_221 = tpu.matmul %div3A_219, %exp3A, %dot_general3A_220 {dimension_numbers = #tpu.dot_dimension_numbers<[1], [1], [0], [0], [0, 0, 1, 0], [], []>, precision = #tpu.contract_precision<fp32>, transpose_lhs_hint = false} : vector<1x512xf32>, vector<512x512xf32>, vector<1x512xf32> -> vector<1x512xf32>
    %div3A_222 = arith.constant 1.000000e+00 : f32
    %div3A_223 = vector.broadcast %div3A_222 : f32 to vector<1x512xf32>
    %div3A_224 = arith.divf %div3A_223, %dot_general3A_221 : vector<1x512xf32>
    %dot_general3A_225 = arith.constant dense<0.000000e+00> : vector<1x512xf32>
    %dot_general3A_226 = tpu.matmul %div3A_224, %exp3A, %dot_general3A_225 {dimension_numbers = #tpu.dot_dimension_numbers<[1], [0], [0], [1], [0, 0, 1, 1], [], []>, precision = #tpu.contract_precision<fp32>, transpose_lhs_hint = false} : vector<1x512xf32>, vector<512x512xf32>, vector<1x512xf32> -> vector<1x512xf32>
    %div3A_227 = arith.constant 1.000000e+00 : f32
    %div3A_228 = vector.broadcast %div3A_227 : f32 to vector<1x512xf32>
    %div3A_229 = arith.divf %div3A_228, %dot_general3A_226 : vector<1x512xf32>
    %dot_general3A_230 = arith.constant dense<0.000000e+00> : vector<1x512xf32>
    %dot_general3A_231 = tpu.matmul %div3A_229, %exp3A, %dot_general3A_230 {dimension_numbers = #tpu.dot_dimension_numbers<[1], [1], [0], [0], [0, 0, 1, 0], [], []>, precision = #tpu.contract_precision<fp32>, transpose_lhs_hint = false} : vector<1x512xf32>, vector<512x512xf32>, vector<1x512xf32> -> vector<1x512xf32>
    %div3A_232 = arith.constant 1.000000e+00 : f32
    %div3A_233 = vector.broadcast %div3A_232 : f32 to vector<1x512xf32>
    %div3A_234 = arith.divf %div3A_233, %dot_general3A_231 : vector<1x512xf32>
    %dot_general3A_235 = arith.constant dense<0.000000e+00> : vector<1x512xf32>
    %dot_general3A_236 = tpu.matmul %div3A_234, %exp3A, %dot_general3A_235 {dimension_numbers = #tpu.dot_dimension_numbers<[1], [0], [0], [1], [0, 0, 1, 1], [], []>, precision = #tpu.contract_precision<fp32>, transpose_lhs_hint = false} : vector<1x512xf32>, vector<512x512xf32>, vector<1x512xf32> -> vector<1x512xf32>
    %div3A_237 = arith.constant 1.000000e+00 : f32
    %div3A_238 = vector.broadcast %div3A_237 : f32 to vector<1x512xf32>
    %div3A_239 = arith.divf %div3A_238, %dot_general3A_236 : vector<1x512xf32>
    %dot_general3A_240 = arith.constant dense<0.000000e+00> : vector<1x512xf32>
    %dot_general3A_241 = tpu.matmul %div3A_239, %exp3A, %dot_general3A_240 {dimension_numbers = #tpu.dot_dimension_numbers<[1], [1], [0], [0], [0, 0, 1, 0], [], []>, precision = #tpu.contract_precision<fp32>, transpose_lhs_hint = false} : vector<1x512xf32>, vector<512x512xf32>, vector<1x512xf32> -> vector<1x512xf32>
    %div3A_242 = arith.constant 1.000000e+00 : f32
    %div3A_243 = vector.broadcast %div3A_242 : f32 to vector<1x512xf32>
    %div3A_244 = arith.divf %div3A_243, %dot_general3A_241 : vector<1x512xf32>
    %dot_general3A_245 = arith.constant dense<0.000000e+00> : vector<1x512xf32>
    %dot_general3A_246 = tpu.matmul %div3A_244, %exp3A, %dot_general3A_245 {dimension_numbers = #tpu.dot_dimension_numbers<[1], [0], [0], [1], [0, 0, 1, 1], [], []>, precision = #tpu.contract_precision<fp32>, transpose_lhs_hint = false} : vector<1x512xf32>, vector<512x512xf32>, vector<1x512xf32> -> vector<1x512xf32>
    %div3A_247 = arith.constant 1.000000e+00 : f32
    %div3A_248 = vector.broadcast %div3A_247 : f32 to vector<1x512xf32>
    %div3A_249 = arith.divf %div3A_248, %dot_general3A_246 : vector<1x512xf32>
    %dot_general3A_250 = arith.constant dense<0.000000e+00> : vector<1x512xf32>
    %dot_general3A_251 = tpu.matmul %div3A_249, %exp3A, %dot_general3A_250 {dimension_numbers = #tpu.dot_dimension_numbers<[1], [1], [0], [0], [0, 0, 1, 0], [], []>, precision = #tpu.contract_precision<fp32>, transpose_lhs_hint = false} : vector<1x512xf32>, vector<512x512xf32>, vector<1x512xf32> -> vector<1x512xf32>
    %div3A_252 = arith.constant 1.000000e+00 : f32
    %div3A_253 = vector.broadcast %div3A_252 : f32 to vector<1x512xf32>
    %div3A_254 = arith.divf %div3A_253, %dot_general3A_251 : vector<1x512xf32>
    %dot_general3A_255 = arith.constant dense<0.000000e+00> : vector<1x512xf32>
    %dot_general3A_256 = tpu.matmul %div3A_254, %exp3A, %dot_general3A_255 {dimension_numbers = #tpu.dot_dimension_numbers<[1], [0], [0], [1], [0, 0, 1, 1], [], []>, precision = #tpu.contract_precision<fp32>, transpose_lhs_hint = false} : vector<1x512xf32>, vector<512x512xf32>, vector<1x512xf32> -> vector<1x512xf32>
    %div3A_257 = arith.constant 1.000000e+00 : f32
    %div3A_258 = vector.broadcast %div3A_257 : f32 to vector<1x512xf32>
    %div3A_259 = arith.divf %div3A_258, %dot_general3A_256 : vector<1x512xf32>
    %dot_general3A_260 = arith.constant dense<0.000000e+00> : vector<1x512xf32>
    %dot_general3A_261 = tpu.matmul %div3A_259, %exp3A, %dot_general3A_260 {dimension_numbers = #tpu.dot_dimension_numbers<[1], [1], [0], [0], [0, 0, 1, 0], [], []>, precision = #tpu.contract_precision<fp32>, transpose_lhs_hint = false} : vector<1x512xf32>, vector<512x512xf32>, vector<1x512xf32> -> vector<1x512xf32>
    %div3A_262 = arith.constant 1.000000e+00 : f32
    %div3A_263 = vector.broadcast %div3A_262 : f32 to vector<1x512xf32>
    %div3A_264 = arith.divf %div3A_263, %dot_general3A_261 : vector<1x512xf32>
    %dot_general3A_265 = arith.constant dense<0.000000e+00> : vector<1x512xf32>
    %dot_general3A_266 = tpu.matmul %div3A_264, %exp3A, %dot_general3A_265 {dimension_numbers = #tpu.dot_dimension_numbers<[1], [0], [0], [1], [0, 0, 1, 1], [], []>, precision = #tpu.contract_precision<fp32>, transpose_lhs_hint = false} : vector<1x512xf32>, vector<512x512xf32>, vector<1x512xf32> -> vector<1x512xf32>
    %div3A_267 = arith.constant 1.000000e+00 : f32
    %div3A_268 = vector.broadcast %div3A_267 : f32 to vector<1x512xf32>
    %div3A_269 = arith.divf %div3A_268, %dot_general3A_266 : vector<1x512xf32>
    %dot_general3A_270 = arith.constant dense<0.000000e+00> : vector<1x512xf32>
    %dot_general3A_271 = tpu.matmul %div3A_269, %exp3A, %dot_general3A_270 {dimension_numbers = #tpu.dot_dimension_numbers<[1], [1], [0], [0], [0, 0, 1, 0], [], []>, precision = #tpu.contract_precision<fp32>, transpose_lhs_hint = false} : vector<1x512xf32>, vector<512x512xf32>, vector<1x512xf32> -> vector<1x512xf32>
    %div3A_272 = arith.constant 1.000000e+00 : f32
    %div3A_273 = vector.broadcast %div3A_272 : f32 to vector<1x512xf32>
    %div3A_274 = arith.divf %div3A_273, %dot_general3A_271 : vector<1x512xf32>
    %dot_general3A_275 = arith.constant dense<0.000000e+00> : vector<1x512xf32>
    %dot_general3A_276 = tpu.matmul %div3A_269, %mul3A_196, %dot_general3A_275 {dimension_numbers = #tpu.dot_dimension_numbers<[1], [1], [0], [0], [0, 0, 1, 0], [], []>, precision = #tpu.contract_precision<fp32>, transpose_lhs_hint = false} : vector<1x512xf32>, vector<512x512xf32>, vector<1x512xf32> -> vector<1x512xf32>
    %mul3A_277 = arith.mulf %div3A_274, %dot_general3A_276 : vector<1x512xf32>
    %reduce_sum3A_278 = vector.shape_cast %mul3A_277 : vector<1x512xf32> to vector<1x1x512xf32>
    %reduce_sum3A_279 = arith.constant dense<0.000000e+00> : vector<1xf32>
    %reduce_sum3A_280 = vector.multi_reduction <add>, %reduce_sum3A_278, %reduce_sum3A_279 [1, 2] : vector<1x1x512xf32> to vector<1xf32>
    %reduce_sum3A_281 = vector.shape_cast %reduce_sum3A_280 : vector<1xf32> to vector<1x1x1xf32>
    %reduce_sum3A_282 = vector.extract %reduce_sum3A_281[0, 0, 0] : f32 from vector<1x1x1xf32>
    %broadcast_in_dim3A_283 = vector.broadcast %sqrt3A_195 : f32 to vector<1x1x128xf32>
    %swap3A_284 = arith.constant 0 : index
    %swap3A_285 = arith.constant 0 : index
    %swap3A_286 = arith.constant 0 : index
    %swap3A_287 = vector.load %arg16[%swap3A_284, %swap3A_285, %swap3A_286] : memref<1x1x128xf32, #tpu.memory_space<vmem>>, vector<1x1x128xf32>
    tpu.vector_store %arg16[%swap3A_284, %swap3A_285, %swap3A_286], %broadcast_in_dim3A_283 {strides = array<i32>} : memref<1x1x128xf32, #tpu.memory_space<vmem>>, vector<1x1x128xf32>,
    %broadcast_in_dim3A_288 = vector.broadcast %reduce_sum3A_204 : f32 to vector<1x1x128xf32>
    %swap3A_289 = arith.constant 0 : index
    %swap3A_290 = arith.constant 0 : index
    %swap3A_291 = arith.constant 0 : index
    %swap3A_292 = vector.load %arg17[%swap3A_289, %swap3A_290, %swap3A_291] : memref<1x1x128xf32, #tpu.memory_space<vmem>>, vector<1x1x128xf32>
    tpu.vector_store %arg17[%swap3A_289, %swap3A_290, %swap3A_291], %broadcast_in_dim3A_288 {strides = array<i32>} : memref<1x1x128xf32, #tpu.memory_space<vmem>>, vector<1x1x128xf32>,
    %broadcast_in_dim3A_293 = vector.broadcast %reduce_sum3A_282 : f32 to vector<1x1x128xf32>
    %swap3A_294 = arith.constant 0 : index
    %swap3A_295 = arith.constant 0 : index
    %swap3A_296 = arith.constant 0 : index
    %swap3A_297 = vector.load %arg18[%swap3A_294, %swap3A_295, %swap3A_296] : memref<1x1x128xf32, #tpu.memory_space<vmem>>, vector<1x1x128xf32>
    tpu.vector_store %arg18[%swap3A_294, %swap3A_295, %swap3A_296], %broadcast_in_dim3A_293 {strides = array<i32>} : memref<1x1x128xf32, #tpu.memory_space<vmem>>, vector<1x1x128xf32>,
    return
  }
  func.func @transform_0(%arg0: i32) -> (i32, i32) {
    %c0_i32 = arith.constant 0 : i32
    %c0_i32_0 = arith.constant 0 : i32
    return %arg0, %c0_i32 : i32, i32
  }
  func.func @transform_1(%arg0: i32) -> (i32, i32) {
    %c0_i32 = arith.constant 0 : i32
    %c0_i32_0 = arith.constant 0 : i32
    return %arg0, %c0_i32 : i32, i32
  }
  func.func @transform_2(%arg0: i32) -> (i32, i32, i32) {
    %c0_i32 = arith.constant 0 : i32
    %c0_i32_0 = arith.constant 0 : i32
    %c0_i32_1 = arith.constant 0 : i32
    return %c0_i32, %arg0, %c0_i32_0 : i32, i32, i32
  }
  func.func @transform_3(%arg0: i32) -> (i32, i32) {
    %c0_i32 = arith.constant 0 : i32
    %c0_i32_0 = arith.constant 0 : i32
    return %arg0, %c0_i32 : i32, i32
  }
  func.func @transform_4(%arg0: i32) -> (i32, i32) {
    %c0_i32 = arith.constant 0 : i32
    %c0_i32_0 = arith.constant 0 : i32
    return %arg0, %c0_i32 : i32, i32
  }
  func.func @transform_5(%arg0: i32) -> (i32, i32, i32) {
    %c0_i32 = arith.constant 0 : i32
    %c0_i32_0 = arith.constant 0 : i32
    %c0_i32_1 = arith.constant 0 : i32
    return %c0_i32, %arg0, %c0_i32_0 : i32, i32, i32
  }
  func.func @transform_6(%arg0: i32) -> (i32, i32) {
    %c0_i32 = arith.constant 0 : i32
    %c0_i32_0 = arith.constant 0 : i32
    %c0_i32_1 = arith.constant 0 : i32
    return %c0_i32, %c0_i32_0 : i32, i32
  }
  func.func @transform_7(%arg0: i32) -> (i32, i32) {
    %c0_i32 = arith.constant 0 : i32
    %c0_i32_0 = arith.constant 0 : i32
    %c0_i32_1 = arith.constant 0 : i32
    return %c0_i32, %c0_i32_0 : i32, i32
  }
  func.func @transform_8(%arg0: i32) -> (i32, i32) {
    %c0_i32 = arith.constant 0 : i32
    %c0_i32_0 = arith.constant 0 : i32
    %c0_i32_1 = arith.constant 0 : i32
    return %c0_i32, %c0_i32_0 : i32, i32
  }
  func.func @transform_9(%arg0: i32) -> (i32, i32) {
    %c0_i32 = arith.constant 0 : i32
    %c0_i32_0 = arith.constant 0 : i32
    %c0_i32_1 = arith.constant 0 : i32
    return %c0_i32, %c0_i32_0 : i32, i32
  }
  func.func @transform_10(%arg0: i32) -> (i32, i32) {
    %c0_i32 = arith.constant 0 : i32
    %c0_i32_0 = arith.constant 0 : i32
    %c0_i32_1 = arith.constant 0 : i32
    return %c0_i32, %c0_i32_0 : i32, i32
  }
  func.func @transform_11(%arg0: i32) -> (i32, i32) {
    %c0_i32 = arith.constant 0 : i32
    %c0_i32_0 = arith.constant 0 : i32
    %c0_i32_1 = arith.constant 0 : i32
    return %c0_i32, %c0_i32_0 : i32, i32
  }
  func.func @transform_12(%arg0: i32) -> (i32, i32) {
    %c0_i32 = arith.constant 0 : i32
    %c0_i32_0 = arith.constant 0 : i32
    %c0_i32_1 = arith.constant 0 : i32
    return %c0_i32, %c0_i32_0 : i32, i32
  }
  func.func @transform_13(%arg0: i32) -> (i32, i32) {
    %c0_i32 = arith.constant 0 : i32
    %c0_i32_0 = arith.constant 0 : i32
    %c0_i32_1 = arith.constant 0 : i32
    return %c0_i32, %c0_i32_0 : i32, i32
  }
  func.func @transform_14(%arg0: i32) -> (i32, i32) {
    %c0_i32 = arith.constant 0 : i32
    %c0_i32_0 = arith.constant 0 : i32
    return %arg0, %c0_i32 : i32, i32
  }
  func.func @transform_15(%arg0: i32) -> (i32, i32, i32) {
    %c0_i32 = arith.constant 0 : i32
    %c0_i32_0 = arith.constant 0 : i32
    %c0_i32_1 = arith.constant 0 : i32
    return %arg0, %c0_i32, %c0_i32_0 : i32, i32, i32
  }
  func.func @transform_16(%arg0: i32) -> (i32, i32, i32) {
    %c0_i32 = arith.constant 0 : i32
    %c0_i32_0 = arith.constant 0 : i32
    %c0_i32_1 = arith.constant 0 : i32
    return %arg0, %c0_i32, %c0_i32_0 : i32, i32, i32
  }
  func.func @transform_17(%arg0: i32) -> (i32, i32, i32) {
    %c0_i32 = arith.constant 0 : i32
    %c0_i32_0 = arith.constant 0 : i32
    %c0_i32_1 = arith.constant 0 : i32
    return %arg0, %c0_i32, %c0_i32_0 : i32, i32, i32
  }
}

</mosaic_0001>

<sc_bundles>
// kernel: kernel.10.cloned.1.call-start
scs
__scs_entry_jumppad:
0x0: {  	(pc) =	sbr.rel $0x88, $3  }
0x1: {  	(tag) =	ssettag $0x0;
	lr =	simm.s32 $0x1  }
0x2: {  	[smem:$0x3F92] =	sst lr;
	_ =	strace $0xD0000000  }
0x3: {  	_ = 	snop  }
0x4: {  	_ = 	snop  }
0x5: {  	_ = 	snop  }
0x6: {  	_ = 	snop  }
0x7: {  	_ = 	snop  }
__scs_overlays_trampoline_lowered:
0x8: {  	[smem:$0x3FA1] =	sst s0  }
0x9: {  	[smem:$0x3FA2] =	sst s1  }
0xa: {  	[smem:$0x3FA3] =	sst s2  }
0xb: {  	[smem:$0x3FA4] =	sst s3  }
0xc: {  	[smem:$0x3FA5] =	sst s4  }
0xd: {  	[smem:$0x3FA6] =	sst s5  }
0xe: {  	[smem:$0x3FA7] =	sst s6  }
0xf: {  	[smem:$0x3FA8] =	sst s7  }
0x10: {  	[smem:$0x3FA9] =	sst s8  }
0x11: {  	[smem:$0x3FAA] =	sst s9;
	s0 =	simm.s32 @!p0 $0x0  }
0x12: {  	s1 =	sld [smem:$0x3F90];
	s0 =	simm.s32 @p0 $0x1  }
0x13: {  	[smem:$0x3FAB] =	sst s0;
	s0 =	simm.s32 @!p1 $0x0  }
0x14: {  	s2 =	sld [smem:$0x3F8F];
	s0 =	simm.s32 @p1 $0x1  }
0x15: {  	[smem:$0x3FAC] =	sst s0;
	s0 =	simm.s32 @!p2 $0x0  }
0x16: {  	s3 =	sld [smem:$0x3FDB];
	s0 =	simm.s32 @p2 $0x1  }
0x17: {  	s4 =	simm.s32 $0x1BF5;
	[smem:$0x3FAE] =	sst s0  }
0x18: {  	s0 =	sld [smem:$0x3F91];
	_ =	swait.ge [sflag:s4], $0x0  }
0x19: {  	s7 =	sld [smem:$0x3F92]  }
0x1a: {  	s8 =	sadd.s32 $0xFFFFE003, lr  }
0x1b: {  	s9 =	sadd.s32 $0xFFFFFEF7, lr;
	s5 =	simm.s32 $0xFFFFFFFF;
	p2 =	slt.u32 s8, $0xFFFFF086  }
0x1c: {  	p1 =	slt.u32 s9, $0xF7A;
	s5 =	simm.s32 @!p2 $0x0  }
0x1d: {  	s5 =	simm.s32 @p1 $0x1;
	p0 =	seq.s32 s7, s2  }
0x1e: {  	s7 =	smul.u32 @!p0 $0xF7A, s2;
	p2 =	seq.s32 @!p0 s5, $0x0  }
0x1f: {  	s9 =	smul.u32 $0xF7A, s1;
	s8 =	simm.s32 @!p0 $0x1BF5;
	p2 =	por !p2, p0  }
0x20: {  	[sflag:s8] =	ssyncset.s32 @!p0 $0xFFFFF086;
	s6 =	sadd.s32 @!p0 s3, s7;
	s7 =	simm.s32 @!p0 $0x108  }
0x21: {  	s3 =	sadd.s32 s3, s9;
	s6 =	sadd.s32 @!p0 $0x88, s6;
	s7 =	simm.s32 @p2 $0x1082  }
0x22: {  	[simem:s7], [sflag:s8] =	dma.local @!p0 [hbm:s6], $0xF7A  }
0x23: {  	s9 =	sor.u32 $0xD0000000, s2;
	s6 =	simm.s32 $0x108;
	_ =	swait.ge @!p0 [sflag:s8], $0x0  }
0x24: {  	s3 =	sadd.s32 $0x88, s3;
	s6 =	simm.s32 @!p1 $0x1082;
	[sflag:s4] =	ssyncset.s32 $0xFFFFF086  }
0x25: {  	[simem:s6], [sflag:s4] =	dma.local [hbm:s3], $0xF7A  }
0x26: {  	[smem:$0x3F92] =	sst s1;
	(tag) =	ssettag s2;
	_ =	strace s9  }
0x27: {  	s1 =	sld [smem:$0x3FA2]  }
0x28: {  	s2 =	sld [smem:$0x3FA3]  }
0x29: {  	s4 =	sld [smem:$0x3FA5]  }
0x2a: {  	p0 =	seq.s32 s5, $0x0;
	s5 =	sld [smem:$0x3FA6]  }
0x2b: {  	s6 =	sld [smem:$0x3FA7]  }
0x2c: {  	s7 =	sld [smem:$0x3FA8]  }
0x2d: {  	s3 =	simm.s32 $0x108;
	s8 =	sld [smem:$0x3FA9]  }
0x2e: {  	s3 =	simm.s32 @!p0 $0x1082;
	s9 =	sld [smem:$0x3FAA]  }
0x2f: {  	lr =	sadd.s32 s0, s3;
	s0 =	sld [smem:$0x3FA1]  }
0x30: {  	s3 =	sld [smem:$0x3FA4]  }
0x31: {  	[smem:$0x3FAD] =	sst s10  }
0x32: {  	s10 =	sld [smem:$0x3FAB];
	_ =	sdelay $0x3  }
0x33: {  	p0 =	seq.s32 s10, $0x1;
	s10 =	sld [smem:$0x3FAD];
	_ =	sdelay $0x3  }
0x34: {  	[smem:$0x3FAD] =	sst s10  }
0x35: {  	s10 =	sld [smem:$0x3FAC];
	_ =	sdelay $0x3  }
0x36: {  	p1 =	seq.s32 s10, $0x1;
	s10 =	sld [smem:$0x3FAD];
	_ =	sdelay $0x3  }
0x37: {  	[smem:$0x3FAD] =	sst s10  }
0x38: {  	s10 =	sld [smem:$0x3FAE]  }
0x39: {  	_ = 	snop;
	(pc) =	sbr.ind lr, $3  }
0x3a: {  	_ = 	snop  }
0x3b: {  	_ = 	snop  }
0x3c: {  	p2 =	seq.s32 s10, $0x1;
	s10 =	sld [smem:$0x3FAD]  }
0x3d: {  	_ =	shalt  }
0x3e: {  	_ =	shalt  }
0x3f: {  	_ =	shalt  }
0x40: {  	_ =	shalt  }
0x41: {  	_ =	shalt  }
0x42: {  	_ =	shalt  }
0x43: {  	_ =	shalt  }
0x44: {  	_ =	shalt  }
0x45: {  	_ =	shalt  }
0x46: {  	_ =	shalt  }
0x47: {  	_ =	shalt  }
0x48: {  	_ =	shalt  }
0x49: {  	_ =	shalt  }
0x4a: {  	_ =	shalt  }
0x4b: {  	_ =	shalt  }
0x4c: {  	_ =	shalt  }
0x4d: {  	_ =	shalt  }
0x4e: {  	_ =	shalt  }
0x4f: {  	_ =	shalt  }
0x50: {  	_ =	shalt  }
0x51: {  	_ =	shalt  }
0x52: {  	_ =	shalt  }
0x53: {  	_ =	shalt  }
0x54: {  	_ =	shalt  }
0x55: {  	_ =	shalt  }
0x56: {  	_ =	shalt  }
0x57: {  	_ =	shalt  }
0x58: {  	_ =	shalt  }
0x59: {  	_ =	shalt  }
0x5a: {  	_ =	shalt  }
0x5b: {  	_ =	shalt  }
0x5c: {  	_ =	shalt  }
0x5d: {  	_ =	shalt  }
0x5e: {  	_ =	shalt  }
0x5f: {  	_ =	shalt  }
0x60: {  	_ =	shalt  }
0x61: {  	_ =	shalt  }
0x62: {  	_ =	shalt  }
0x63: {  	_ =	shalt  }
0x64: {  	_ =	shalt  }
0x65: {  	_ =	shalt  }
0x66: {  	_ =	shalt  }
0x67: {  	_ =	shalt  }
0x68: {  	_ =	shalt  }
0x69: {  	_ =	shalt  }
0x6a: {  	_ =	shalt  }
0x6b: {  	_ =	shalt  }
0x6c: {  	_ =	shalt  }
0x6d: {  	_ =	shalt  }
0x6e: {  	_ =	shalt  }
0x6f: {  	_ =	shalt  }
0x70: {  	_ =	shalt  }
0x71: {  	_ =	shalt  }
0x72: {  	_ =	shalt  }
0x73: {  	_ =	shalt  }
0x74: {  	_ =	shalt  }
0x75: {  	_ =	shalt  }
0x76: {  	_ =	shalt  }
0x77: {  	_ =	shalt  }
0x78: {  	_ =	shalt  }
0x79: {  	_ =	shalt  }
0x7a: {  	_ =	shalt  }
0x7b: {  	_ =	shalt  }
0x7c: {  	_ =	shalt  }
0x7d: {  	_ =	shalt  }
0x7e: {  	_ =	shalt  }
0x7f: {  	_ =	shalt  }
0x80: {  	_ =	shalt  }
0x81: {  	_ =	shalt  }
0x82: {  	_ =	shalt  }
0x83: {  	_ =	shalt  }
0x84: {  	_ =	shalt  }
0x85: {  	_ =	shalt  }
0x86: {  	_ =	shalt  }
0x87: {  	_ =	shalt  }
.Lfunc_end0:
.L_simem_size_0:
called_computation.1_lowered:
.L_overlay_start_0:
0x88: {  	s2 =	sld [smem:$0x3FD9]  }
0x89: {  	s3 =	sld [smem:$0x3FFE];
	_ =	sdelay $0x1  }
0x8a: {  	s1 =	srdreg.scid  }
0x8b: {  	s0 =	sand.u32 $0x1, s1  }
0x8c: {  	s14 =	sshll.u32 s0, $0xA;
	s2 =	sadd.s32 s3, s2  }
0x8d: {  	s2 =	sadd.s32 s2, s14  }
0x8e: {  	[smem:$0x3FB9] =	sst s2  }
0x8f: {  	_ = 	snop  }
0x90: {  	s2 =	sld [smem:$0x3FD0];
	_ =	sdelay $0x2  }
0x91: {  	s15 =	simm.s32 $0xA;
	s4 =	simm.s32 $0x10  }
0x92: {  	[smem:s4], [sflag:s15] =	dma.local [hbm:s2], $0x1  }
0x93: {  	_ =	swait.eq [sflag:s15], $0x1  }
0x94: {  	[sflag:s15] =	ssyncset.done $0x0  }
0x95: {  	[sflag:s15] =	ssyncadd.s32 $0xFFFFFFFF  }
0x96: {  	s16 =	sld [smem:$0x10];
	(tm) =	ssettm $0x1  }
0x97: {  	s17 =	sld [smem:$0x3FFB];
	_ =	sdelay $0x3  }
0x98: {  	_ =	strace s17  }
0x99: {  	s3 =	sld [smem:$0x3FFC];
	_ =	sdelay $0x3  }
0x9a: {  	_ =	strace s3  }
0x9b: {  	s3 =	sld [smem:$0x3FFD];
	_ =	sdelay $0x3  }
0x9c: {  	_ =	strace s3  }
0x9d: {  	_ =	strace $0x8FFFFFFF  }
0x9e: {  	s18 =	sld [smem:$0x3FDB];
	_ =	sdelay $0x1  }
0x9f: {  	s19 =	simm.s32 $_scs_section_size  }
0xa0: {  	s5 =	simm.s32 $_size__tile_overlayer_lowered;
	s6 =	simm.s32 $_tile_overlayer_lowered  }
0xa1: {  	s22 =	simm.s32 $0x1BFF;
	s21 =	sshll.u32 s6, $0x1;
	s3 =	sadd.s32 s19, s18  }
0xa2: {  	s7 =	simm.s32 $0x0;
	s20 =	sshll.u32 s5, $0x1;
	s5 =	sadd.s32 s21, s3  }
0xa3: {  	[timem:s7], [sflag:s22] =	dma.local [hbm:s5], s20  }
0xa4: {  	_ =	swait.ge [sflag:s22], s20  }
0xa5: {  	s4 =	ssub.s32 $0x0, s20;
	[sflag:s22] =	ssyncset.done $0x0  }
0xa6: {  	[sflag:s22] =	ssyncadd.s32 s4;
	_ =	sdelay $0x1  }
0xa7: {  	s23 =	simm.s32 $0x1B8B  }
0xa8: {  	_ =	swait.ge [sflag:s23], $0x1  }
0xa9: {  	[sflag:s23] =	ssyncset.done $0x0  }
0xaa: {  	s25 =	simm.s32 $0x1B8E;
	s24 =	sld [smem:$0x3FFE];
	[sflag:s23] =	ssyncadd.s32 $0xFFFFFFFF  }
0xab: {  	s26 =	simm.s32 $execute0_lowered;
	[smem:$0x3FD2] =	sst s25  }
0xac: {  	s5 =	sshll.u32 s26, $0x1;
	_ =	strace $0x80000049;
	[dreg:$0x1] =	wrdreg $0xFFFFFFFF  }
0xad: {  	s28 =	simm.s32 $_size_execute0_lowered;
	s3 =	sadd.s32 s3, s5;
	[dreg:$0x0] =	wrdreg $0x0  }
0xae: {  	s5 =	sshll.u32 s28, $0x1;
	[dreg:$0x2] =	wrdreg s3  }
0xaf: {  	[dreg:$0x3] =	wrdreg s5  }
0xb0: {  	[dreg:$0x4] =	wrdreg $0xC0  }
0xb1: {  	_ =	task [dreg:s7], $0x5FFFF  }
0xb2: {  	[dreg:$0x1] =	wrdreg $0xFFFFFFFF  }
0xb3: {  	[dreg:$0x0] =	wrdreg $0x60  }
0xb4: {  	[dreg:$0x2] =	wrdreg s16  }
0xb5: {  	[dreg:$0x3] =	wrdreg s24  }
0xb6: {  	[dreg:$0x4] =	wrdreg $0x84000  }
0xb7: {  	[dreg:$0x5] =	wrdreg $0x9  }
0xb8: {  	_ =	task.clear_ibuf [dreg:s7], $0x6FFFF;
	_ =	strace $0x90000049  }
0xb9: {  	s29 =	simm.s32 $0x9;
	_ =	strace $0x8000004B  }
0xba: {  	_ =	swait.ge [sflag:s29], $0x1  }
0xbb: {  	[sflag:s29] =	ssyncadd.s32 $0xFFFFFFFF  }
0xbc: {  	_ =	strace $0x9000004B  }
0xbd: {  	_ =	sfence  }
0xbe: {  	s30 =	sld [smem:$0x0];
	_ =	sdelay $0x2  }
0xbf: {  	s31 =	sshll.u32 s1, $0xD;
	s1 =	sshrl.u32 s1, $0x2  }
0xc0: {  	s3 =	sand.u32 $0x4000, s31;
	s1 =	sadd.s32 s1, s30  }
0xc1: {  	s0 =	sor.u32 s3, s0;
	s1 =	sshll.u32 s1, $0x11  }
0xc2: {  	s0 =	sor.u32 s1, s0  }
0xc3: {  	s0 =	sadd.s32 $0x8F2B, s0  }
0xc4: {  	[sflag:s0] =	ssyncadd.remote.s32 $0x1  }
0xc5: {  	_ =	sfence.sel $0xFFFF  }
0xc6: {  	[dreg:$0x0] =	wrdreg $0xFFFFFFFF;
	(pc) =	sbr.abs _section_cstart, $3  }
0xc7: {  	[dreg:$0x1] =	wrdreg $0xFFFFFFFF  }
0xc8: {  	_ =	task.clear_ibuf [dreg:s7], $0x2FFFF;
	_ =	strace $0x9FFFFFFF  }
0xc9: {  	(tm) =	ssettm $0x7FFFFFFF  }
tec
execute0_lowered:
.L_overlay_start_1:
0x0: {  	(tag) =	ssettag $0x1  }
0x1: {  	s1 =	rddreg [dreg:$0x0]  }
0x2: {  	s0 =	rddreg [dreg:$0x1]  }
0x3: {  	s2 =	rddreg [dreg:$0x2]  }
0x4: {  	s3 =	simm.s32 $0x0;
	s4 =	srdreg.scid;
	s14 =	stileid.u32  }
0x5: {  	s28 =	simm.s32 $0x300;
	s29 =	simm.s32 $0x180;
	s30 =	simm.s32 $0x380  }
0x6: {  	s31 =	simm.s32 $0x0;
	[smem:$0x7FF] =	sst s3;
	s4 =	sand.u32 $0x1, s4  }
0x7: {  	s8 =	smul.u32 $0x1C00, s14;
	s9 =	sadd.s32 $0x50000, s0;
	s10 =	sadd.s32 $0x4E400, s0  }
0x8: {  	s19 =	sshll.u32 s14, $0xD;
	s21 =	sshll.u32 s14, $0x10;
	s23 =	smul.u32 $0x38000, s14  }
0x9: {  	s22 =	sshll.u32 s14, $0x6;
	s13 =	smul.u32 $0x1C0, s14;
	s25 =	sshll.u32 s14, $0x9  }
0xa: {  	_ =	strace $0x8000004A;
	s6 =	smul.u32 $0x1C00, s4;
	[dreg:$0x4] =	wrdreg s9  }
0xb: {  	s5 =	sshll.u32 s4, $0xD;
	s18 =	smul.u32 $0x1C000, s4;
	[dreg:$0x5] =	wrdreg s10  }
0xc: {  	s11 =	ssub.s32 $0x2, s4;
	s10 =	sadd.s32 s19, s0;
	s4 =	sshll.u32 s4, $0x11  }
0xd: {  	s17 =	sadd.s32 s21, s2;
	s19 =	simm.s32 $0x200;
	s21 =	simm.s32 $0x400  }
0xe: {  	s7 =	sadd.s32 s5, s0;
	s5 =	sadd.s32 $0x12400, s0;
	s20 =	sshrl.u32 s11, $0x1  }
0xf: {  	s4 =	sadd.s32 s4, s10;
	s24 =	sshrl.u32 s23, $0x2;
	s17 =	sshrl.u32 s17, $0x3  }
0x10: {  	s23 =	simm.s32 $0x4400;
	s6 =	sadd.s32 s6, s0;
	s8 =	sadd.s32 s8, s18  }
0x11: {  	s12 =	ssub.s32 s11, s20;
	s4 =	sadd.s32 $0x52000, s4;
	s18 =	simm.s32 $0x3  }
0x12: {  	s20 =	simm.s32 $0x80;
	s0 =	sadd.s32 s8, s0;
	s8 =	sor.u32 $0x1C03, s22  }
0x13: {  	[dreg:$0x6] =	wrdreg s4;
	s4 =	sadd.s32 s24, s2;
	s12 =	smax.u32 s12, $0x1  }
0x14: {  	s26 =	sadd.s32 s13, s6;
	s22 =	simm.s32 $0x1;
	s24 =	simm.s32 $0x280  }
0x15: {  	[dreg:$0x7] =	wrdreg s4;
	s11 =	sadd.s32 $0x92000, s0;
	s0 =	sadd.s32 s25, s7  }
0x16: {  	s15 =	sadd.s32 $0x6C00, s26;
	s16 =	sadd.s32 $0x3400, s26;
	s25 =	simm.s32 $0x2  }
0x17: {  	s26 =	simm.s32 $0x100;
	s13 =	sadd.s32 $0xE400, s0;
	s14 =	sadd.s32 $0xA400, s0  }
.LBB2_1:
0x18: {  	s0 =	rddreg [dreg:$0x4]  }
0x19: {  	[spmem:s17], [sflag:s8] =	dma.local [hbm:s0], $0x2000  }
0x1a: {  	_ =	swait.ge [sflag:s18], $0x2000  }
0x1b: {  	[sflag:s18] =	ssyncset.done $0x0  }
0x1c: {  	[sflag:s18] =	ssyncadd.s32 $0xFFFFE000  }
0x1d: {  	s9 =	sadd.s32 $0x0, s13;
	[bflag:$0x0] =	sbarrier.arrive $0xFFFF  }
0x1e: {  	[tilespmem:s3], [sflag:$0x3] =	stream.linear.gather [hbm4b:s9+s3], $0x200, $0x38;
	[tilespmem:$0x18400] =	vst v63  }
0x1f: {  	_ =	swait.ge [sflag:s18], $0x200  }
0x20: {  	[sflag:s18] =	ssyncset.done $0x0  }
0x21: {  	s10 =	sadd.s32 $0x0, s14;
	[sflag:s18] =	ssyncadd.s32 $0xFFFFFE00  }
0x22: {  	[tilespmem:s19], [sflag:$0x3] =	stream.linear.gather [hbm4b:s10+s3], $0x200, $0x38;
	[tilespmem:$0x18400] =	vst v63  }
0x23: {  	_ =	swait.ge [sflag:s18], $0x200  }
0x24: {  	[sflag:s18] =	ssyncset.done $0x0  }
0x25: {  	[sflag:s18] =	ssyncadd.s32 $0xFFFFFE00  }
0x26: {  	[tilespmem:s21], [sflag:$0x1] =	stream.indirect.gather [hbm4b:s1+s20], $0x80, s3, s20, $0xb8;
	[tilespmem:$0x18400] =	vst v63  }
0x27: {  	_ =	swait.ge [sflag:s22], $0x4000  }
0x28: {  	[sflag:s22] =	ssyncset.done $0x0  }
0x29: {  	[sflag:s22] =	ssyncadd.s32 $0xFFFFC000  }
0x2a: {  	[spmem:s2] =	stream.indirect.scatter.add.f32 [tilespmem:s21], [sflag:$0x2], $0x80, s19, s20, $0xb8;
	[tilespmem:$0x18400] =	vst v63  }
0x2b: {  	_ = 	snop  }
0x2c: {  	[tilespmem:s23], [sflag:$0x1] =	stream.indirect.gather [hbm4b:s1+s20], $0x80, s20, s20, $0xb8;
	[tilespmem:$0x18400] =	vst v63  }
0x2d: {  	_ =	swait.ge [sflag:s22], $0x4000  }
0x2e: {  	[sflag:s22] =	ssyncset.done $0x0  }
0x2f: {  	[sflag:s22] =	ssyncadd.s32 $0xFFFFC000  }
0x30: {  	[spmem:s2] =	stream.indirect.scatter.add.f32 [tilespmem:s23], [sflag:$0x2], $0x80, s24, s20, $0xb8;
	[tilespmem:$0x18400] =	vst v63  }
0x31: {  	_ =	swait.ge [sflag:s25], $0x4000  }
0x32: {  	[sflag:s25] =	ssyncset.done $0x0  }
0x33: {  	[sflag:s25] =	ssyncadd.s32 $0xFFFFC000  }
0x34: {  	[tilespmem:s21], [sflag:$0x1] =	stream.indirect.gather [hbm4b:s1+s20], $0x80, s26, s20, $0xb8;
	[tilespmem:$0x18400] =	vst v63  }
0x35: {  	_ =	swait.ge [sflag:s22], $0x4000  }
0x36: {  	[sflag:s22] =	ssyncset.done $0x0  }
0x37: {  	[sflag:s22] =	ssyncadd.s32 $0xFFFFC000  }
0x38: {  	[spmem:s2] =	stream.indirect.scatter.add.f32 [tilespmem:s21], [sflag:$0x2], $0x80, s28, s20, $0xb8;
	[tilespmem:$0x18400] =	vst v63  }
0x39: {  	_ =	swait.ge [sflag:s25], $0x4000  }
0x3a: {  	[sflag:s25] =	ssyncset.done $0x0  }
0x3b: {  	[sflag:s25] =	ssyncadd.s32 $0xFFFFC000  }
0x3c: {  	[tilespmem:s23], [sflag:$0x1] =	stream.indirect.gather [hbm4b:s1+s20], $0x80, s29, s20, $0xb8;
	[tilespmem:$0x18400] =	vst v63  }
0x3d: {  	_ =	swait.ge [sflag:s22], $0x4000  }
0x3e: {  	[sflag:s22] =	ssyncset.done $0x0  }
0x3f: {  	[sflag:s22] =	ssyncadd.s32 $0xFFFFC000  }
0x40: {  	[spmem:s2] =	stream.indirect.scatter.add.f32 [tilespmem:s23], [sflag:$0x2], $0x80, s30, s20, $0xb8;
	[tilespmem:$0x18400] =	vst v63  }
0x41: {  	_ =	swait.ge [sflag:s25], $0x4000  }
0x42: {  	[sflag:s25] =	ssyncset.done $0x0  }
0x43: {  	[sflag:s25] =	ssyncadd.s32 $0xFFFFC000  }
0x44: {  	_ =	swait.ge [sflag:s25], $0x4000  }
0x45: {  	s6 =	simm.s32 $0x80;
	s0 =	simm.s32 $0x40;
	[sflag:s25] =	ssyncset.done $0x0  }
.LBB2_2:
0x46: {  	s7 =	sadd.s32 s0, s13  }
0x47: {  	[sflag:s25] =	ssyncadd.s32 $0xFFFFC000;
	s9 =	smov.u32 s6;
	s4 =	sadd.s32 $0x40, s6  }
0x48: {  	[tilespmem:s3], [sflag:$0x3] =	stream.linear.gather [hbm4b:s7+s3], $0x200, $0x38;
	[tilespmem:$0x18400] =	vst v63  }
0x49: {  	p0 =	sne.s32 s6, $0x1C0;
	_ =	swait.ge [sflag:s18], $0x200  }
0x4a: {  	[sflag:s18] =	ssyncset.done $0x0  }
0x4b: {  	s6 =	sadd.s32 s0, s14;
	s0 =	smov.u32 s9;
	[sflag:s18] =	ssyncadd.s32 $0xFFFFFE00  }
0x4c: {  	[tilespmem:s19], [sflag:$0x3] =	stream.linear.gather [hbm4b:s6+s3], $0x200, $0x38;
	[tilespmem:$0x18400] =	vst v63  }
0x4d: {  	_ =	swait.ge [sflag:s18], $0x200  }
0x4e: {  	[sflag:s18] =	ssyncset.done $0x0  }
0x4f: {  	[sflag:s18] =	ssyncadd.s32 $0xFFFFFE00  }
0x50: {  	[tilespmem:s21], [sflag:$0x1] =	stream.indirect.gather [hbm4b:s1+s20], $0x80, s3, s20, $0xb8;
	[tilespmem:$0x18400] =	vst v63  }
0x51: {  	_ =	swait.ge [sflag:s22], $0x4000  }
0x52: {  	[sflag:s22] =	ssyncset.done $0x0  }
0x53: {  	[sflag:s22] =	ssyncadd.s32 $0xFFFFC000  }
0x54: {  	[spmem:s2] =	stream.indirect.scatter.add.f32 [tilespmem:s21], [sflag:$0x2], $0x80, s19, s20, $0xb8;
	[tilespmem:$0x18400] =	vst v63  }
0x55: {  	_ = 	snop  }
0x56: {  	[tilespmem:s23], [sflag:$0x1] =	stream.indirect.gather [hbm4b:s1+s20], $0x80, s20, s20, $0xb8;
	[tilespmem:$0x18400] =	vst v63  }
0x57: {  	_ =	swait.ge [sflag:s22], $0x4000  }
0x58: {  	[sflag:s22] =	ssyncset.done $0x0  }
0x59: {  	[sflag:s22] =	ssyncadd.s32 $0xFFFFC000  }
0x5a: {  	[spmem:s2] =	stream.indirect.scatter.add.f32 [tilespmem:s23], [sflag:$0x2], $0x80, s24, s20, $0xb8;
	[tilespmem:$0x18400] =	vst v63  }
0x5b: {  	_ =	swait.ge [sflag:s25], $0x4000  }
0x5c: {  	[sflag:s25] =	ssyncset.done $0x0  }
0x5d: {  	[sflag:s25] =	ssyncadd.s32 $0xFFFFC000  }
0x5e: {  	[tilespmem:s21], [sflag:$0x1] =	stream.indirect.gather [hbm4b:s1+s20], $0x80, s26, s20, $0xb8;
	[tilespmem:$0x18400] =	vst v63  }
0x5f: {  	_ =	swait.ge [sflag:s22], $0x4000  }
0x60: {  	[sflag:s22] =	ssyncset.done $0x0  }
0x61: {  	[sflag:s22] =	ssyncadd.s32 $0xFFFFC000  }
0x62: {  	[spmem:s2] =	stream.indirect.scatter.add.f32 [tilespmem:s21], [sflag:$0x2], $0x80, s28, s20, $0xb8;
	[tilespmem:$0x18400] =	vst v63  }
0x63: {  	_ =	swait.ge [sflag:s25], $0x4000  }
0x64: {  	[sflag:s25] =	ssyncset.done $0x0  }
0x65: {  	[sflag:s25] =	ssyncadd.s32 $0xFFFFC000  }
0x66: {  	[tilespmem:s23], [sflag:$0x1] =	stream.indirect.gather [hbm4b:s1+s20], $0x80, s29, s20, $0xb8;
	[tilespmem:$0x18400] =	vst v63  }
0x67: {  	_ =	swait.ge [sflag:s22], $0x4000  }
0x68: {  	[sflag:s22] =	ssyncset.done $0x0  }
0x69: {  	[sflag:s22] =	ssyncadd.s32 $0xFFFFC000  }
0x6a: {  	[spmem:s2] =	stream.indirect.scatter.add.f32 [tilespmem:s23], [sflag:$0x2], $0x80, s30, s20, $0xb8;
	[tilespmem:$0x18400] =	vst v63  }
.Ltmp0:
0x6b: {  	_ =	swait.ge [sflag:s25], $0x4000;
	(pc) =	sbr.rel @p0 .LBB2_2-.Ltmp0, $4  }
0x6c: {  	[sflag:s25] =	ssyncset.done $0x0  }
0x6d: {  	[sflag:s25] =	ssyncadd.s32 $0xFFFFC000  }
0x6e: {  	_ =	swait.ge [sflag:s25], $0x4000  }
0x6f: {  	s6 =	smov.u32 s4;
	[sflag:s25] =	ssyncset.done $0x0  }
0x70: {  	s4 =	sadd.s32 s0, s13;
	[sflag:s25] =	ssyncadd.s32 $0xFFFFC000  }
0x71: {  	[tilespmem:s3], [sflag:$0x3] =	stream.linear.gather [hbm4b:s4+s3], $0x200, $0x38;
	[tilespmem:$0x18400] =	vst v63  }
0x72: {  	_ =	swait.ge [sflag:s18], $0x200  }
0x73: {  	[sflag:s18] =	ssyncset.done $0x0  }
0x74: {  	s10 =	sadd.s32 s0, s14;
	[sflag:s18] =	ssyncadd.s32 $0xFFFFFE00  }
0x75: {  	[tilespmem:s19], [sflag:$0x3] =	stream.linear.gather [hbm4b:s10+s3], $0x200, $0x38;
	[tilespmem:$0x18400] =	vst v63  }
0x76: {  	_ =	swait.ge [sflag:s18], $0x200  }
0x77: {  	[sflag:s18] =	ssyncset.done $0x0  }
0x78: {  	[sflag:s18] =	ssyncadd.s32 $0xFFFFFE00  }
0x79: {  	[tilespmem:s21], [sflag:$0x1] =	stream.indirect.gather [hbm4b:s1+s20], $0x80, s3, s20, $0xb8;
	[tilespmem:$0x18400] =	vst v63  }
0x7a: {  	_ =	swait.ge [sflag:s22], $0x4000  }
0x7b: {  	[sflag:s22] =	ssyncset.done $0x0  }
0x7c: {  	[sflag:s22] =	ssyncadd.s32 $0xFFFFC000  }
0x7d: {  	[spmem:s2] =	stream.indirect.scatter.add.f32 [tilespmem:s21], [sflag:$0x2], $0x80, s19, s20, $0xb8;
	[tilespmem:$0x18400] =	vst v63  }
0x7e: {  	_ = 	snop  }
0x7f: {  	[tilespmem:s23], [sflag:$0x1] =	stream.indirect.gather [hbm4b:s1+s20], $0x80, s20, s20, $0xb8;
	[tilespmem:$0x18400] =	vst v63  }
0x80: {  	_ =	swait.ge [sflag:s22], $0x4000  }
0x81: {  	[sflag:s22] =	ssyncset.done $0x0  }
0x82: {  	[sflag:s22] =	ssyncadd.s32 $0xFFFFC000  }
0x83: {  	[spmem:s2] =	stream.indirect.scatter.add.f32 [tilespmem:s23], [sflag:$0x2], $0x80, s24, s20, $0xb8;
	[tilespmem:$0x18400] =	vst v63  }
0x84: {  	_ =	swait.ge [sflag:s25], $0x4000  }
0x85: {  	[sflag:s25] =	ssyncset.done $0x0  }
0x86: {  	[sflag:s25] =	ssyncadd.s32 $0xFFFFC000  }
0x87: {  	[tilespmem:s21], [sflag:$0x1] =	stream.indirect.gather [hbm4b:s1+s20], $0x80, s26, s20, $0xb8;
	[tilespmem:$0x18400] =	vst v63  }
0x88: {  	_ =	swait.ge [sflag:s22], $0x4000  }
0x89: {  	[sflag:s22] =	ssyncset.done $0x0  }
0x8a: {  	[sflag:s22] =	ssyncadd.s32 $0xFFFFC000  }
0x8b: {  	[spmem:s2] =	stream.indirect.scatter.add.f32 [tilespmem:s21], [sflag:$0x2], $0x80, s28, s20, $0xb8;
	[tilespmem:$0x18400] =	vst v63  }
0x8c: {  	_ =	swait.ge [sflag:s25], $0x4000  }
0x8d: {  	[sflag:s25] =	ssyncset.done $0x0  }
0x8e: {  	[sflag:s25] =	ssyncadd.s32 $0xFFFFC000  }
0x8f: {  	[tilespmem:s23], [sflag:$0x1] =	stream.indirect.gather [hbm4b:s1+s20], $0x80, s29, s20, $0xb8;
	[tilespmem:$0x18400] =	vst v63  }
0x90: {  	_ =	swait.ge [sflag:s22], $0x4000  }
0x91: {  	[sflag:s22] =	ssyncset.done $0x0  }
0x92: {  	[sflag:s22] =	ssyncadd.s32 $0xFFFFC000  }
0x93: {  	[spmem:s2] =	stream.indirect.scatter.add.f32 [tilespmem:s23], [sflag:$0x2], $0x80, s30, s20, $0xb8;
	[tilespmem:$0x18400] =	vst v63  }
0x94: {  	_ =	swait.ge [sflag:s25], $0x4000  }
0x95: {  	[sflag:s25] =	ssyncset.done $0x0  }
0x96: {  	[sflag:s25] =	ssyncadd.s32 $0xFFFFC000  }
0x97: {  	_ =	swait.ge [sflag:s25], $0x4000  }
0x98: {  	[sflag:s25] =	ssyncset.done $0x0  }
0x99: {  	[sflag:s25] =	ssyncadd.s32 $0xFFFFC000  }
0x9a: {  	[bflag:$0x0] =	sbarrier.arrive $0xFFFF  }
0x9b: {  	s4 =	rddreg [dreg:$0x6]  }
0x9c: {  	[hbm:s4], [sflag:s8] =	dma.local [spmem:s17], $0x2000  }
0x9d: {  	_ =	swait.ge [sflag:s18], $0x2000  }
0x9e: {  	[sflag:s18] =	ssyncset.done $0x0  }
0x9f: {  	[sflag:s18] =	ssyncadd.s32 $0xFFFFE000  }
0xa0: {  	[bflag:$0x0] =	sbarrier.arrive $0xFFFF  }
0xa1: {  	s6 =	rddreg [dreg:$0x7]  }
0xa2: {  	s7 =	rddreg [dreg:$0x5];
	s0 =	sshrl.u32 s6, $0x3  }
0xa3: {  	[spmem:s0], [sflag:s8] =	dma.local [hbm:s7], $0x1C00  }
0xa4: {  	_ =	swait.ge [sflag:s18], $0x1C00  }
0xa5: {  	[sflag:s18] =	ssyncset.done $0x0  }
0xa6: {  	[sflag:s18] =	ssyncadd.s32 $0xFFFFE400  }
0xa7: {  	s9 =	sadd.s32 $0x0, s15;
	[bflag:$0x0] =	sbarrier.arrive $0xFFFF  }
0xa8: {  	[tilespmem:s3], [sflag:$0x3] =	stream.linear.gather [hbm4b:s9+s3], $0x200, $0x38;
	[tilespmem:$0x18400] =	vst v63  }
0xa9: {  	_ =	swait.ge [sflag:s18], $0x200  }
0xaa: {  	[sflag:s18] =	ssyncset.done $0x0  }
0xab: {  	s10 =	sadd.s32 $0x0, s16;
	[sflag:s18] =	ssyncadd.s32 $0xFFFFFE00  }
0xac: {  	[tilespmem:s19], [sflag:$0x3] =	stream.linear.gather [hbm4b:s10+s3], $0x200, $0x38;
	[tilespmem:$0x18400] =	vst v63  }
0xad: {  	_ =	swait.ge [sflag:s18], $0x200  }
0xae: {  	[sflag:s18] =	ssyncset.done $0x0  }
0xaf: {  	[sflag:s18] =	ssyncadd.s32 $0xFFFFFE00  }
0xb0: {  	[tilespmem:s21], [sflag:$0x1] =	stream.indirect.gather [hbm4b:s5+s20], $0x80, s3, s20, $0xb8;
	[tilespmem:$0x18400] =	vst v63  }
0xb1: {  	_ =	swait.ge [sflag:s22], $0x4000  }
0xb2: {  	[sflag:s22] =	ssyncset.done $0x0  }
0xb3: {  	[sflag:s22] =	ssyncadd.s32 $0xFFFFC000  }
0xb4: {  	[spmem:s2] =	stream.indirect.scatter.add.f32 [tilespmem:s21], [sflag:$0x2], $0x80, s19, s20, $0xb8;
	[tilespmem:$0x18400] =	vst v63  }
0xb5: {  	_ = 	snop  }
0xb6: {  	[tilespmem:s23], [sflag:$0x1] =	stream.indirect.gather [hbm4b:s5+s20], $0x80, s20, s20, $0xb8;
	[tilespmem:$0x18400] =	vst v63  }
0xb7: {  	_ =	swait.ge [sflag:s22], $0x4000  }
0xb8: {  	[sflag:s22] =	ssyncset.done $0x0  }
0xb9: {  	[sflag:s22] =	ssyncadd.s32 $0xFFFFC000  }
0xba: {  	[spmem:s2] =	stream.indirect.scatter.add.f32 [tilespmem:s23], [sflag:$0x2], $0x80, s24, s20, $0xb8;
	[tilespmem:$0x18400] =	vst v63  }
0xbb: {  	_ =	swait.ge [sflag:s25], $0x4000  }
0xbc: {  	[sflag:s25] =	ssyncset.done $0x0  }
0xbd: {  	[sflag:s25] =	ssyncadd.s32 $0xFFFFC000  }
0xbe: {  	[tilespmem:s21], [sflag:$0x1] =	stream.indirect.gather [hbm4b:s5+s20], $0x80, s26, s20, $0xb8;
	[tilespmem:$0x18400] =	vst v63  }
0xbf: {  	_ =	swait.ge [sflag:s22], $0x4000  }
0xc0: {  	[sflag:s22] =	ssyncset.done $0x0  }
0xc1: {  	[sflag:s22] =	ssyncadd.s32 $0xFFFFC000  }
0xc2: {  	[spmem:s2] =	stream.indirect.scatter.add.f32 [tilespmem:s21], [sflag:$0x2], $0x80, s28, s20, $0xb8;
	[tilespmem:$0x18400] =	vst v63  }
0xc3: {  	_ =	swait.ge [sflag:s25], $0x4000  }
0xc4: {  	[sflag:s25] =	ssyncset.done $0x0  }
0xc5: {  	[sflag:s25] =	ssyncadd.s32 $0xFFFFC000  }
0xc6: {  	[tilespmem:s23], [sflag:$0x1] =	stream.indirect.gather [hbm4b:s5+s20], $0x80, s29, s20, $0xb8;
	[tilespmem:$0x18400] =	vst v63  }
0xc7: {  	_ =	swait.ge [sflag:s22], $0x4000  }
0xc8: {  	[sflag:s22] =	ssyncset.done $0x0  }
0xc9: {  	[sflag:s22] =	ssyncadd.s32 $0xFFFFC000  }
0xca: {  	[spmem:s2] =	stream.indirect.scatter.add.f32 [tilespmem:s23], [sflag:$0x2], $0x80, s30, s20, $0xb8;
	[tilespmem:$0x18400] =	vst v63  }
0xcb: {  	_ =	swait.ge [sflag:s25], $0x4000  }
0xcc: {  	[sflag:s25] =	ssyncset.done $0x0  }
0xcd: {  	[sflag:s25] =	ssyncadd.s32 $0xFFFFC000  }
0xce: {  	_ =	swait.ge [sflag:s25], $0x4000  }
0xcf: {  	s4 =	simm.s32 $0x40;
	s6 =	simm.s32 $0x80;
	[sflag:s25] =	ssyncset.done $0x0  }
.LBB2_4:
0xd0: {  	s9 =	sadd.s32 s4, s15  }
0xd1: {  	[sflag:s25] =	ssyncadd.s32 $0xFFFFC000;
	s10 =	smov.u32 s6;
	s7 =	sadd.s32 $0x40, s6  }
0xd2: {  	[tilespmem:s3], [sflag:$0x3] =	stream.linear.gather [hbm4b:s9+s3], $0x200, $0x38;
	[tilespmem:$0x18400] =	vst v63  }
0xd3: {  	p0 =	sne.s32 s6, $0x180;
	_ =	swait.ge [sflag:s18], $0x200  }
0xd4: {  	[sflag:s18] =	ssyncset.done $0x0  }
0xd5: {  	s6 =	sadd.s32 s4, s16;
	s4 =	smov.u32 s10;
	[sflag:s18] =	ssyncadd.s32 $0xFFFFFE00  }
0xd6: {  	[tilespmem:s19], [sflag:$0x3] =	stream.linear.gather [hbm4b:s6+s3], $0x200, $0x38;
	[tilespmem:$0x18400] =	vst v63  }
0xd7: {  	_ =	swait.ge [sflag:s18], $0x200  }
0xd8: {  	[sflag:s18] =	ssyncset.done $0x0  }
0xd9: {  	[sflag:s18] =	ssyncadd.s32 $0xFFFFFE00  }
0xda: {  	[tilespmem:s21], [sflag:$0x1] =	stream.indirect.gather [hbm4b:s5+s20], $0x80, s3, s20, $0xb8;
	[tilespmem:$0x18400] =	vst v63  }
0xdb: {  	_ =	swait.ge [sflag:s22], $0x4000  }
0xdc: {  	[sflag:s22] =	ssyncset.done $0x0  }
0xdd: {  	[sflag:s22] =	ssyncadd.s32 $0xFFFFC000  }
0xde: {  	[spmem:s2] =	stream.indirect.scatter.add.f32 [tilespmem:s21], [sflag:$0x2], $0x80, s19, s20, $0xb8;
	[tilespmem:$0x18400] =	vst v63  }
0xdf: {  	_ = 	snop  }
0xe0: {  	[tilespmem:s23], [sflag:$0x1] =	stream.indirect.gather [hbm4b:s5+s20], $0x80, s20, s20, $0xb8;
	[tilespmem:$0x18400] =	vst v63  }
0xe1: {  	_ =	swait.ge [sflag:s22], $0x4000  }
0xe2: {  	[sflag:s22] =	ssyncset.done $0x0  }
0xe3: {  	[sflag:s22] =	ssyncadd.s32 $0xFFFFC000  }
0xe4: {  	[spmem:s2] =	stream.indirect.scatter.add.f32 [tilespmem:s23], [sflag:$0x2], $0x80, s24, s20, $0xb8;
	[tilespmem:$0x18400] =	vst v63  }
0xe5: {  	_ =	swait.ge [sflag:s25], $0x4000  }
0xe6: {  	[sflag:s25] =	ssyncset.done $0x0  }
0xe7: {  	[sflag:s25] =	ssyncadd.s32 $0xFFFFC000  }
0xe8: {  	[tilespmem:s21], [sflag:$0x1] =	stream.indirect.gather [hbm4b:s5+s20], $0x80, s26, s20, $0xb8;
	[tilespmem:$0x18400] =	vst v63  }
0xe9: {  	_ =	swait.ge [sflag:s22], $0x4000  }
0xea: {  	[sflag:s22] =	ssyncset.done $0x0  }
0xeb: {  	[sflag:s22] =	ssyncadd.s32 $0xFFFFC000  }
0xec: {  	[spmem:s2] =	stream.indirect.scatter.add.f32 [tilespmem:s21], [sflag:$0x2], $0x80, s28, s20, $0xb8;
	[tilespmem:$0x18400] =	vst v63  }
0xed: {  	_ =	swait.ge [sflag:s25], $0x4000  }
0xee: {  	[sflag:s25] =	ssyncset.done $0x0  }
0xef: {  	[sflag:s25] =	ssyncadd.s32 $0xFFFFC000  }
0xf0: {  	[tilespmem:s23], [sflag:$0x1] =	stream.indirect.gather [hbm4b:s5+s20], $0x80, s29, s20, $0xb8;
	[tilespmem:$0x18400] =	vst v63  }
0xf1: {  	_ =	swait.ge [sflag:s22], $0x4000  }
0xf2: {  	[sflag:s22] =	ssyncset.done $0x0  }
0xf3: {  	[sflag:s22] =	ssyncadd.s32 $0xFFFFC000  }
0xf4: {  	[spmem:s2] =	stream.indirect.scatter.add.f32 [tilespmem:s23], [sflag:$0x2], $0x80, s30, s20, $0xb8;
	[tilespmem:$0x18400] =	vst v63  }
.Ltmp1:
0xf5: {  	_ =	swait.ge [sflag:s25], $0x4000;
	(pc) =	sbr.rel @p0 .LBB2_4-.Ltmp1, $4  }
0xf6: {  	[sflag:s25] =	ssyncset.done $0x0  }
0xf7: {  	[sflag:s25] =	ssyncadd.s32 $0xFFFFC000  }
0xf8: {  	_ =	swait.ge [sflag:s25], $0x4000  }
0xf9: {  	s6 =	smov.u32 s7;
	[sflag:s25] =	ssyncset.done $0x0  }
0xfa: {  	s6 =	sadd.s32 s4, s15;
	[sflag:s25] =	ssyncadd.s32 $0xFFFFC000  }
0xfb: {  	[tilespmem:s3], [sflag:$0x3] =	stream.linear.gather [hbm4b:s6+s3], $0x200, $0x38;
	[tilespmem:$0x18400] =	vst v63  }
0xfc: {  	_ =	swait.ge [sflag:s18], $0x200  }
0xfd: {  	[sflag:s18] =	ssyncset.done $0x0  }
0xfe: {  	s10 =	sadd.s32 s4, s16;
	[sflag:s18] =	ssyncadd.s32 $0xFFFFFE00  }
0xff: {  	[tilespmem:s19], [sflag:$0x3] =	stream.linear.gather [hbm4b:s10+s3], $0x200, $0x38;
	[tilespmem:$0x18400] =	vst v63  }
0x100: {  	_ =	swait.ge [sflag:s18], $0x200  }
0x101: {  	[sflag:s18] =	ssyncset.done $0x0  }
0x102: {  	[sflag:s18] =	ssyncadd.s32 $0xFFFFFE00  }
0x103: {  	[tilespmem:s21], [sflag:$0x1] =	stream.indirect.gather [hbm4b:s5+s20], $0x80, s3, s20, $0xb8;
	[tilespmem:$0x18400] =	vst v63  }
0x104: {  	_ =	swait.ge [sflag:s22], $0x4000  }
0x105: {  	[sflag:s22] =	ssyncset.done $0x0  }
0x106: {  	[sflag:s22] =	ssyncadd.s32 $0xFFFFC000  }
0x107: {  	[spmem:s2] =	stream.indirect.scatter.add.f32 [tilespmem:s21], [sflag:$0x2], $0x80, s19, s20, $0xb8;
	[tilespmem:$0x18400] =	vst v63  }
0x108: {  	_ = 	snop  }
0x109: {  	[tilespmem:s23], [sflag:$0x1] =	stream.indirect.gather [hbm4b:s5+s20], $0x80, s20, s20, $0xb8;
	[tilespmem:$0x18400] =	vst v63  }
0x10a: {  	_ =	swait.ge [sflag:s22], $0x4000  }
0x10b: {  	[sflag:s22] =	ssyncset.done $0x0  }
0x10c: {  	[sflag:s22] =	ssyncadd.s32 $0xFFFFC000  }
0x10d: {  	[spmem:s2] =	stream.indirect.scatter.add.f32 [tilespmem:s23], [sflag:$0x2], $0x80, s24, s20, $0xb8;
	[tilespmem:$0x18400] =	vst v63  }
0x10e: {  	_ =	swait.ge [sflag:s25], $0x4000  }
0x10f: {  	[sflag:s25] =	ssyncset.done $0x0  }
0x110: {  	[sflag:s25] =	ssyncadd.s32 $0xFFFFC000  }
0x111: {  	[tilespmem:s21], [sflag:$0x1] =	stream.indirect.gather [hbm4b:s5+s20], $0x80, s26, s20, $0xb8;
	[tilespmem:$0x18400] =	vst v63  }
0x112: {  	_ =	swait.ge [sflag:s22], $0x4000  }
0x113: {  	[sflag:s22] =	ssyncset.done $0x0  }
0x114: {  	[sflag:s22] =	ssyncadd.s32 $0xFFFFC000  }
0x115: {  	[spmem:s2] =	stream.indirect.scatter.add.f32 [tilespmem:s21], [sflag:$0x2], $0x80, s28, s20, $0xb8;
	[tilespmem:$0x18400] =	vst v63  }
0x116: {  	_ =	swait.ge [sflag:s25], $0x4000  }
0x117: {  	[sflag:s25] =	ssyncset.done $0x0  }
0x118: {  	[sflag:s25] =	ssyncadd.s32 $0xFFFFC000  }
0x119: {  	[tilespmem:s23], [sflag:$0x1] =	stream.indirect.gather [hbm4b:s5+s20], $0x80, s29, s20, $0xb8;
	[tilespmem:$0x18400] =	vst v63  }
0x11a: {  	_ =	swait.ge [sflag:s22], $0x4000  }
0x11b: {  	[sflag:s22] =	ssyncset.done $0x0  }
0x11c: {  	[sflag:s22] =	ssyncadd.s32 $0xFFFFC000  }
0x11d: {  	[spmem:s2] =	stream.indirect.scatter.add.f32 [tilespmem:s23], [sflag:$0x2], $0x80, s30, s20, $0xb8;
	[tilespmem:$0x18400] =	vst v63  }
0x11e: {  	_ =	swait.ge [sflag:s25], $0x4000  }
0x11f: {  	[sflag:s25] =	ssyncset.done $0x0  }
0x120: {  	[sflag:s25] =	ssyncadd.s32 $0xFFFFC000  }
0x121: {  	_ =	swait.ge [sflag:s25], $0x4000  }
0x122: {  	[sflag:s25] =	ssyncset.done $0x0  }
0x123: {  	s31 =	sadd.s32 $0x1, s31;
	[sflag:s25] =	ssyncadd.s32 $0xFFFFC000  }
0x124: {  	p0 =	sne.s32 s31, s12;
	[bflag:$0x0] =	sbarrier.arrive $0xFFFF  }
0x125: {  	[hbm:s11], [sflag:s8] =	dma.local [spmem:s0], $0x1C00  }
.Ltmp2:
0x126: {  	_ =	swait.ge [sflag:s18], $0x1C00;
	(pc) =	sbr.rel @p0 .LBB2_1-.Ltmp2, $3  }
0x127: {  	[sflag:s18] =	ssyncset.done $0x0  }
0x128: {  	[sflag:s18] =	ssyncadd.s32 $0xFFFFE400  }
0x129: {  	[bflag:$0x0] =	sbarrier.arrive $0xFFFF;
	_ =	sdelay $0x1  }
0x12a: {  	_ =	sfence.sel $0x180000  }
0x12b: {  	[bflag:$0x0] =	sbarrier.arrive $0xFFFF  }
0x12c: {  	_ =	strace $0x9000004A  }
0x12d: {  	s0 =	stileid.u32;
	[bflag:$0x2] =	sbarrier.arrive $0xFFFF  }
0x12e: {  	p0 =	sne.s32 s0, $0x0;
	s0 =	rddreg [dreg:$0x3]  }
0x12f: {  	s0 =	sadd.s32 @!p0 $0x100000, s0  }
0x130: {  	[sflag:s0] =	ssyncadd.tile.s32 @!p0 $0x1;
	_ =	shalt  }
.Lfunc_end2:
_tile_overlayer_lowered:
.L_overlay_start_2:
0x131: {  	(tag) =	ssettag $0x2  }
0x132: {  	s0 =	rddreg [dreg:$0x0];
	s2 =	stileid.u32  }
0x133: {  	s1 =	rddreg [dreg:$0x1];
	p0 =	sne.s32 s2, $0x0  }
0x134: {  	s3 =	rddreg [dreg:$0x2];
	[bflag:$0x3] =	sbarrier.arrive $0xFFFF;
	s2 =	simm.s32 @!p0 $0x1C03  }
0x135: {  	[timem:s3], [sflag:s2] =	dma.local @!p0 [hbm:s0], s1  }
0x136: {  	s0 =	simm.s32 @!p0 $0x3  }
0x137: {  	_ =	swait.ge @!p0 [sflag:s0], s1  }
0x138: {  	s1 =	ssub.s32 @!p0 $0x0, s1;
	[sflag:s0] =	ssyncset.done @!p0 $0x0  }
0x139: {  	[sflag:s0] =	ssyncadd.s32 @!p0 s1  }
0x13a: {  	[bflag:$0x3] =	sbarrier.arrive $0xFFFF  }
0x13b: {  	_ =	shalt  }

// kernel: kernel.7.cloned.1.call-start
scs
__scs_entry_jumppad:
0x0: {  	(pc) =	sbr.rel $0x88, $3  }
0x1: {  	(tag) =	ssettag $0x0;
	lr =	simm.s32 $0x1  }
0x2: {  	[smem:$0x3F92] =	sst lr;
	_ =	strace $0xD0000000  }
0x3: {  	_ = 	snop  }
0x4: {  	_ = 	snop  }
0x5: {  	_ = 	snop  }
0x6: {  	_ = 	snop  }
0x7: {  	_ = 	snop  }
__scs_overlays_trampoline_lowered:
0x8: {  	[smem:$0x3FA1] =	sst s0  }
0x9: {  	[smem:$0x3FA2] =	sst s1  }
0xa: {  	[smem:$0x3FA3] =	sst s2  }
0xb: {  	[smem:$0x3FA4] =	sst s3  }
0xc: {  	[smem:$0x3FA5] =	sst s4  }
0xd: {  	[smem:$0x3FA6] =	sst s5  }
0xe: {  	[smem:$0x3FA7] =	sst s6  }
0xf: {  	[smem:$0x3FA8] =	sst s7  }
0x10: {  	[smem:$0x3FA9] =	sst s8  }
0x11: {  	[smem:$0x3FAA] =	sst s9;
	s0 =	simm.s32 @!p0 $0x0  }
0x12: {  	s1 =	sld [smem:$0x3F90];
	s0 =	simm.s32 @p0 $0x1  }
0x13: {  	[smem:$0x3FAB] =	sst s0;
	s0 =	simm.s32 @!p1 $0x0  }
0x14: {  	s2 =	sld [smem:$0x3F8F];
	s0 =	simm.s32 @p1 $0x1  }
0x15: {  	[smem:$0x3FAC] =	sst s0;
	s0 =	simm.s32 @!p2 $0x0  }
0x16: {  	s3 =	sld [smem:$0x3FDB];
	s0 =	simm.s32 @p2 $0x1  }
0x17: {  	s4 =	simm.s32 $0x1BF5;
	[smem:$0x3FAE] =	sst s0  }
0x18: {  	s0 =	sld [smem:$0x3F91];
	_ =	swait.ge [sflag:s4], $0x0  }
0x19: {  	s7 =	sld [smem:$0x3F92]  }
0x1a: {  	s8 =	sadd.s32 $0xFFFFE003, lr  }
0x1b: {  	s9 =	sadd.s32 $0xFFFFFEF7, lr;
	s5 =	simm.s32 $0xFFFFFFFF;
	p2 =	slt.u32 s8, $0xFFFFF086  }
0x1c: {  	p1 =	slt.u32 s9, $0xF7A;
	s5 =	simm.s32 @!p2 $0x0  }
0x1d: {  	s5 =	simm.s32 @p1 $0x1;
	p0 =	seq.s32 s7, s2  }
0x1e: {  	s7 =	smul.u32 @!p0 $0xF7A, s2;
	p2 =	seq.s32 @!p0 s5, $0x0  }
0x1f: {  	s9 =	smul.u32 $0xF7A, s1;
	s8 =	simm.s32 @!p0 $0x1BF5;
	p2 =	por !p2, p0  }
0x20: {  	[sflag:s8] =	ssyncset.s32 @!p0 $0xFFFFF086;
	s6 =	sadd.s32 @!p0 s3, s7;
	s7 =	simm.s32 @!p0 $0x108  }
0x21: {  	s3 =	sadd.s32 s3, s9;
	s6 =	sadd.s32 @!p0 $0x88, s6;
	s7 =	simm.s32 @p2 $0x1082  }
0x22: {  	[simem:s7], [sflag:s8] =	dma.local @!p0 [hbm:s6], $0xF7A  }
0x23: {  	s9 =	sor.u32 $0xD0000000, s2;
	s6 =	simm.s32 $0x108;
	_ =	swait.ge @!p0 [sflag:s8], $0x0  }
0x24: {  	s3 =	sadd.s32 $0x88, s3;
	s6 =	simm.s32 @!p1 $0x1082;
	[sflag:s4] =	ssyncset.s32 $0xFFFFF086  }
0x25: {  	[simem:s6], [sflag:s4] =	dma.local [hbm:s3], $0xF7A  }
0x26: {  	[smem:$0x3F92] =	sst s1;
	(tag) =	ssettag s2;
	_ =	strace s9  }
0x27: {  	s1 =	sld [smem:$0x3FA2]  }
0x28: {  	s2 =	sld [smem:$0x3FA3]  }
0x29: {  	s4 =	sld [smem:$0x3FA5]  }
0x2a: {  	p0 =	seq.s32 s5, $0x0;
	s5 =	sld [smem:$0x3FA6]  }
0x2b: {  	s6 =	sld [smem:$0x3FA7]  }
0x2c: {  	s7 =	sld [smem:$0x3FA8]  }
0x2d: {  	s3 =	simm.s32 $0x108;
	s8 =	sld [smem:$0x3FA9]  }
0x2e: {  	s3 =	simm.s32 @!p0 $0x1082;
	s9 =	sld [smem:$0x3FAA]  }
0x2f: {  	lr =	sadd.s32 s0, s3;
	s0 =	sld [smem:$0x3FA1]  }
0x30: {  	s3 =	sld [smem:$0x3FA4]  }
0x31: {  	[smem:$0x3FAD] =	sst s10  }
0x32: {  	s10 =	sld [smem:$0x3FAB];
	_ =	sdelay $0x3  }
0x33: {  	p0 =	seq.s32 s10, $0x1;
	s10 =	sld [smem:$0x3FAD];
	_ =	sdelay $0x3  }
0x34: {  	[smem:$0x3FAD] =	sst s10  }
0x35: {  	s10 =	sld [smem:$0x3FAC];
	_ =	sdelay $0x3  }
0x36: {  	p1 =	seq.s32 s10, $0x1;
	s10 =	sld [smem:$0x3FAD];
	_ =	sdelay $0x3  }
0x37: {  	[smem:$0x3FAD] =	sst s10  }
0x38: {  	s10 =	sld [smem:$0x3FAE]  }
0x39: {  	_ = 	snop;
	(pc) =	sbr.ind lr, $3  }
0x3a: {  	_ = 	snop  }
0x3b: {  	_ = 	snop  }
0x3c: {  	p2 =	seq.s32 s10, $0x1;
	s10 =	sld [smem:$0x3FAD]  }
0x3d: {  	_ =	shalt  }
0x3e: {  	_ =	shalt  }
0x3f: {  	_ =	shalt  }
0x40: {  	_ =	shalt  }
0x41: {  	_ =	shalt  }
0x42: {  	_ =	shalt  }
0x43: {  	_ =	shalt  }
0x44: {  	_ =	shalt  }
0x45: {  	_ =	shalt  }
0x46: {  	_ =	shalt  }
0x47: {  	_ =	shalt  }
0x48: {  	_ =	shalt  }
0x49: {  	_ =	shalt  }
0x4a: {  	_ =	shalt  }
0x4b: {  	_ =	shalt  }
0x4c: {  	_ =	shalt  }
0x4d: {  	_ =	shalt  }
0x4e: {  	_ =	shalt  }
0x4f: {  	_ =	shalt  }
0x50: {  	_ =	shalt  }
0x51: {  	_ =	shalt  }
0x52: {  	_ =	shalt  }
0x53: {  	_ =	shalt  }
0x54: {  	_ =	shalt  }
0x55: {  	_ =	shalt  }
0x56: {  	_ =	shalt  }
0x57: {  	_ =	shalt  }
0x58: {  	_ =	shalt  }
0x59: {  	_ =	shalt  }
0x5a: {  	_ =	shalt  }
0x5b: {  	_ =	shalt  }
0x5c: {  	_ =	shalt  }
0x5d: {  	_ =	shalt  }
0x5e: {  	_ =	shalt  }
0x5f: {  	_ =	shalt  }
0x60: {  	_ =	shalt  }
0x61: {  	_ =	shalt  }
0x62: {  	_ =	shalt  }
0x63: {  	_ =	shalt  }
0x64: {  	_ =	shalt  }
0x65: {  	_ =	shalt  }
0x66: {  	_ =	shalt  }
0x67: {  	_ =	shalt  }
0x68: {  	_ =	shalt  }
0x69: {  	_ =	shalt  }
0x6a: {  	_ =	shalt  }
0x6b: {  	_ =	shalt  }
0x6c: {  	_ =	shalt  }
0x6d: {  	_ =	shalt  }
0x6e: {  	_ =	shalt  }
0x6f: {  	_ =	shalt  }
0x70: {  	_ =	shalt  }
0x71: {  	_ =	shalt  }
0x72: {  	_ =	shalt  }
0x73: {  	_ =	shalt  }
0x74: {  	_ =	shalt  }
0x75: {  	_ =	shalt  }
0x76: {  	_ =	shalt  }
0x77: {  	_ =	shalt  }
0x78: {  	_ =	shalt  }
0x79: {  	_ =	shalt  }
0x7a: {  	_ =	shalt  }
0x7b: {  	_ =	shalt  }
0x7c: {  	_ =	shalt  }
0x7d: {  	_ =	shalt  }
0x7e: {  	_ =	shalt  }
0x7f: {  	_ =	shalt  }
0x80: {  	_ =	shalt  }
0x81: {  	_ =	shalt  }
0x82: {  	_ =	shalt  }
0x83: {  	_ =	shalt  }
0x84: {  	_ =	shalt  }
0x85: {  	_ =	shalt  }
0x86: {  	_ =	shalt  }
0x87: {  	_ =	shalt  }
.Lfunc_end0:
.L_simem_size_0:
called_computation_lowered:
.L_overlay_start_0:
0x88: {  	s2 =	sld [smem:$0x3FD9]  }
0x89: {  	s3 =	sld [smem:$0x3FFE];
	_ =	sdelay $0x1  }
0x8a: {  	s1 =	srdreg.scid  }
0x8b: {  	s0 =	sand.u32 $0x1, s1  }
0x8c: {  	s14 =	sshll.u32 s0, $0xA;
	s2 =	sadd.s32 s3, s2  }
0x8d: {  	s2 =	sadd.s32 s2, s14  }
0x8e: {  	[smem:$0x3FB9] =	sst s2  }
0x8f: {  	_ = 	snop  }
0x90: {  	s2 =	sld [smem:$0x3FD0];
	_ =	sdelay $0x2  }
0x91: {  	s15 =	simm.s32 $0xA;
	s4 =	simm.s32 $0x10  }
0x92: {  	[smem:s4], [sflag:s15] =	dma.local [hbm:s2], $0x1  }
0x93: {  	_ =	swait.eq [sflag:s15], $0x1  }
0x94: {  	[sflag:s15] =	ssyncset.done $0x0  }
0x95: {  	[sflag:s15] =	ssyncadd.s32 $0xFFFFFFFF  }
0x96: {  	s16 =	sld [smem:$0x10];
	(tm) =	ssettm $0x1  }
0x97: {  	s17 =	sld [smem:$0x3FFB];
	_ =	sdelay $0x3  }
0x98: {  	_ =	strace s17  }
0x99: {  	s3 =	sld [smem:$0x3FFC];
	_ =	sdelay $0x3  }
0x9a: {  	_ =	strace s3  }
0x9b: {  	s3 =	sld [smem:$0x3FFD];
	_ =	sdelay $0x3  }
0x9c: {  	_ =	strace s3  }
0x9d: {  	_ =	strace $0x8FFFFFFF  }
0x9e: {  	s18 =	sld [smem:$0x3FDB];
	_ =	sdelay $0x1  }
0x9f: {  	s19 =	simm.s32 $_scs_section_size  }
0xa0: {  	s5 =	simm.s32 $_size__tile_overlayer_lowered;
	s6 =	simm.s32 $_tile_overlayer_lowered  }
0xa1: {  	s22 =	simm.s32 $0x1BFF;
	s21 =	sshll.u32 s6, $0x1;
	s3 =	sadd.s32 s19, s18  }
0xa2: {  	s7 =	simm.s32 $0x0;
	s20 =	sshll.u32 s5, $0x1;
	s5 =	sadd.s32 s21, s3  }
0xa3: {  	[timem:s7], [sflag:s22] =	dma.local [hbm:s5], s20  }
0xa4: {  	_ =	swait.ge [sflag:s22], s20  }
0xa5: {  	s4 =	ssub.s32 $0x0, s20;
	[sflag:s22] =	ssyncset.done $0x0  }
0xa6: {  	[sflag:s22] =	ssyncadd.s32 s4;
	_ =	sdelay $0x1  }
0xa7: {  	s23 =	simm.s32 $0x1B8B  }
0xa8: {  	_ =	swait.ge [sflag:s23], $0x1  }
0xa9: {  	[sflag:s23] =	ssyncset.done $0x0  }
0xaa: {  	s25 =	simm.s32 $0x1B8E;
	s24 =	sld [smem:$0x3FFE];
	[sflag:s23] =	ssyncadd.s32 $0xFFFFFFFF  }
0xab: {  	s26 =	simm.s32 $execute0_lowered;
	[smem:$0x3FD2] =	sst s25  }
0xac: {  	s5 =	sshll.u32 s26, $0x1;
	_ =	strace $0x80000046;
	[dreg:$0x1] =	wrdreg $0xFFFFFFFF  }
0xad: {  	s28 =	simm.s32 $_size_execute0_lowered;
	s3 =	sadd.s32 s3, s5;
	[dreg:$0x0] =	wrdreg $0x0  }
0xae: {  	s5 =	sshll.u32 s28, $0x1;
	[dreg:$0x2] =	wrdreg s3  }
0xaf: {  	[dreg:$0x3] =	wrdreg s5  }
0xb0: {  	[dreg:$0x4] =	wrdreg $0xC0  }
0xb1: {  	_ =	task [dreg:s7], $0x5FFFF  }
0xb2: {  	[dreg:$0x1] =	wrdreg $0xFFFFFFFF  }
0xb3: {  	[dreg:$0x0] =	wrdreg $0x60  }
0xb4: {  	[dreg:$0x2] =	wrdreg s24  }
0xb5: {  	[dreg:$0x3] =	wrdreg s16  }
0xb6: {  	[dreg:$0x4] =	wrdreg $0x84000  }
0xb7: {  	[dreg:$0x5] =	wrdreg $0x9  }
0xb8: {  	_ =	task.clear_ibuf [dreg:s7], $0x6FFFF;
	_ =	strace $0x90000046  }
0xb9: {  	s29 =	simm.s32 $0x9;
	_ =	strace $0x80000048  }
0xba: {  	_ =	swait.ge [sflag:s29], $0x1  }
0xbb: {  	[sflag:s29] =	ssyncadd.s32 $0xFFFFFFFF  }
0xbc: {  	_ =	strace $0x90000048  }
0xbd: {  	_ =	sfence  }
0xbe: {  	s30 =	sld [smem:$0x0];
	_ =	sdelay $0x2  }
0xbf: {  	s31 =	sshll.u32 s1, $0xD;
	s1 =	sshrl.u32 s1, $0x2  }
0xc0: {  	s3 =	sand.u32 $0x4000, s31;
	s1 =	sadd.s32 s1, s30  }
0xc1: {  	s0 =	sor.u32 s3, s0;
	s1 =	sshll.u32 s1, $0x11  }
0xc2: {  	s0 =	sor.u32 s1, s0  }
0xc3: {  	s0 =	sadd.s32 $0x8F2B, s0  }
0xc4: {  	[sflag:s0] =	ssyncadd.remote.s32 $0x1  }
0xc5: {  	_ =	sfence.sel $0xFFFF  }
0xc6: {  	[dreg:$0x0] =	wrdreg $0xFFFFFFFF;
	(pc) =	sbr.abs _section_cstart, $3  }
0xc7: {  	[dreg:$0x1] =	wrdreg $0xFFFFFFFF  }
0xc8: {  	_ =	task.clear_ibuf [dreg:s7], $0x2FFFF;
	_ =	strace $0x9FFFFFFF  }
0xc9: {  	(tm) =	ssettm $0x7FFFFFFF  }
tec
execute0_lowered:
.L_overlay_start_1:
0x0: {  	(tag) =	ssettag $0x1  }
0x1: {  	s0 =	rddreg [dreg:$0x0]  }
0x2: {  	s3 =	rddreg [dreg:$0x1]  }
0x3: {  	s1 =	rddreg [dreg:$0x2]  }
0x4: {  	s2 =	simm.s32 $0x0;
	s4 =	srdreg.scid;
	s14 =	stileid.u32  }
0x5: {  	s28 =	simm.s32 $0x300;
	s29 =	simm.s32 $0x180;
	s30 =	simm.s32 $0x380  }
0x6: {  	s31 =	simm.s32 $0x0;
	[smem:$0x7FF] =	sst s2;
	s6 =	sand.u32 $0x1, s4  }
0x7: {  	s8 =	smul.u32 $0x1C00, s14;
	s4 =	sadd.s32 $0x2E400, s0;
	s10 =	sadd.s32 $0x50000, s0  }
0x8: {  	s17 =	sadd.s32 $0x4E400, s0;
	s19 =	sshll.u32 s14, $0xD;
	s22 =	smul.u32 $0x38000, s14  }
0x9: {  	s20 =	sshll.u32 s14, $0x10;
	s21 =	sshll.u32 s14, $0x6;
	s24 =	smul.u32 $0x1C0, s14  }
0xa: {  	s25 =	sshll.u32 s14, $0x9;
	s7 =	smul.u32 $0x1C00, s6;
	_ =	strace $0x80000047  }
0xb: {  	s5 =	sshll.u32 s6, $0xD;
	s9 =	smul.u32 $0x1C000, s6;
	[dreg:$0x4] =	wrdreg s10  }
0xc: {  	s16 =	ssub.s32 $0x2, s6;
	[dreg:$0x5] =	wrdreg s17;
	s17 =	sadd.s32 s20, s1  }
0xd: {  	s6 =	sshll.u32 s6, $0x11;
	s3 =	sadd.s32 s3, s19;
	s19 =	simm.s32 $0x200  }
0xe: {  	s20 =	simm.s32 $0x80;
	s13 =	sadd.s32 s5, s0;
	s5 =	sadd.s32 $0x12400, s0  }
0xf: {  	s18 =	sshrl.u32 s16, $0x1;
	s3 =	sadd.s32 s6, s3;
	s23 =	sshrl.u32 s22, $0x2  }
0x10: {  	s17 =	sshrl.u32 s17, $0x3;
	s22 =	simm.s32 $0x1;
	s7 =	sadd.s32 s7, s0  }
0x11: {  	s8 =	sadd.s32 s8, s9;
	s12 =	ssub.s32 s16, s18;
	[dreg:$0x6] =	wrdreg s3  }
0x12: {  	s3 =	sadd.s32 s23, s1;
	s18 =	simm.s32 $0x3;
	s23 =	simm.s32 $0x4400  }
0x13: {  	s0 =	sadd.s32 s8, s0;
	s8 =	sor.u32 $0x1C03, s21;
	[dreg:$0x7] =	wrdreg s3  }
0x14: {  	s12 =	smax.u32 s12, $0x1;
	s26 =	sadd.s32 s24, s7;
	s21 =	simm.s32 $0x400  }
0x15: {  	s24 =	simm.s32 $0x280;
	s11 =	sadd.s32 $0x52000, s0;
	s0 =	sadd.s32 s25, s13  }
0x16: {  	s15 =	sadd.s32 $0x6C00, s26;
	s16 =	sadd.s32 $0x3400, s26;
	s25 =	simm.s32 $0x2  }
0x17: {  	s26 =	simm.s32 $0x100;
	s13 =	sadd.s32 $0xE400, s0;
	s14 =	sadd.s32 $0xA400, s0  }
.LBB2_1:
0x18: {  	s0 =	rddreg [dreg:$0x4]  }
0x19: {  	[spmem:s17], [sflag:s8] =	dma.local [hbm:s0], $0x2000  }
0x1a: {  	_ =	swait.ge [sflag:s18], $0x2000  }
0x1b: {  	[sflag:s18] =	ssyncset.done $0x0  }
0x1c: {  	[sflag:s18] =	ssyncadd.s32 $0xFFFFE000  }
0x1d: {  	s9 =	sadd.s32 $0x0, s13;
	[bflag:$0x0] =	sbarrier.arrive $0xFFFF  }
0x1e: {  	[tilespmem:s2], [sflag:$0x3] =	stream.linear.gather [hbm4b:s9+s2], $0x200, $0x38;
	[tilespmem:$0x18400] =	vst v63  }
0x1f: {  	_ =	swait.ge [sflag:s18], $0x200  }
0x20: {  	[sflag:s18] =	ssyncset.done $0x0  }
0x21: {  	s10 =	sadd.s32 $0x0, s14;
	[sflag:s18] =	ssyncadd.s32 $0xFFFFFE00  }
0x22: {  	[tilespmem:s19], [sflag:$0x3] =	stream.linear.gather [hbm4b:s10+s2], $0x200, $0x38;
	[tilespmem:$0x18400] =	vst v63  }
0x23: {  	_ =	swait.ge [sflag:s18], $0x200  }
0x24: {  	[sflag:s18] =	ssyncset.done $0x0  }
0x25: {  	[sflag:s18] =	ssyncadd.s32 $0xFFFFFE00  }
0x26: {  	[tilespmem:s21], [sflag:$0x1] =	stream.indirect.gather [hbm4b:s4+s20], $0x80, s2, s20, $0xb8;
	[tilespmem:$0x18400] =	vst v63  }
0x27: {  	_ =	swait.ge [sflag:s22], $0x4000  }
0x28: {  	[sflag:s22] =	ssyncset.done $0x0  }
0x29: {  	[sflag:s22] =	ssyncadd.s32 $0xFFFFC000  }
0x2a: {  	[spmem:s1] =	stream.indirect.scatter.add.f32 [tilespmem:s21], [sflag:$0x2], $0x80, s19, s20, $0xb8;
	[tilespmem:$0x18400] =	vst v63  }
0x2b: {  	_ = 	snop  }
0x2c: {  	[tilespmem:s23], [sflag:$0x1] =	stream.indirect.gather [hbm4b:s4+s20], $0x80, s20, s20, $0xb8;
	[tilespmem:$0x18400] =	vst v63  }
0x2d: {  	_ =	swait.ge [sflag:s22], $0x4000  }
0x2e: {  	[sflag:s22] =	ssyncset.done $0x0  }
0x2f: {  	[sflag:s22] =	ssyncadd.s32 $0xFFFFC000  }
0x30: {  	[spmem:s1] =	stream.indirect.scatter.add.f32 [tilespmem:s23], [sflag:$0x2], $0x80, s24, s20, $0xb8;
	[tilespmem:$0x18400] =	vst v63  }
0x31: {  	_ =	swait.ge [sflag:s25], $0x4000  }
0x32: {  	[sflag:s25] =	ssyncset.done $0x0  }
0x33: {  	[sflag:s25] =	ssyncadd.s32 $0xFFFFC000  }
0x34: {  	[tilespmem:s21], [sflag:$0x1] =	stream.indirect.gather [hbm4b:s4+s20], $0x80, s26, s20, $0xb8;
	[tilespmem:$0x18400] =	vst v63  }
0x35: {  	_ =	swait.ge [sflag:s22], $0x4000  }
0x36: {  	[sflag:s22] =	ssyncset.done $0x0  }
0x37: {  	[sflag:s22] =	ssyncadd.s32 $0xFFFFC000  }
0x38: {  	[spmem:s1] =	stream.indirect.scatter.add.f32 [tilespmem:s21], [sflag:$0x2], $0x80, s28, s20, $0xb8;
	[tilespmem:$0x18400] =	vst v63  }
0x39: {  	_ =	swait.ge [sflag:s25], $0x4000  }
0x3a: {  	[sflag:s25] =	ssyncset.done $0x0  }
0x3b: {  	[sflag:s25] =	ssyncadd.s32 $0xFFFFC000  }
0x3c: {  	[tilespmem:s23], [sflag:$0x1] =	stream.indirect.gather [hbm4b:s4+s20], $0x80, s29, s20, $0xb8;
	[tilespmem:$0x18400] =	vst v63  }
0x3d: {  	_ =	swait.ge [sflag:s22], $0x4000  }
0x3e: {  	[sflag:s22] =	ssyncset.done $0x0  }
0x3f: {  	[sflag:s22] =	ssyncadd.s32 $0xFFFFC000  }
0x40: {  	[spmem:s1] =	stream.indirect.scatter.add.f32 [tilespmem:s23], [sflag:$0x2], $0x80, s30, s20, $0xb8;
	[tilespmem:$0x18400] =	vst v63  }
0x41: {  	_ =	swait.ge [sflag:s25], $0x4000  }
0x42: {  	[sflag:s25] =	ssyncset.done $0x0  }
0x43: {  	[sflag:s25] =	ssyncadd.s32 $0xFFFFC000  }
0x44: {  	_ =	swait.ge [sflag:s25], $0x4000  }
0x45: {  	s6 =	simm.s32 $0x80;
	s0 =	simm.s32 $0x40;
	[sflag:s25] =	ssyncset.done $0x0  }
.LBB2_2:
0x46: {  	s7 =	sadd.s32 s0, s13  }
0x47: {  	[sflag:s25] =	ssyncadd.s32 $0xFFFFC000;
	s9 =	smov.u32 s6;
	s3 =	sadd.s32 $0x40, s6  }
0x48: {  	[tilespmem:s2], [sflag:$0x3] =	stream.linear.gather [hbm4b:s7+s2], $0x200, $0x38;
	[tilespmem:$0x18400] =	vst v63  }
0x49: {  	p0 =	sne.s32 s6, $0x1C0;
	_ =	swait.ge [sflag:s18], $0x200  }
0x4a: {  	[sflag:s18] =	ssyncset.done $0x0  }
0x4b: {  	s6 =	sadd.s32 s0, s14;
	s0 =	smov.u32 s9;
	[sflag:s18] =	ssyncadd.s32 $0xFFFFFE00  }
0x4c: {  	[tilespmem:s19], [sflag:$0x3] =	stream.linear.gather [hbm4b:s6+s2], $0x200, $0x38;
	[tilespmem:$0x18400] =	vst v63  }
0x4d: {  	_ =	swait.ge [sflag:s18], $0x200  }
0x4e: {  	[sflag:s18] =	ssyncset.done $0x0  }
0x4f: {  	[sflag:s18] =	ssyncadd.s32 $0xFFFFFE00  }
0x50: {  	[tilespmem:s21], [sflag:$0x1] =	stream.indirect.gather [hbm4b:s4+s20], $0x80, s2, s20, $0xb8;
	[tilespmem:$0x18400] =	vst v63  }
0x51: {  	_ =	swait.ge [sflag:s22], $0x4000  }
0x52: {  	[sflag:s22] =	ssyncset.done $0x0  }
0x53: {  	[sflag:s22] =	ssyncadd.s32 $0xFFFFC000  }
0x54: {  	[spmem:s1] =	stream.indirect.scatter.add.f32 [tilespmem:s21], [sflag:$0x2], $0x80, s19, s20, $0xb8;
	[tilespmem:$0x18400] =	vst v63  }
0x55: {  	_ = 	snop  }
0x56: {  	[tilespmem:s23], [sflag:$0x1] =	stream.indirect.gather [hbm4b:s4+s20], $0x80, s20, s20, $0xb8;
	[tilespmem:$0x18400] =	vst v63  }
0x57: {  	_ =	swait.ge [sflag:s22], $0x4000  }
0x58: {  	[sflag:s22] =	ssyncset.done $0x0  }
0x59: {  	[sflag:s22] =	ssyncadd.s32 $0xFFFFC000  }
0x5a: {  	[spmem:s1] =	stream.indirect.scatter.add.f32 [tilespmem:s23], [sflag:$0x2], $0x80, s24, s20, $0xb8;
	[tilespmem:$0x18400] =	vst v63  }
0x5b: {  	_ =	swait.ge [sflag:s25], $0x4000  }
0x5c: {  	[sflag:s25] =	ssyncset.done $0x0  }
0x5d: {  	[sflag:s25] =	ssyncadd.s32 $0xFFFFC000  }
0x5e: {  	[tilespmem:s21], [sflag:$0x1] =	stream.indirect.gather [hbm4b:s4+s20], $0x80, s26, s20, $0xb8;
	[tilespmem:$0x18400] =	vst v63  }
0x5f: {  	_ =	swait.ge [sflag:s22], $0x4000  }
0x60: {  	[sflag:s22] =	ssyncset.done $0x0  }
0x61: {  	[sflag:s22] =	ssyncadd.s32 $0xFFFFC000  }
0x62: {  	[spmem:s1] =	stream.indirect.scatter.add.f32 [tilespmem:s21], [sflag:$0x2], $0x80, s28, s20, $0xb8;
	[tilespmem:$0x18400] =	vst v63  }
0x63: {  	_ =	swait.ge [sflag:s25], $0x4000  }
0x64: {  	[sflag:s25] =	ssyncset.done $0x0  }
0x65: {  	[sflag:s25] =	ssyncadd.s32 $0xFFFFC000  }
0x66: {  	[tilespmem:s23], [sflag:$0x1] =	stream.indirect.gather [hbm4b:s4+s20], $0x80, s29, s20, $0xb8;
	[tilespmem:$0x18400] =	vst v63  }
0x67: {  	_ =	swait.ge [sflag:s22], $0x4000  }
0x68: {  	[sflag:s22] =	ssyncset.done $0x0  }
0x69: {  	[sflag:s22] =	ssyncadd.s32 $0xFFFFC000  }
0x6a: {  	[spmem:s1] =	stream.indirect.scatter.add.f32 [tilespmem:s23], [sflag:$0x2], $0x80, s30, s20, $0xb8;
	[tilespmem:$0x18400] =	vst v63  }
.Ltmp0:
0x6b: {  	_ =	swait.ge [sflag:s25], $0x4000;
	(pc) =	sbr.rel @p0 .LBB2_2-.Ltmp0, $4  }
0x6c: {  	[sflag:s25] =	ssyncset.done $0x0  }
0x6d: {  	[sflag:s25] =	ssyncadd.s32 $0xFFFFC000  }
0x6e: {  	_ =	swait.ge [sflag:s25], $0x4000  }
0x6f: {  	s6 =	smov.u32 s3;
	[sflag:s25] =	ssyncset.done $0x0  }
0x70: {  	s3 =	sadd.s32 s0, s13;
	[sflag:s25] =	ssyncadd.s32 $0xFFFFC000  }
0x71: {  	[tilespmem:s2], [sflag:$0x3] =	stream.linear.gather [hbm4b:s3+s2], $0x200, $0x38;
	[tilespmem:$0x18400] =	vst v63  }
0x72: {  	_ =	swait.ge [sflag:s18], $0x200  }
0x73: {  	[sflag:s18] =	ssyncset.done $0x0  }
0x74: {  	s10 =	sadd.s32 s0, s14;
	[sflag:s18] =	ssyncadd.s32 $0xFFFFFE00  }
0x75: {  	[tilespmem:s19], [sflag:$0x3] =	stream.linear.gather [hbm4b:s10+s2], $0x200, $0x38;
	[tilespmem:$0x18400] =	vst v63  }
0x76: {  	_ =	swait.ge [sflag:s18], $0x200  }
0x77: {  	[sflag:s18] =	ssyncset.done $0x0  }
0x78: {  	[sflag:s18] =	ssyncadd.s32 $0xFFFFFE00  }
0x79: {  	[tilespmem:s21], [sflag:$0x1] =	stream.indirect.gather [hbm4b:s4+s20], $0x80, s2, s20, $0xb8;
	[tilespmem:$0x18400] =	vst v63  }
0x7a: {  	_ =	swait.ge [sflag:s22], $0x4000  }
0x7b: {  	[sflag:s22] =	ssyncset.done $0x0  }
0x7c: {  	[sflag:s22] =	ssyncadd.s32 $0xFFFFC000  }
0x7d: {  	[spmem:s1] =	stream.indirect.scatter.add.f32 [tilespmem:s21], [sflag:$0x2], $0x80, s19, s20, $0xb8;
	[tilespmem:$0x18400] =	vst v63  }
0x7e: {  	_ = 	snop  }
0x7f: {  	[tilespmem:s23], [sflag:$0x1] =	stream.indirect.gather [hbm4b:s4+s20], $0x80, s20, s20, $0xb8;
	[tilespmem:$0x18400] =	vst v63  }
0x80: {  	_ =	swait.ge [sflag:s22], $0x4000  }
0x81: {  	[sflag:s22] =	ssyncset.done $0x0  }
0x82: {  	[sflag:s22] =	ssyncadd.s32 $0xFFFFC000  }
0x83: {  	[spmem:s1] =	stream.indirect.scatter.add.f32 [tilespmem:s23], [sflag:$0x2], $0x80, s24, s20, $0xb8;
	[tilespmem:$0x18400] =	vst v63  }
0x84: {  	_ =	swait.ge [sflag:s25], $0x4000  }
0x85: {  	[sflag:s25] =	ssyncset.done $0x0  }
0x86: {  	[sflag:s25] =	ssyncadd.s32 $0xFFFFC000  }
0x87: {  	[tilespmem:s21], [sflag:$0x1] =	stream.indirect.gather [hbm4b:s4+s20], $0x80, s26, s20, $0xb8;
	[tilespmem:$0x18400] =	vst v63  }
0x88: {  	_ =	swait.ge [sflag:s22], $0x4000  }
0x89: {  	[sflag:s22] =	ssyncset.done $0x0  }
0x8a: {  	[sflag:s22] =	ssyncadd.s32 $0xFFFFC000  }
0x8b: {  	[spmem:s1] =	stream.indirect.scatter.add.f32 [tilespmem:s21], [sflag:$0x2], $0x80, s28, s20, $0xb8;
	[tilespmem:$0x18400] =	vst v63  }
0x8c: {  	_ =	swait.ge [sflag:s25], $0x4000  }
0x8d: {  	[sflag:s25] =	ssyncset.done $0x0  }
0x8e: {  	[sflag:s25] =	ssyncadd.s32 $0xFFFFC000  }
0x8f: {  	[tilespmem:s23], [sflag:$0x1] =	stream.indirect.gather [hbm4b:s4+s20], $0x80, s29, s20, $0xb8;
	[tilespmem:$0x18400] =	vst v63  }
0x90: {  	_ =	swait.ge [sflag:s22], $0x4000  }
0x91: {  	[sflag:s22] =	ssyncset.done $0x0  }
0x92: {  	[sflag:s22] =	ssyncadd.s32 $0xFFFFC000  }
0x93: {  	[spmem:s1] =	stream.indirect.scatter.add.f32 [tilespmem:s23], [sflag:$0x2], $0x80, s30, s20, $0xb8;
	[tilespmem:$0x18400] =	vst v63  }
0x94: {  	_ =	swait.ge [sflag:s25], $0x4000  }
0x95: {  	[sflag:s25] =	ssyncset.done $0x0  }
0x96: {  	[sflag:s25] =	ssyncadd.s32 $0xFFFFC000  }
0x97: {  	_ =	swait.ge [sflag:s25], $0x4000  }
0x98: {  	[sflag:s25] =	ssyncset.done $0x0  }
0x99: {  	[sflag:s25] =	ssyncadd.s32 $0xFFFFC000  }
0x9a: {  	[bflag:$0x0] =	sbarrier.arrive $0xFFFF  }
0x9b: {  	s3 =	rddreg [dreg:$0x6]  }
0x9c: {  	[hbm:s3], [sflag:s8] =	dma.local [spmem:s17], $0x2000  }
0x9d: {  	_ =	swait.ge [sflag:s18], $0x2000  }
0x9e: {  	[sflag:s18] =	ssyncset.done $0x0  }
0x9f: {  	[sflag:s18] =	ssyncadd.s32 $0xFFFFE000  }
0xa0: {  	[bflag:$0x0] =	sbarrier.arrive $0xFFFF  }
0xa1: {  	s6 =	rddreg [dreg:$0x7]  }
0xa2: {  	s7 =	rddreg [dreg:$0x5];
	s0 =	sshrl.u32 s6, $0x3  }
0xa3: {  	[spmem:s0], [sflag:s8] =	dma.local [hbm:s7], $0x1C00  }
0xa4: {  	_ =	swait.ge [sflag:s18], $0x1C00  }
0xa5: {  	[sflag:s18] =	ssyncset.done $0x0  }
0xa6: {  	[sflag:s18] =	ssyncadd.s32 $0xFFFFE400  }
0xa7: {  	s9 =	sadd.s32 $0x0, s15;
	[bflag:$0x0] =	sbarrier.arrive $0xFFFF  }
0xa8: {  	[tilespmem:s2], [sflag:$0x3] =	stream.linear.gather [hbm4b:s9+s2], $0x200, $0x38;
	[tilespmem:$0x18400] =	vst v63  }
0xa9: {  	_ =	swait.ge [sflag:s18], $0x200  }
0xaa: {  	[sflag:s18] =	ssyncset.done $0x0  }
0xab: {  	s10 =	sadd.s32 $0x0, s16;
	[sflag:s18] =	ssyncadd.s32 $0xFFFFFE00  }
0xac: {  	[tilespmem:s19], [sflag:$0x3] =	stream.linear.gather [hbm4b:s10+s2], $0x200, $0x38;
	[tilespmem:$0x18400] =	vst v63  }
0xad: {  	_ =	swait.ge [sflag:s18], $0x200  }
0xae: {  	[sflag:s18] =	ssyncset.done $0x0  }
0xaf: {  	[sflag:s18] =	ssyncadd.s32 $0xFFFFFE00  }
0xb0: {  	[tilespmem:s21], [sflag:$0x1] =	stream.indirect.gather [hbm4b:s5+s20], $0x80, s2, s20, $0xb8;
	[tilespmem:$0x18400] =	vst v63  }
0xb1: {  	_ =	swait.ge [sflag:s22], $0x4000  }
0xb2: {  	[sflag:s22] =	ssyncset.done $0x0  }
0xb3: {  	[sflag:s22] =	ssyncadd.s32 $0xFFFFC000  }
0xb4: {  	[spmem:s1] =	stream.indirect.scatter.add.f32 [tilespmem:s21], [sflag:$0x2], $0x80, s19, s20, $0xb8;
	[tilespmem:$0x18400] =	vst v63  }
0xb5: {  	_ = 	snop  }
0xb6: {  	[tilespmem:s23], [sflag:$0x1] =	stream.indirect.gather [hbm4b:s5+s20], $0x80, s20, s20, $0xb8;
	[tilespmem:$0x18400] =	vst v63  }
0xb7: {  	_ =	swait.ge [sflag:s22], $0x4000  }
0xb8: {  	[sflag:s22] =	ssyncset.done $0x0  }
0xb9: {  	[sflag:s22] =	ssyncadd.s32 $0xFFFFC000  }
0xba: {  	[spmem:s1] =	stream.indirect.scatter.add.f32 [tilespmem:s23], [sflag:$0x2], $0x80, s24, s20, $0xb8;
	[tilespmem:$0x18400] =	vst v63  }
0xbb: {  	_ =	swait.ge [sflag:s25], $0x4000  }
0xbc: {  	[sflag:s25] =	ssyncset.done $0x0  }
0xbd: {  	[sflag:s25] =	ssyncadd.s32 $0xFFFFC000  }
0xbe: {  	[tilespmem:s21], [sflag:$0x1] =	stream.indirect.gather [hbm4b:s5+s20], $0x80, s26, s20, $0xb8;
	[tilespmem:$0x18400] =	vst v63  }
0xbf: {  	_ =	swait.ge [sflag:s22], $0x4000  }
0xc0: {  	[sflag:s22] =	ssyncset.done $0x0  }
0xc1: {  	[sflag:s22] =	ssyncadd.s32 $0xFFFFC000  }
0xc2: {  	[spmem:s1] =	stream.indirect.scatter.add.f32 [tilespmem:s21], [sflag:$0x2], $0x80, s28, s20, $0xb8;
	[tilespmem:$0x18400] =	vst v63  }
0xc3: {  	_ =	swait.ge [sflag:s25], $0x4000  }
0xc4: {  	[sflag:s25] =	ssyncset.done $0x0  }
0xc5: {  	[sflag:s25] =	ssyncadd.s32 $0xFFFFC000  }
0xc6: {  	[tilespmem:s23], [sflag:$0x1] =	stream.indirect.gather [hbm4b:s5+s20], $0x80, s29, s20, $0xb8;
	[tilespmem:$0x18400] =	vst v63  }
0xc7: {  	_ =	swait.ge [sflag:s22], $0x4000  }
0xc8: {  	[sflag:s22] =	ssyncset.done $0x0  }
0xc9: {  	[sflag:s22] =	ssyncadd.s32 $0xFFFFC000  }
0xca: {  	[spmem:s1] =	stream.indirect.scatter.add.f32 [tilespmem:s23], [sflag:$0x2], $0x80, s30, s20, $0xb8;
	[tilespmem:$0x18400] =	vst v63  }
0xcb: {  	_ =	swait.ge [sflag:s25], $0x4000  }
0xcc: {  	[sflag:s25] =	ssyncset.done $0x0  }
0xcd: {  	[sflag:s25] =	ssyncadd.s32 $0xFFFFC000  }
0xce: {  	_ =	swait.ge [sflag:s25], $0x4000  }
0xcf: {  	s3 =	simm.s32 $0x40;
	s6 =	simm.s32 $0x80;
	[sflag:s25] =	ssyncset.done $0x0  }
.LBB2_4:
0xd0: {  	s9 =	sadd.s32 s3, s15  }
0xd1: {  	[sflag:s25] =	ssyncadd.s32 $0xFFFFC000;
	s10 =	smov.u32 s6;
	s7 =	sadd.s32 $0x40, s6  }
0xd2: {  	[tilespmem:s2], [sflag:$0x3] =	stream.linear.gather [hbm4b:s9+s2], $0x200, $0x38;
	[tilespmem:$0x18400] =	vst v63  }
0xd3: {  	p0 =	sne.s32 s6, $0x180;
	_ =	swait.ge [sflag:s18], $0x200  }
0xd4: {  	[sflag:s18] =	ssyncset.done $0x0  }
0xd5: {  	s6 =	sadd.s32 s3, s16;
	s3 =	smov.u32 s10;
	[sflag:s18] =	ssyncadd.s32 $0xFFFFFE00  }
0xd6: {  	[tilespmem:s19], [sflag:$0x3] =	stream.linear.gather [hbm4b:s6+s2], $0x200, $0x38;
	[tilespmem:$0x18400] =	vst v63  }
0xd7: {  	_ =	swait.ge [sflag:s18], $0x200  }
0xd8: {  	[sflag:s18] =	ssyncset.done $0x0  }
0xd9: {  	[sflag:s18] =	ssyncadd.s32 $0xFFFFFE00  }
0xda: {  	[tilespmem:s21], [sflag:$0x1] =	stream.indirect.gather [hbm4b:s5+s20], $0x80, s2, s20, $0xb8;
	[tilespmem:$0x18400] =	vst v63  }
0xdb: {  	_ =	swait.ge [sflag:s22], $0x4000  }
0xdc: {  	[sflag:s22] =	ssyncset.done $0x0  }
0xdd: {  	[sflag:s22] =	ssyncadd.s32 $0xFFFFC000  }
0xde: {  	[spmem:s1] =	stream.indirect.scatter.add.f32 [tilespmem:s21], [sflag:$0x2], $0x80, s19, s20, $0xb8;
	[tilespmem:$0x18400] =	vst v63  }
0xdf: {  	_ = 	snop  }
0xe0: {  	[tilespmem:s23], [sflag:$0x1] =	stream.indirect.gather [hbm4b:s5+s20], $0x80, s20, s20, $0xb8;
	[tilespmem:$0x18400] =	vst v63  }
0xe1: {  	_ =	swait.ge [sflag:s22], $0x4000  }
0xe2: {  	[sflag:s22] =	ssyncset.done $0x0  }
0xe3: {  	[sflag:s22] =	ssyncadd.s32 $0xFFFFC000  }
0xe4: {  	[spmem:s1] =	stream.indirect.scatter.add.f32 [tilespmem:s23], [sflag:$0x2], $0x80, s24, s20, $0xb8;
	[tilespmem:$0x18400] =	vst v63  }
0xe5: {  	_ =	swait.ge [sflag:s25], $0x4000  }
0xe6: {  	[sflag:s25] =	ssyncset.done $0x0  }
0xe7: {  	[sflag:s25] =	ssyncadd.s32 $0xFFFFC000  }
0xe8: {  	[tilespmem:s21], [sflag:$0x1] =	stream.indirect.gather [hbm4b:s5+s20], $0x80, s26, s20, $0xb8;
	[tilespmem:$0x18400] =	vst v63  }
0xe9: {  	_ =	swait.ge [sflag:s22], $0x4000  }
0xea: {  	[sflag:s22] =	ssyncset.done $0x0  }
0xeb: {  	[sflag:s22] =	ssyncadd.s32 $0xFFFFC000  }
0xec: {  	[spmem:s1] =	stream.indirect.scatter.add.f32 [tilespmem:s21], [sflag:$0x2], $0x80, s28, s20, $0xb8;
	[tilespmem:$0x18400] =	vst v63  }
0xed: {  	_ =	swait.ge [sflag:s25], $0x4000  }
0xee: {  	[sflag:s25] =	ssyncset.done $0x0  }
0xef: {  	[sflag:s25] =	ssyncadd.s32 $0xFFFFC000  }
0xf0: {  	[tilespmem:s23], [sflag:$0x1] =	stream.indirect.gather [hbm4b:s5+s20], $0x80, s29, s20, $0xb8;
	[tilespmem:$0x18400] =	vst v63  }
0xf1: {  	_ =	swait.ge [sflag:s22], $0x4000  }
0xf2: {  	[sflag:s22] =	ssyncset.done $0x0  }
0xf3: {  	[sflag:s22] =	ssyncadd.s32 $0xFFFFC000  }
0xf4: {  	[spmem:s1] =	stream.indirect.scatter.add.f32 [tilespmem:s23], [sflag:$0x2], $0x80, s30, s20, $0xb8;
	[tilespmem:$0x18400] =	vst v63  }
.Ltmp1:
0xf5: {  	_ =	swait.ge [sflag:s25], $0x4000;
	(pc) =	sbr.rel @p0 .LBB2_4-.Ltmp1, $4  }
0xf6: {  	[sflag:s25] =	ssyncset.done $0x0  }
0xf7: {  	[sflag:s25] =	ssyncadd.s32 $0xFFFFC000  }
0xf8: {  	_ =	swait.ge [sflag:s25], $0x4000  }
0xf9: {  	s6 =	smov.u32 s7;
	[sflag:s25] =	ssyncset.done $0x0  }
0xfa: {  	s6 =	sadd.s32 s3, s15;
	[sflag:s25] =	ssyncadd.s32 $0xFFFFC000  }
0xfb: {  	[tilespmem:s2], [sflag:$0x3] =	stream.linear.gather [hbm4b:s6+s2], $0x200, $0x38;
	[tilespmem:$0x18400] =	vst v63  }
0xfc: {  	_ =	swait.ge [sflag:s18], $0x200  }
0xfd: {  	[sflag:s18] =	ssyncset.done $0x0  }
0xfe: {  	s10 =	sadd.s32 s3, s16;
	[sflag:s18] =	ssyncadd.s32 $0xFFFFFE00  }
0xff: {  	[tilespmem:s19], [sflag:$0x3] =	stream.linear.gather [hbm4b:s10+s2], $0x200, $0x38;
	[tilespmem:$0x18400] =	vst v63  }
0x100: {  	_ =	swait.ge [sflag:s18], $0x200  }
0x101: {  	[sflag:s18] =	ssyncset.done $0x0  }
0x102: {  	[sflag:s18] =	ssyncadd.s32 $0xFFFFFE00  }
0x103: {  	[tilespmem:s21], [sflag:$0x1] =	stream.indirect.gather [hbm4b:s5+s20], $0x80, s2, s20, $0xb8;
	[tilespmem:$0x18400] =	vst v63  }
0x104: {  	_ =	swait.ge [sflag:s22], $0x4000  }
0x105: {  	[sflag:s22] =	ssyncset.done $0x0  }
0x106: {  	[sflag:s22] =	ssyncadd.s32 $0xFFFFC000  }
0x107: {  	[spmem:s1] =	stream.indirect.scatter.add.f32 [tilespmem:s21], [sflag:$0x2], $0x80, s19, s20, $0xb8;
	[tilespmem:$0x18400] =	vst v63  }
0x108: {  	_ = 	snop  }
0x109: {  	[tilespmem:s23], [sflag:$0x1] =	stream.indirect.gather [hbm4b:s5+s20], $0x80, s20, s20, $0xb8;
	[tilespmem:$0x18400] =	vst v63  }
0x10a: {  	_ =	swait.ge [sflag:s22], $0x4000  }
0x10b: {  	[sflag:s22] =	ssyncset.done $0x0  }
0x10c: {  	[sflag:s22] =	ssyncadd.s32 $0xFFFFC000  }
0x10d: {  	[spmem:s1] =	stream.indirect.scatter.add.f32 [tilespmem:s23], [sflag:$0x2], $0x80, s24, s20, $0xb8;
	[tilespmem:$0x18400] =	vst v63  }
0x10e: {  	_ =	swait.ge [sflag:s25], $0x4000  }
0x10f: {  	[sflag:s25] =	ssyncset.done $0x0  }
0x110: {  	[sflag:s25] =	ssyncadd.s32 $0xFFFFC000  }
0x111: {  	[tilespmem:s21], [sflag:$0x1] =	stream.indirect.gather [hbm4b:s5+s20], $0x80, s26, s20, $0xb8;
	[tilespmem:$0x18400] =	vst v63  }
0x112: {  	_ =	swait.ge [sflag:s22], $0x4000  }
0x113: {  	[sflag:s22] =	ssyncset.done $0x0  }
0x114: {  	[sflag:s22] =	ssyncadd.s32 $0xFFFFC000  }
0x115: {  	[spmem:s1] =	stream.indirect.scatter.add.f32 [tilespmem:s21], [sflag:$0x2], $0x80, s28, s20, $0xb8;
	[tilespmem:$0x18400] =	vst v63  }
0x116: {  	_ =	swait.ge [sflag:s25], $0x4000  }
0x117: {  	[sflag:s25] =	ssyncset.done $0x0  }
0x118: {  	[sflag:s25] =	ssyncadd.s32 $0xFFFFC000  }
0x119: {  	[tilespmem:s23], [sflag:$0x1] =	stream.indirect.gather [hbm4b:s5+s20], $0x80, s29, s20, $0xb8;
	[tilespmem:$0x18400] =	vst v63  }
0x11a: {  	_ =	swait.ge [sflag:s22], $0x4000  }
0x11b: {  	[sflag:s22] =	ssyncset.done $0x0  }
0x11c: {  	[sflag:s22] =	ssyncadd.s32 $0xFFFFC000  }
0x11d: {  	[spmem:s1] =	stream.indirect.scatter.add.f32 [tilespmem:s23], [sflag:$0x2], $0x80, s30, s20, $0xb8;
	[tilespmem:$0x18400] =	vst v63  }
0x11e: {  	_ =	swait.ge [sflag:s25], $0x4000  }
0x11f: {  	[sflag:s25] =	ssyncset.done $0x0  }
0x120: {  	[sflag:s25] =	ssyncadd.s32 $0xFFFFC000  }
0x121: {  	_ =	swait.ge [sflag:s25], $0x4000  }
0x122: {  	[sflag:s25] =	ssyncset.done $0x0  }
0x123: {  	s31 =	sadd.s32 $0x1, s31;
	[sflag:s25] =	ssyncadd.s32 $0xFFFFC000  }
0x124: {  	p0 =	sne.s32 s31, s12;
	[bflag:$0x0] =	sbarrier.arrive $0xFFFF  }
0x125: {  	[hbm:s11], [sflag:s8] =	dma.local [spmem:s0], $0x1C00  }
.Ltmp2:
0x126: {  	_ =	swait.ge [sflag:s18], $0x1C00;
	(pc) =	sbr.rel @p0 .LBB2_1-.Ltmp2, $3  }
0x127: {  	[sflag:s18] =	ssyncset.done $0x0  }
0x128: {  	[sflag:s18] =	ssyncadd.s32 $0xFFFFE400  }
0x129: {  	[bflag:$0x0] =	sbarrier.arrive $0xFFFF;
	_ =	sdelay $0x1  }
0x12a: {  	_ =	sfence.sel $0x180000  }
0x12b: {  	[bflag:$0x0] =	sbarrier.arrive $0xFFFF  }
0x12c: {  	_ =	strace $0x90000047  }
0x12d: {  	s0 =	stileid.u32;
	[bflag:$0x2] =	sbarrier.arrive $0xFFFF  }
0x12e: {  	p0 =	sne.s32 s0, $0x0;
	s0 =	rddreg [dreg:$0x3]  }
0x12f: {  	s0 =	sadd.s32 @!p0 $0x100000, s0  }
0x130: {  	[sflag:s0] =	ssyncadd.tile.s32 @!p0 $0x1;
	_ =	shalt  }
.Lfunc_end2:
_tile_overlayer_lowered:
.L_overlay_start_2:
0x131: {  	(tag) =	ssettag $0x2  }
0x132: {  	s0 =	rddreg [dreg:$0x0];
	s2 =	stileid.u32  }
0x133: {  	s1 =	rddreg [dreg:$0x1];
	p0 =	sne.s32 s2, $0x0  }
0x134: {  	s3 =	rddreg [dreg:$0x2];
	[bflag:$0x3] =	sbarrier.arrive $0xFFFF;
	s2 =	simm.s32 @!p0 $0x1C03  }
0x135: {  	[timem:s3], [sflag:s2] =	dma.local @!p0 [hbm:s0], s1  }
0x136: {  	s0 =	simm.s32 @!p0 $0x3  }
0x137: {  	_ =	swait.ge @!p0 [sflag:s0], s1  }
0x138: {  	s1 =	ssub.s32 @!p0 $0x0, s1;
	[sflag:s0] =	ssyncset.done @!p0 $0x0  }
0x139: {  	[sflag:s0] =	ssyncadd.s32 @!p0 s1  }
0x13a: {  	[bflag:$0x3] =	sbarrier.arrive $0xFFFF  }
0x13b: {  	_ =	shalt  }

</sc_bundles>
